<compile_context>
chip_gen: v7x
topology: tpu7x:2x2x1
jax: 0.10.2.dev20260603
libtpu: 0.0.44.dev20260713+nightly
codegen_flags: <defaults>
</compile_context>

<pallas_src>
import functools

import jax
import jax.numpy as jnp
from jax import lax
from jax.experimental import pallas as pl
from jax.experimental.pallas import tpu as pltpu
from jax.experimental.pallas import tpu_sc as plsc

NC = 2
NS = 16
L = 16
NW = NC * NS

B = 16384
D = 64
BPW = B // NW
GROUPS = BPW // L

_MESH = plsc.VectorSubcoreMesh(
    core_axis_name="c", subcore_axis_name="s",
    num_cores=NC, num_subcores=NS)


def _worker_base():
    wid = lax.axis_index("s") * NC + lax.axis_index("c")
    return wid * BPW


def _sc_bias_body(ub, mb, ui, mi, out,
                  ui_v, mi_v, ub_v, mb_v, out_v, sem_ub, sem_mb):
    base = _worker_base()
    pltpu.sync_copy(ui.at[pl.ds(base, BPW)], ui_v)
    pltpu.sync_copy(mi.at[pl.ds(base, BPW)], mi_v)
    cub = pltpu.async_copy(ub.at[ui_v], ub_v, sem_ub)
    cmb = pltpu.async_copy(mb.at[mi_v], mb_v, sem_mb)
    cub.wait()
    cmb.wait()

    def group(g, carry):
        out_v[pl.ds(g * L, L)] = (ub_v[pl.ds(g * L, L)]
                                  + mb_v[pl.ds(g * L, L)])
        return carry

    lax.fori_loop(0, GROUPS, group, 0)
    pltpu.sync_copy(out_v, out.at[pl.ds(base, BPW)])


_sc_bias = functools.partial(
    pl.kernel,
    out_type=jax.ShapeDtypeStruct((B,), jnp.float32),
    mesh=_MESH,
    compiler_params=pltpu.CompilerParams(
        needs_layout_passes=False, use_tc_tiling_on_sc=False,
        skip_device_barrier=True),
    scratch_types=[
        pltpu.VMEM((BPW,), jnp.int32),
        pltpu.VMEM((BPW,), jnp.int32),
        pltpu.VMEM((BPW,), jnp.float32),
        pltpu.VMEM((BPW,), jnp.float32),
        pltpu.VMEM((BPW,), jnp.float32),
        pltpu.SemaphoreType.DMA,
        pltpu.SemaphoreType.DMA,
    ],
)(_sc_bias_body)


def _sc_embed_body(uft, mft, bsum, ui, mi, out,
                   ui_v, mi_v, u_rows, m_rows, bs_v, out_v,
                   sem_u, sem_m):
    base = _worker_base()
    pltpu.sync_copy(ui.at[pl.ds(base, BPW)], ui_v)
    pltpu.sync_copy(mi.at[pl.ds(base, BPW)], mi_v)
    pltpu.sync_copy(bsum.at[pl.ds(base, BPW)], bs_v)

    lanes = lax.iota(jnp.int32, L)

    def group(g, carry):
        cps = []
        uvec = ui_v[pl.ds(g * L, L)]
        mvec = mi_v[pl.ds(g * L, L)]
        for j in range(L):
            cps.append(pltpu.async_copy(uft.at[uvec[j]], u_rows.at[j],
                                        sem_u))
            cps.append(pltpu.async_copy(mft.at[mvec[j]], m_rows.at[j],
                                        sem_m))
        for cp in cps:
            cp.wait()
        res = jnp.zeros((L,), jnp.float32)
        for p in range(L):
            acc = u_rows[p, pl.ds(0, L)] * m_rows[p, pl.ds(0, L)]
            for k in range(1, D // L):
                acc = acc + (u_rows[p, pl.ds(k * L, L)]
                             * m_rows[p, pl.ds(k * L, L)])
            res = jnp.where(lanes == p, jnp.sum(acc), res)
        x = res + bs_v[pl.ds(g * L, L)]
        y = 5.0 / (1.0 + jnp.exp(-x))
        out_v[pl.ds(g * L, L)] = y
        return carry

    lax.fori_loop(0, GROUPS, group, 0)
    pltpu.sync_copy(out_v, out.at[pl.ds(base, BPW)])


_sc_embed = functools.partial(
    pl.kernel,
    out_type=jax.ShapeDtypeStruct((B,), jnp.float32),
    mesh=_MESH,
    compiler_params=pltpu.CompilerParams(
        needs_layout_passes=False, skip_device_barrier=True),
    scratch_types=[
        pltpu.VMEM((BPW,), jnp.int32),
        pltpu.VMEM((BPW,), jnp.int32),
        pltpu.VMEM((L, D), jnp.float32),
        pltpu.VMEM((L, D), jnp.float32),
        pltpu.VMEM((BPW,), jnp.float32),
        pltpu.VMEM((BPW,), jnp.float32),
        pltpu.SemaphoreType.DMA,
        pltpu.SemaphoreType.DMA,
    ],
)(_sc_embed_body)


@jax.jit
def _run(user_idx, movie_idx, user_factors, user_bias, movie_factors,
         movie_bias):
    bsum = _sc_bias(user_bias.reshape(-1), movie_bias.reshape(-1),
                    user_idx, movie_idx)
    out = _sc_embed(user_factors, movie_factors, bsum,
                    user_idx, movie_idx)
    return out.reshape(B, 1)


def kernel(user_idx, movie_idx, user_factors, user_bias, movie_factors,
           movie_bias):
    return _run(user_idx.astype(jnp.int32), movie_idx.astype(jnp.int32),
                user_factors, user_bias, movie_factors, movie_bias)

# --- scband reference (transcript-rebuilt; emitter-appended) ---
"""Pipeline reference for scband-embedding-net-34299608826105 (READ-ONLY COPY).

The authoritative reference and input builder live on the scoring server;
editing this copy changes nothing except your own understanding.
"""

import jax, jax.numpy as jnp
import numpy as np

N_USERS = 1000000
N_MOVIES = 100000
N_FACTORS = 64
Y_LOW, Y_HIGH = 0.0, 5.0
BATCH = 16384

def setup_inputs(seed: int = 0) -> dict:
    key = jax.random.key(seed)
    k1, k2, k3, k4, k5, k6 = jax.random.split(key, 6)
    user_idx = jax.random.randint(k1, (BATCH,), 0, N_USERS, dtype=jnp.int64 if jax.config.jax_enable_x64 else jnp.int32)
    movie_idx = jax.random.randint(k2, (BATCH,), 0, N_MOVIES, dtype=jnp.int64 if jax.config.jax_enable_x64 else jnp.int32)
    user_factors = jax.random.normal(k3, (N_USERS, N_FACTORS), dtype=jnp.float32)
    user_bias = jax.random.normal(k4, (N_USERS, 1), dtype=jnp.float32)
    movie_factors = jax.random.normal(k5, (N_MOVIES, N_FACTORS), dtype=jnp.float32)
    movie_bias = jax.random.normal(k6, (N_MOVIES, 1), dtype=jnp.float32)
    return {
        "user_idx": user_idx,
        "movie_idx": movie_idx,
        "user_factors": user_factors,
        "user_bias": user_bias,
        "movie_factors": movie_factors,
        "movie_bias": movie_bias,
    }

def sigmoid_range(x, low, high):
    return jax.nn.sigmoid(x) * (high - low) + low

def reference(user_idx, movie_idx, user_factors, user_bias, movie_factors, movie_bias):
    users = jnp.take(user_factors, user_idx, axis=0)
    movies = jnp.take(movie_factors, movie_idx, axis=0)
    rating = jnp.sum(users * movies, axis=1, keepdims=True)
    rating = rating + jnp.take(user_bias, user_idx, axis=0) + jnp.take(movie_bias, movie_idx, axis=0)
    return sigmoid_range(rating, Y_LOW, Y_HIGH)

if __name__ == "__main__":
    import jax
    _d = setup_inputs()
    print(jax.jit(kernel)(*tuple(_d.values())))

</pallas_src>

<mosaic_0001>
#map = affine_map<(d0, d1) -> (0)>
module attributes {stable_mosaic.version = 14 : i64} {
  func.func @_sc_bias_body(%arg0: i32, %arg1: i32, %arg2: memref<1000000xf32, #tpu.memory_space<hbm>>, %arg3: memref<100000xf32, #tpu.memory_space<hbm>>, %arg4: memref<16384xi32, #tpu.memory_space<hbm>>, %arg5: memref<16384xi32, #tpu.memory_space<hbm>>, %arg6: memref<16384xf32, #tpu.memory_space<hbm>>, %arg7: memref<512xi32, #tpu.memory_space<vmem>>, %arg8: memref<512xi32, #tpu.memory_space<vmem>>, %arg9: memref<512xf32, #tpu.memory_space<vmem>>, %arg10: memref<512xf32, #tpu.memory_space<vmem>>, %arg11: memref<512xf32, #tpu.memory_space<vmem>>, %arg12: memref<!tpu.dma_semaphore, #tpu.memory_space<semaphore_mem>>, %arg13: memref<!tpu.dma_semaphore, #tpu.memory_space<semaphore_mem>>) attributes {dimension_semantics = [#tpu.dimension_semantics<core_parallel>, #tpu.dimension_semantics<subcore_parallel>], iteration_bounds = array<i64: 2, 16>, scalar_prefetch = 0 : i64, scratch_operands = 7 : i64, tpu.core_type = #tpu.core_type<sc_vector_subcore>, window_params = [{transform_indices = #map}, {transform_indices = #map}, {transform_indices = #map}, {transform_indices = #map}, {transform_indices = #map}]} {
    %mul3A = arith.constant 2 : i32
    %mul3A_0 = arith.muli %arg1, %mul3A : i32
    %add3A = arith.addi %mul3A_0, %arg0 : i32
    %mul3A_1 = arith.constant 512 : i32
    %mul3A_2 = arith.muli %add3A, %mul3A_1 : i32
    "tpu.region"() ({
      %run_scoped3A = tpu.sem_alloc : memref<!tpu.dma_semaphore, #tpu.memory_space<semaphore_mem>>
      %dma_start3A_14 = tpu.memref_slice %arg4[%mul3A_2] : memref<16384xi32, #tpu.memory_space<hbm>> -> memref<512xi32, #tpu.memory_space<hbm>>
      %dma_start3A_15 = tpu.memref_slice %arg4[%mul3A_2] : memref<16384xi32, #tpu.memory_space<hbm>> -> memref<512xi32, #tpu.memory_space<hbm>>
      tpu.enqueue_dma source(%dma_start3A_15 : memref<512xi32, #tpu.memory_space<hbm>>) target(%arg7 : memref<512xi32, #tpu.memory_space<vmem>>) target_semaphore(%run_scoped3A : memref<!tpu.dma_semaphore, #tpu.memory_space<semaphore_mem>>)
      %dma_wait3A_16 = tpu.memref_slice %arg4[%mul3A_2] : memref<16384xi32, #tpu.memory_space<hbm>> -> memref<512xi32, #tpu.memory_space<hbm>>
      %dma_wait3A_17 = tpu.memref_slice %arg4[%mul3A_2] : memref<16384xi32, #tpu.memory_space<hbm>> -> memref<512xi32, #tpu.memory_space<hbm>>
      tpu.wait_dma2 semaphore(%run_scoped3A : memref<!tpu.dma_semaphore, #tpu.memory_space<semaphore_mem>>) src(%dma_wait3A_17 : memref<512xi32, #tpu.memory_space<hbm>>) dst(%arg7 : memref<512xi32, #tpu.memory_space<vmem>>)
      tpu.yield
    }) : () -> ()
    "tpu.region"() ({
      %run_scoped3A = tpu.sem_alloc : memref<!tpu.dma_semaphore, #tpu.memory_space<semaphore_mem>>
      %dma_start3A_14 = tpu.memref_slice %arg5[%mul3A_2] : memref<16384xi32, #tpu.memory_space<hbm>> -> memref<512xi32, #tpu.memory_space<hbm>>
      %dma_start3A_15 = tpu.memref_slice %arg5[%mul3A_2] : memref<16384xi32, #tpu.memory_space<hbm>> -> memref<512xi32, #tpu.memory_space<hbm>>
      tpu.enqueue_dma source(%dma_start3A_15 : memref<512xi32, #tpu.memory_space<hbm>>) target(%arg8 : memref<512xi32, #tpu.memory_space<vmem>>) target_semaphore(%run_scoped3A : memref<!tpu.dma_semaphore, #tpu.memory_space<semaphore_mem>>)
      %dma_wait3A_16 = tpu.memref_slice %arg5[%mul3A_2] : memref<16384xi32, #tpu.memory_space<hbm>> -> memref<512xi32, #tpu.memory_space<hbm>>
      %dma_wait3A_17 = tpu.memref_slice %arg5[%mul3A_2] : memref<16384xi32, #tpu.memory_space<hbm>> -> memref<512xi32, #tpu.memory_space<hbm>>
      tpu.wait_dma2 semaphore(%run_scoped3A : memref<!tpu.dma_semaphore, #tpu.memory_space<semaphore_mem>>) src(%dma_wait3A_17 : memref<512xi32, #tpu.memory_space<hbm>>) dst(%arg8 : memref<512xi32, #tpu.memory_space<vmem>>)
      tpu.yield
    }) : () -> ()
    %dma_start3A = arith.constant 0 : i32
    %dma_start3A_3 = tpu.memref_slice %arg2[%dma_start3A] : memref<1000000xf32, #tpu.memory_space<hbm>> -> memref<1000000xf32, #tpu.memory_space<hbm>>
    tpu.enqueue_indirect_dma source(%dma_start3A_3 : memref<1000000xf32, #tpu.memory_space<hbm>>) target(%arg9 : memref<512xf32, #tpu.memory_space<vmem>>) offsets(%arg7 : memref<512xi32, #tpu.memory_space<vmem>>) semaphore(%arg12 : memref<!tpu.dma_semaphore, #tpu.memory_space<semaphore_mem>>)
    %dma_start3A_4 = arith.constant 0 : i32
    %dma_start3A_5 = tpu.memref_slice %arg3[%dma_start3A_4] : memref<100000xf32, #tpu.memory_space<hbm>> -> memref<100000xf32, #tpu.memory_space<hbm>>
    tpu.enqueue_indirect_dma source(%dma_start3A_5 : memref<100000xf32, #tpu.memory_space<hbm>>) target(%arg10 : memref<512xf32, #tpu.memory_space<vmem>>) offsets(%arg8 : memref<512xi32, #tpu.memory_space<vmem>>) semaphore(%arg13 : memref<!tpu.dma_semaphore, #tpu.memory_space<semaphore_mem>>)
    %dma_wait3A = arith.constant 0 : i32
    %dma_wait3A_6 = tpu.memref_slice %arg2[%dma_wait3A] : memref<1000000xf32, #tpu.memory_space<hbm>> -> memref<1000000xf32, #tpu.memory_space<hbm>>
    tpu.wait_indirect_dma semaphore(%arg12 : memref<!tpu.dma_semaphore, #tpu.memory_space<semaphore_mem>>) src(%dma_wait3A_6 : memref<1000000xf32, #tpu.memory_space<hbm>>) dst(%arg9 : memref<512xf32, #tpu.memory_space<vmem>>)
    %dma_wait3A_7 = arith.constant 0 : i32
    %dma_wait3A_8 = tpu.memref_slice %arg3[%dma_wait3A_7] : memref<100000xf32, #tpu.memory_space<hbm>> -> memref<100000xf32, #tpu.memory_space<hbm>>
    tpu.wait_indirect_dma semaphore(%arg13 : memref<!tpu.dma_semaphore, #tpu.memory_space<semaphore_mem>>) src(%dma_wait3A_8 : memref<100000xf32, #tpu.memory_space<hbm>>) dst(%arg10 : memref<512xf32, #tpu.memory_space<vmem>>)
    %scan3A = arith.constant 0 : i32
    %scan3A_9 = arith.constant 0 : i32
    %scan3A_10 = arith.constant 32 : i32
    %scan3A_11 = arith.addi %scan3A_9, %scan3A_10 : i32
    %scan3A_12 = arith.constant 1 : i32
    scf.for %scan3A_14 = %scan3A_9 to %scan3A_11 step %scan3A_12  : i32 {
      %mul3A_15 = arith.constant 16 : i32
      %mul3A_16 = arith.muli %scan3A_14, %mul3A_15 : i32
      %get3A = arith.index_cast %mul3A_16 : i32 to index
      %get3A_17 = tpu.vector_load %arg9[%get3A] {strides = array<i32>} : memref<512xf32, #tpu.memory_space<vmem>>, vector<16xf32>,
      %mul3A_18 = arith.constant 16 : i32
      %mul3A_19 = arith.muli %scan3A_14, %mul3A_18 : i32
      %get3A_20 = arith.index_cast %mul3A_19 : i32 to index
      %get3A_21 = tpu.vector_load %arg10[%get3A_20] {strides = array<i32>} : memref<512xf32, #tpu.memory_space<vmem>>, vector<16xf32>,
      %add3A_22 = arith.addf %get3A_17, %get3A_21 : vector<16xf32>
      %mul3A_23 = arith.constant 16 : i32
      %mul3A_24 = arith.muli %scan3A_14, %mul3A_23 : i32
      %swap3A = arith.index_cast %mul3A_24 : i32 to index
      %swap3A_25 = tpu.vector_load %arg11[%swap3A] {strides = array<i32>} : memref<512xf32, #tpu.memory_space<vmem>>, vector<16xf32>,
      tpu.vector_store %arg11[%swap3A], %add3A_22 {strides = array<i32>} : memref<512xf32, #tpu.memory_space<vmem>>, vector<16xf32>,
    }
    %scan3A_13 = arith.constant 32 : i32
    "tpu.region"() ({
      %run_scoped3A = tpu.sem_alloc : memref<!tpu.dma_semaphore, #tpu.memory_space<semaphore_mem>>
      %dma_start3A_14 = tpu.memref_slice %arg6[%mul3A_2] : memref<16384xf32, #tpu.memory_space<hbm>> -> memref<512xf32, #tpu.memory_space<hbm>>
      %dma_start3A_15 = tpu.memref_slice %arg6[%mul3A_2] : memref<16384xf32, #tpu.memory_space<hbm>> -> memref<512xf32, #tpu.memory_space<hbm>>
      tpu.enqueue_dma source(%arg11 : memref<512xf32, #tpu.memory_space<vmem>>) target(%dma_start3A_15 : memref<512xf32, #tpu.memory_space<hbm>>) target_semaphore(%run_scoped3A : memref<!tpu.dma_semaphore, #tpu.memory_space<semaphore_mem>>)
      %dma_wait3A_16 = tpu.memref_slice %arg6[%mul3A_2] : memref<16384xf32, #tpu.memory_space<hbm>> -> memref<512xf32, #tpu.memory_space<hbm>>
      %dma_wait3A_17 = tpu.memref_slice %arg6[%mul3A_2] : memref<16384xf32, #tpu.memory_space<hbm>> -> memref<512xf32, #tpu.memory_space<hbm>>
      tpu.wait_dma2 semaphore(%run_scoped3A : memref<!tpu.dma_semaphore, #tpu.memory_space<semaphore_mem>>) src(%arg11 : memref<512xf32, #tpu.memory_space<vmem>>) dst(%dma_wait3A_17 : memref<512xf32, #tpu.memory_space<hbm>>)
      tpu.yield
    }) : () -> ()
    return
  }
}

#map = affine_map<(d0, d1) -> (0, 0)>
#map1 = affine_map<(d0, d1) -> (0)>
module attributes {stable_mosaic.version = 14 : i64} {
  func.func @_sc_embed_body(%arg0: i32, %arg1: i32, %arg2: memref<1000000x64xf32, #tpu.memory_space<hbm>>, %arg3: memref<100000x64xf32, #tpu.memory_space<hbm>>, %arg4: memref<16384xf32, #tpu.memory_space<hbm>>, %arg5: memref<16384xi32, #tpu.memory_space<hbm>>, %arg6: memref<16384xi32, #tpu.memory_space<hbm>>, %arg7: memref<16384xf32, #tpu.memory_space<hbm>>, %arg8: memref<512xi32, #tpu.memory_space<vmem>>, %arg9: memref<512xi32, #tpu.memory_space<vmem>>, %arg10: memref<16x64xf32, #tpu.memory_space<vmem>>, %arg11: memref<16x64xf32, #tpu.memory_space<vmem>>, %arg12: memref<512xf32, #tpu.memory_space<vmem>>, %arg13: memref<512xf32, #tpu.memory_space<vmem>>, %arg14: memref<!tpu.dma_semaphore, #tpu.memory_space<semaphore_mem>>, %arg15: memref<!tpu.dma_semaphore, #tpu.memory_space<semaphore_mem>>) attributes {dimension_semantics = [#tpu.dimension_semantics<core_parallel>, #tpu.dimension_semantics<subcore_parallel>], iteration_bounds = array<i64: 2, 16>, scalar_prefetch = 0 : i64, scratch_operands = 8 : i64, tpu.core_type = #tpu.core_type<sc_vector_subcore>, window_params = [{transform_indices = #map}, {transform_indices = #map}, {transform_indices = #map1}, {transform_indices = #map1}, {transform_indices = #map1}, {transform_indices = #map1}]} {
    %mul3A = arith.constant 2 : i32
    %mul3A_0 = arith.muli %arg1, %mul3A : i32
    %add3A = arith.addi %mul3A_0, %arg0 : i32
    %mul3A_1 = arith.constant 512 : i32
    %mul3A_2 = arith.muli %add3A, %mul3A_1 : i32
    "tpu.region"() ({
      %run_scoped3A = tpu.sem_alloc : memref<!tpu.dma_semaphore, #tpu.memory_space<semaphore_mem>>
      %dma_start3A = tpu.memref_slice %arg5[%mul3A_2] : memref<16384xi32, #tpu.memory_space<hbm>> -> memref<512xi32, #tpu.memory_space<hbm>>
      %dma_start3A_8 = tpu.memref_slice %arg5[%mul3A_2] : memref<16384xi32, #tpu.memory_space<hbm>> -> memref<512xi32, #tpu.memory_space<hbm>>
      tpu.enqueue_dma source(%dma_start3A_8 : memref<512xi32, #tpu.memory_space<hbm>>) target(%arg8 : memref<512xi32, #tpu.memory_space<vmem>>) target_semaphore(%run_scoped3A : memref<!tpu.dma_semaphore, #tpu.memory_space<semaphore_mem>>)
      %dma_wait3A = tpu.memref_slice %arg5[%mul3A_2] : memref<16384xi32, #tpu.memory_space<hbm>> -> memref<512xi32, #tpu.memory_space<hbm>>
      %dma_wait3A_9 = tpu.memref_slice %arg5[%mul3A_2] : memref<16384xi32, #tpu.memory_space<hbm>> -> memref<512xi32, #tpu.memory_space<hbm>>
      tpu.wait_dma2 semaphore(%run_scoped3A : memref<!tpu.dma_semaphore, #tpu.memory_space<semaphore_mem>>) src(%dma_wait3A_9 : memref<512xi32, #tpu.memory_space<hbm>>) dst(%arg8 : memref<512xi32, #tpu.memory_space<vmem>>)
      tpu.yield
    }) : () -> ()
    "tpu.region"() ({
      %run_scoped3A = tpu.sem_alloc : memref<!tpu.dma_semaphore, #tpu.memory_space<semaphore_mem>>
      %dma_start3A = tpu.memref_slice %arg6[%mul3A_2] : memref<16384xi32, #tpu.memory_space<hbm>> -> memref<512xi32, #tpu.memory_space<hbm>>
      %dma_start3A_8 = tpu.memref_slice %arg6[%mul3A_2] : memref<16384xi32, #tpu.memory_space<hbm>> -> memref<512xi32, #tpu.memory_space<hbm>>
      tpu.enqueue_dma source(%dma_start3A_8 : memref<512xi32, #tpu.memory_space<hbm>>) target(%arg9 : memref<512xi32, #tpu.memory_space<vmem>>) target_semaphore(%run_scoped3A : memref<!tpu.dma_semaphore, #tpu.memory_space<semaphore_mem>>)
      %dma_wait3A = tpu.memref_slice %arg6[%mul3A_2] : memref<16384xi32, #tpu.memory_space<hbm>> -> memref<512xi32, #tpu.memory_space<hbm>>
      %dma_wait3A_9 = tpu.memref_slice %arg6[%mul3A_2] : memref<16384xi32, #tpu.memory_space<hbm>> -> memref<512xi32, #tpu.memory_space<hbm>>
      tpu.wait_dma2 semaphore(%run_scoped3A : memref<!tpu.dma_semaphore, #tpu.memory_space<semaphore_mem>>) src(%dma_wait3A_9 : memref<512xi32, #tpu.memory_space<hbm>>) dst(%arg9 : memref<512xi32, #tpu.memory_space<vmem>>)
      tpu.yield
    }) : () -> ()
    "tpu.region"() ({
      %run_scoped3A = tpu.sem_alloc : memref<!tpu.dma_semaphore, #tpu.memory_space<semaphore_mem>>
      %dma_start3A = tpu.memref_slice %arg4[%mul3A_2] : memref<16384xf32, #tpu.memory_space<hbm>> -> memref<512xf32, #tpu.memory_space<hbm>>
      %dma_start3A_8 = tpu.memref_slice %arg4[%mul3A_2] : memref<16384xf32, #tpu.memory_space<hbm>> -> memref<512xf32, #tpu.memory_space<hbm>>
      tpu.enqueue_dma source(%dma_start3A_8 : memref<512xf32, #tpu.memory_space<hbm>>) target(%arg12 : memref<512xf32, #tpu.memory_space<vmem>>) target_semaphore(%run_scoped3A : memref<!tpu.dma_semaphore, #tpu.memory_space<semaphore_mem>>)
      %dma_wait3A = tpu.memref_slice %arg4[%mul3A_2] : memref<16384xf32, #tpu.memory_space<hbm>> -> memref<512xf32, #tpu.memory_space<hbm>>
      %dma_wait3A_9 = tpu.memref_slice %arg4[%mul3A_2] : memref<16384xf32, #tpu.memory_space<hbm>> -> memref<512xf32, #tpu.memory_space<hbm>>
      tpu.wait_dma2 semaphore(%run_scoped3A : memref<!tpu.dma_semaphore, #tpu.memory_space<semaphore_mem>>) src(%dma_wait3A_9 : memref<512xf32, #tpu.memory_space<hbm>>) dst(%arg12 : memref<512xf32, #tpu.memory_space<vmem>>)
      tpu.yield
    }) : () -> ()
    %iota3A = tpu.iota {dimensions = array<i32: 0>} : vector<16xi32>
    %scan3A = arith.constant 0 : i32
    %scan3A_3 = arith.constant 0 : i32
    %scan3A_4 = arith.constant 32 : i32
    %scan3A_5 = arith.addi %scan3A_3, %scan3A_4 : i32
    %scan3A_6 = arith.constant 1 : i32
    scf.for %scan3A_8 = %scan3A_3 to %scan3A_5 step %scan3A_6  : i32 {
      %mul3A_9 = arith.constant 16 : i32
      %mul3A_10 = arith.muli %scan3A_8, %mul3A_9 : i32
      %get3A = arith.index_cast %mul3A_10 : i32 to index
      %get3A_11 = tpu.vector_load %arg8[%get3A] {strides = array<i32>} : memref<512xi32, #tpu.memory_space<vmem>>, vector<16xi32>,
      %mul3A_12 = arith.constant 16 : i32
      %mul3A_13 = arith.muli %scan3A_8, %mul3A_12 : i32
      %get3A_14 = arith.index_cast %mul3A_13 : i32 to index
      %get3A_15 = tpu.vector_load %arg9[%get3A_14] {strides = array<i32>} : memref<512xi32, #tpu.memory_space<vmem>>, vector<16xi32>,
      %slice3A = vector.extract_strided_slice %get3A_11 {offsets = [0], sizes = [1], strides = [1]} : vector<16xi32> to vector<1xi32>
      %squeeze3A = vector.extract %slice3A[0] : i32 from vector<1xi32>
      %dma_start3A = arith.constant 0 : i32
      %dma_start3A_16 = arith.constant 0 : i32
      %dma_start3A_17 = tpu.memref_slice %arg10[%dma_start3A, %dma_start3A_16] : memref<16x64xf32, #tpu.memory_space<vmem>> -> memref<1x64xf32, #tpu.memory_space<vmem>>
      %dma_start3A_18 = tpu.memref_squeeze %dma_start3A_17 : memref<1x64xf32, #tpu.memory_space<vmem>> -> memref<64xf32, #tpu.memory_space<vmem>>
      %dma_start3A_19 = arith.constant 0 : i32
      %dma_start3A_20 = tpu.memref_slice %arg2[%squeeze3A, %dma_start3A_19] : memref<1000000x64xf32, #tpu.memory_space<hbm>> -> memref<1x64xf32, #tpu.memory_space<hbm>>
      %dma_start3A_21 = tpu.memref_squeeze %dma_start3A_20 : memref<1x64xf32, #tpu.memory_space<hbm>> -> memref<64xf32, #tpu.memory_space<hbm>>
      %dma_start3A_22 = arith.constant 0 : i32
      %dma_start3A_23 = tpu.memref_slice %arg10[%dma_start3A, %dma_start3A_22] : memref<16x64xf32, #tpu.memory_space<vmem>> -> memref<1x64xf32, #tpu.memory_space<vmem>>
      %dma_start3A_24 = tpu.memref_squeeze %dma_start3A_23 : memref<1x64xf32, #tpu.memory_space<vmem>> -> memref<64xf32, #tpu.memory_space<vmem>>
      %dma_start3A_25 = arith.constant 0 : i32
      %dma_start3A_26 = tpu.memref_slice %arg2[%squeeze3A, %dma_start3A_25] : memref<1000000x64xf32, #tpu.memory_space<hbm>> -> memref<1x64xf32, #tpu.memory_space<hbm>>
      %dma_start3A_27 = tpu.memref_squeeze %dma_start3A_26 : memref<1x64xf32, #tpu.memory_space<hbm>> -> memref<64xf32, #tpu.memory_space<hbm>>
      tpu.enqueue_dma source(%dma_start3A_27 : memref<64xf32, #tpu.memory_space<hbm>>) target(%dma_start3A_24 : memref<64xf32, #tpu.memory_space<vmem>>) target_semaphore(%arg14 : memref<!tpu.dma_semaphore, #tpu.memory_space<semaphore_mem>>)
      %slice3A_28 = vector.extract_strided_slice %get3A_15 {offsets = [0], sizes = [1], strides = [1]} : vector<16xi32> to vector<1xi32>
      %squeeze3A_29 = vector.extract %slice3A_28[0] : i32 from vector<1xi32>
      %dma_start3A_30 = arith.constant 0 : i32
      %dma_start3A_31 = arith.constant 0 : i32
      %dma_start3A_32 = tpu.memref_slice %arg11[%dma_start3A_30, %dma_start3A_31] : memref<16x64xf32, #tpu.memory_space<vmem>> -> memref<1x64xf32, #tpu.memory_space<vmem>>
      %dma_start3A_33 = tpu.memref_squeeze %dma_start3A_32 : memref<1x64xf32, #tpu.memory_space<vmem>> -> memref<64xf32, #tpu.memory_space<vmem>>
      %dma_start3A_34 = arith.constant 0 : i32
      %dma_start3A_35 = tpu.memref_slice %arg3[%squeeze3A_29, %dma_start3A_34] : memref<100000x64xf32, #tpu.memory_space<hbm>> -> memref<1x64xf32, #tpu.memory_space<hbm>>
      %dma_start3A_36 = tpu.memref_squeeze %dma_start3A_35 : memref<1x64xf32, #tpu.memory_space<hbm>> -> memref<64xf32, #tpu.memory_space<hbm>>
      %dma_start3A_37 = arith.constant 0 : i32
      %dma_start3A_38 = tpu.memref_slice %arg11[%dma_start3A_30, %dma_start3A_37] : memref<16x64xf32, #tpu.memory_space<vmem>> -> memref<1x64xf32, #tpu.memory_space<vmem>>
      %dma_start3A_39 = tpu.memref_squeeze %dma_start3A_38 : memref<1x64xf32, #tpu.memory_space<vmem>> -> memref<64xf32, #tpu.memory_space<vmem>>
      %dma_start3A_40 = arith.constant 0 : i32
      %dma_start3A_41 = tpu.memref_slice %arg3[%squeeze3A_29, %dma_start3A_40] : memref<100000x64xf32, #tpu.memory_space<hbm>> -> memref<1x64xf32, #tpu.memory_space<hbm>>
      %dma_start3A_42 = tpu.memref_squeeze %dma_start3A_41 : memref<1x64xf32, #tpu.memory_space<hbm>> -> memref<64xf32, #tpu.memory_space<hbm>>
      tpu.enqueue_dma source(%dma_start3A_42 : memref<64xf32, #tpu.memory_space<hbm>>) target(%dma_start3A_39 : memref<64xf32, #tpu.memory_space<vmem>>) target_semaphore(%arg15 : memref<!tpu.dma_semaphore, #tpu.memory_space<semaphore_mem>>)
      %slice3A_43 = vector.extract_strided_slice %get3A_11 {offsets = [1], sizes = [1], strides = [1]} : vector<16xi32> to vector<1xi32>
      %squeeze3A_44 = vector.extract %slice3A_43[0] : i32 from vector<1xi32>
      %dma_start3A_45 = arith.constant 1 : i32
      %dma_start3A_46 = arith.constant 0 : i32
      %dma_start3A_47 = tpu.memref_slice %arg10[%dma_start3A_45, %dma_start3A_46] : memref<16x64xf32, #tpu.memory_space<vmem>> -> memref<1x64xf32, #tpu.memory_space<vmem>>
      %dma_start3A_48 = tpu.memref_squeeze %dma_start3A_47 : memref<1x64xf32, #tpu.memory_space<vmem>> -> memref<64xf32, #tpu.memory_space<vmem>>
      %dma_start3A_49 = arith.constant 0 : i32
      %dma_start3A_50 = tpu.memref_slice %arg2[%squeeze3A_44, %dma_start3A_49] : memref<1000000x64xf32, #tpu.memory_space<hbm>> -> memref<1x64xf32, #tpu.memory_space<hbm>>
      %dma_start3A_51 = tpu.memref_squeeze %dma_start3A_50 : memref<1x64xf32, #tpu.memory_space<hbm>> -> memref<64xf32, #tpu.memory_space<hbm>>
      %dma_start3A_52 = arith.constant 0 : i32
      %dma_start3A_53 = tpu.memref_slice %arg10[%dma_start3A_45, %dma_start3A_52] : memref<16x64xf32, #tpu.memory_space<vmem>> -> memref<1x64xf32, #tpu.memory_space<vmem>>
      %dma_start3A_54 = tpu.memref_squeeze %dma_start3A_53 : memref<1x64xf32, #tpu.memory_space<vmem>> -> memref<64xf32, #tpu.memory_space<vmem>>
      %dma_start3A_55 = arith.constant 0 : i32
      %dma_start3A_56 = tpu.memref_slice %arg2[%squeeze3A_44, %dma_start3A_55] : memref<1000000x64xf32, #tpu.memory_space<hbm>> -> memref<1x64xf32, #tpu.memory_space<hbm>>
      %dma_start3A_57 = tpu.memref_squeeze %dma_start3A_56 : memref<1x64xf32, #tpu.memory_space<hbm>> -> memref<64xf32, #tpu.memory_space<hbm>>
      tpu.enqueue_dma source(%dma_start3A_57 : memref<64xf32, #tpu.memory_space<hbm>>) target(%dma_start3A_54 : memref<64xf32, #tpu.memory_space<vmem>>) target_semaphore(%arg14 : memref<!tpu.dma_semaphore, #tpu.memory_space<semaphore_mem>>)
      %slice3A_58 = vector.extract_strided_slice %get3A_15 {offsets = [1], sizes = [1], strides = [1]} : vector<16xi32> to vector<1xi32>
      %squeeze3A_59 = vector.extract %slice3A_58[0] : i32 from vector<1xi32>
      %dma_start3A_60 = arith.constant 1 : i32
      %dma_start3A_61 = arith.constant 0 : i32
      %dma_start3A_62 = tpu.memref_slice %arg11[%dma_start3A_60, %dma_start3A_61] : memref<16x64xf32, #tpu.memory_space<vmem>> -> memref<1x64xf32, #tpu.memory_space<vmem>>
      %dma_start3A_63 = tpu.memref_squeeze %dma_start3A_62 : memref<1x64xf32, #tpu.memory_space<vmem>> -> memref<64xf32, #tpu.memory_space<vmem>>
      %dma_start3A_64 = arith.constant 0 : i32
      %dma_start3A_65 = tpu.memref_slice %arg3[%squeeze3A_59, %dma_start3A_64] : memref<100000x64xf32, #tpu.memory_space<hbm>> -> memref<1x64xf32, #tpu.memory_space<hbm>>
      %dma_start3A_66 = tpu.memref_squeeze %dma_start3A_65 : memref<1x64xf32, #tpu.memory_space<hbm>> -> memref<64xf32, #tpu.memory_space<hbm>>
      %dma_start3A_67 = arith.constant 0 : i32
      %dma_start3A_68 = tpu.memref_slice %arg11[%dma_start3A_60, %dma_start3A_67] : memref<16x64xf32, #tpu.memory_space<vmem>> -> memref<1x64xf32, #tpu.memory_space<vmem>>
      %dma_start3A_69 = tpu.memref_squeeze %dma_start3A_68 : memref<1x64xf32, #tpu.memory_space<vmem>> -> memref<64xf32, #tpu.memory_space<vmem>>
      %dma_start3A_70 = arith.constant 0 : i32
      %dma_start3A_71 = tpu.memref_slice %arg3[%squeeze3A_59, %dma_start3A_70] : memref<100000x64xf32, #tpu.memory_space<hbm>> -> memref<1x64xf32, #tpu.memory_space<hbm>>
      %dma_start3A_72 = tpu.memref_squeeze %dma_start3A_71 : memref<1x64xf32, #tpu.memory_space<hbm>> -> memref<64xf32, #tpu.memory_space<hbm>>
      tpu.enqueue_dma source(%dma_start3A_72 : memref<64xf32, #tpu.memory_space<hbm>>) target(%dma_start3A_69 : memref<64xf32, #tpu.memory_space<vmem>>) target_semaphore(%arg15 : memref<!tpu.dma_semaphore, #tpu.memory_space<semaphore_mem>>)
      %slice3A_73 = vector.extract_strided_slice %get3A_11 {offsets = [2], sizes = [1], strides = [1]} : vector<16xi32> to vector<1xi32>
      %squeeze3A_74 = vector.extract %slice3A_73[0] : i32 from vector<1xi32>
      %dma_start3A_75 = arith.constant 2 : i32
      %dma_start3A_76 = arith.constant 0 : i32
      %dma_start3A_77 = tpu.memref_slice %arg10[%dma_start3A_75, %dma_start3A_76] : memref<16x64xf32, #tpu.memory_space<vmem>> -> memref<1x64xf32, #tpu.memory_space<vmem>>
      %dma_start3A_78 = tpu.memref_squeeze %dma_start3A_77 : memref<1x64xf32, #tpu.memory_space<vmem>> -> memref<64xf32, #tpu.memory_space<vmem>>
      %dma_start3A_79 = arith.constant 0 : i32
      %dma_start3A_80 = tpu.memref_slice %arg2[%squeeze3A_74, %dma_start3A_79] : memref<1000000x64xf32, #tpu.memory_space<hbm>> -> memref<1x64xf32, #tpu.memory_space<hbm>>
      %dma_start3A_81 = tpu.memref_squeeze %dma_start3A_80 : memref<1x64xf32, #tpu.memory_space<hbm>> -> memref<64xf32, #tpu.memory_space<hbm>>
      %dma_start3A_82 = arith.constant 0 : i32
      %dma_start3A_83 = tpu.memref_slice %arg10[%dma_start3A_75, %dma_start3A_82] : memref<16x64xf32, #tpu.memory_space<vmem>> -> memref<1x64xf32, #tpu.memory_space<vmem>>
      %dma_start3A_84 = tpu.memref_squeeze %dma_start3A_83 : memref<1x64xf32, #tpu.memory_space<vmem>> -> memref<64xf32, #tpu.memory_space<vmem>>
      %dma_start3A_85 = arith.constant 0 : i32
      %dma_start3A_86 = tpu.memref_slice %arg2[%squeeze3A_74, %dma_start3A_85] : memref<1000000x64xf32, #tpu.memory_space<hbm>> -> memref<1x64xf32, #tpu.memory_space<hbm>>
      %dma_start3A_87 = tpu.memref_squeeze %dma_start3A_86 : memref<1x64xf32, #tpu.memory_space<hbm>> -> memref<64xf32, #tpu.memory_space<hbm>>
      tpu.enqueue_dma source(%dma_start3A_87 : memref<64xf32, #tpu.memory_space<hbm>>) target(%dma_start3A_84 : memref<64xf32, #tpu.memory_space<vmem>>) target_semaphore(%arg14 : memref<!tpu.dma_semaphore, #tpu.memory_space<semaphore_mem>>)
      %slice3A_88 = vector.extract_strided_slice %get3A_15 {offsets = [2], sizes = [1], strides = [1]} : vector<16xi32> to vector<1xi32>
      %squeeze3A_89 = vector.extract %slice3A_88[0] : i32 from vector<1xi32>
      %dma_start3A_90 = arith.constant 2 : i32
      %dma_start3A_91 = arith.constant 0 : i32
      %dma_start3A_92 = tpu.memref_slice %arg11[%dma_start3A_90, %dma_start3A_91] : memref<16x64xf32, #tpu.memory_space<vmem>> -> memref<1x64xf32, #tpu.memory_space<vmem>>
      %dma_start3A_93 = tpu.memref_squeeze %dma_start3A_92 : memref<1x64xf32, #tpu.memory_space<vmem>> -> memref<64xf32, #tpu.memory_space<vmem>>
      %dma_start3A_94 = arith.constant 0 : i32
      %dma_start3A_95 = tpu.memref_slice %arg3[%squeeze3A_89, %dma_start3A_94] : memref<100000x64xf32, #tpu.memory_space<hbm>> -> memref<1x64xf32, #tpu.memory_space<hbm>>
      %dma_start3A_96 = tpu.memref_squeeze %dma_start3A_95 : memref<1x64xf32, #tpu.memory_space<hbm>> -> memref<64xf32, #tpu.memory_space<hbm>>
      %dma_start3A_97 = arith.constant 0 : i32
      %dma_start3A_98 = tpu.memref_slice %arg11[%dma_start3A_90, %dma_start3A_97] : memref<16x64xf32, #tpu.memory_space<vmem>> -> memref<1x64xf32, #tpu.memory_space<vmem>>
      %dma_start3A_99 = tpu.memref_squeeze %dma_start3A_98 : memref<1x64xf32, #tpu.memory_space<vmem>> -> memref<64xf32, #tpu.memory_space<vmem>>
      %dma_start3A_100 = arith.constant 0 : i32
      %dma_start3A_101 = tpu.memref_slice %arg3[%squeeze3A_89, %dma_start3A_100] : memref<100000x64xf32, #tpu.memory_space<hbm>> -> memref<1x64xf32, #tpu.memory_space<hbm>>
      %dma_start3A_102 = tpu.memref_squeeze %dma_start3A_101 : memref<1x64xf32, #tpu.memory_space<hbm>> -> memref<64xf32, #tpu.memory_space<hbm>>
      tpu.enqueue_dma source(%dma_start3A_102 : memref<64xf32, #tpu.memory_space<hbm>>) target(%dma_start3A_99 : memref<64xf32, #tpu.memory_space<vmem>>) target_semaphore(%arg15 : memref<!tpu.dma_semaphore, #tpu.memory_space<semaphore_mem>>)
      %slice3A_103 = vector.extract_strided_slice %get3A_11 {offsets = [3], sizes = [1], strides = [1]} : vector<16xi32> to vector<1xi32>
      %squeeze3A_104 = vector.extract %slice3A_103[0] : i32 from vector<1xi32>
      %dma_start3A_105 = arith.constant 3 : i32
      %dma_start3A_106 = arith.constant 0 : i32
      %dma_start3A_107 = tpu.memref_slice %arg10[%dma_start3A_105, %dma_start3A_106] : memref<16x64xf32, #tpu.memory_space<vmem>> -> memref<1x64xf32, #tpu.memory_space<vmem>>
      %dma_start3A_108 = tpu.memref_squeeze %dma_start3A_107 : memref<1x64xf32, #tpu.memory_space<vmem>> -> memref<64xf32, #tpu.memory_space<vmem>>
      %dma_start3A_109 = arith.constant 0 : i32
      %dma_start3A_110 = tpu.memref_slice %arg2[%squeeze3A_104, %dma_start3A_109] : memref<1000000x64xf32, #tpu.memory_space<hbm>> -> memref<1x64xf32, #tpu.memory_space<hbm>>
      %dma_start3A_111 = tpu.memref_squeeze %dma_start3A_110 : memref<1x64xf32, #tpu.memory_space<hbm>> -> memref<64xf32, #tpu.memory_space<hbm>>
      %dma_start3A_112 = arith.constant 0 : i32
      %dma_start3A_113 = tpu.memref_slice %arg10[%dma_start3A_105, %dma_start3A_112] : memref<16x64xf32, #tpu.memory_space<vmem>> -> memref<1x64xf32, #tpu.memory_space<vmem>>
      %dma_start3A_114 = tpu.memref_squeeze %dma_start3A_113 : memref<1x64xf32, #tpu.memory_space<vmem>> -> memref<64xf32, #tpu.memory_space<vmem>>
      %dma_start3A_115 = arith.constant 0 : i32
      %dma_start3A_116 = tpu.memref_slice %arg2[%squeeze3A_104, %dma_start3A_115] : memref<1000000x64xf32, #tpu.memory_space<hbm>> -> memref<1x64xf32, #tpu.memory_space<hbm>>
      %dma_start3A_117 = tpu.memref_squeeze %dma_start3A_116 : memref<1x64xf32, #tpu.memory_space<hbm>> -> memref<64xf32, #tpu.memory_space<hbm>>
      tpu.enqueue_dma source(%dma_start3A_117 : memref<64xf32, #tpu.memory_space<hbm>>) target(%dma_start3A_114 : memref<64xf32, #tpu.memory_space<vmem>>) target_semaphore(%arg14 : memref<!tpu.dma_semaphore, #tpu.memory_space<semaphore_mem>>)
      %slice3A_118 = vector.extract_strided_slice %get3A_15 {offsets = [3], sizes = [1], strides = [1]} : vector<16xi32> to vector<1xi32>
      %squeeze3A_119 = vector.extract %slice3A_118[0] : i32 from vector<1xi32>
      %dma_start3A_120 = arith.constant 3 : i32
      %dma_start3A_121 = arith.constant 0 : i32
      %dma_start3A_122 = tpu.memref_slice %arg11[%dma_start3A_120, %dma_start3A_121] : memref<16x64xf32, #tpu.memory_space<vmem>> -> memref<1x64xf32, #tpu.memory_space<vmem>>
      %dma_start3A_123 = tpu.memref_squeeze %dma_start3A_122 : memref<1x64xf32, #tpu.memory_space<vmem>> -> memref<64xf32, #tpu.memory_space<vmem>>
      %dma_start3A_124 = arith.constant 0 : i32
      %dma_start3A_125 = tpu.memref_slice %arg3[%squeeze3A_119, %dma_start3A_124] : memref<100000x64xf32, #tpu.memory_space<hbm>> -> memref<1x64xf32, #tpu.memory_space<hbm>>
      %dma_start3A_126 = tpu.memref_squeeze %dma_start3A_125 : memref<1x64xf32, #tpu.memory_space<hbm>> -> memref<64xf32, #tpu.memory_space<hbm>>
      %dma_start3A_127 = arith.constant 0 : i32
      %dma_start3A_128 = tpu.memref_slice %arg11[%dma_start3A_120, %dma_start3A_127] : memref<16x64xf32, #tpu.memory_space<vmem>> -> memref<1x64xf32, #tpu.memory_space<vmem>>
      %dma_start3A_129 = tpu.memref_squeeze %dma_start3A_128 : memref<1x64xf32, #tpu.memory_space<vmem>> -> memref<64xf32, #tpu.memory_space<vmem>>
      %dma_start3A_130 = arith.constant 0 : i32
      %dma_start3A_131 = tpu.memref_slice %arg3[%squeeze3A_119, %dma_start3A_130] : memref<100000x64xf32, #tpu.memory_space<hbm>> -> memref<1x64xf32, #tpu.memory_space<hbm>>
      %dma_start3A_132 = tpu.memref_squeeze %dma_start3A_131 : memref<1x64xf32, #tpu.memory_space<hbm>> -> memref<64xf32, #tpu.memory_space<hbm>>
      tpu.enqueue_dma source(%dma_start3A_132 : memref<64xf32, #tpu.memory_space<hbm>>) target(%dma_start3A_129 : memref<64xf32, #tpu.memory_space<vmem>>) target_semaphore(%arg15 : memref<!tpu.dma_semaphore, #tpu.memory_space<semaphore_mem>>)
      %slice3A_133 = vector.extract_strided_slice %get3A_11 {offsets = [4], sizes = [1], strides = [1]} : vector<16xi32> to vector<1xi32>
      %squeeze3A_134 = vector.extract %slice3A_133[0] : i32 from vector<1xi32>
      %dma_start3A_135 = arith.constant 4 : i32
      %dma_start3A_136 = arith.constant 0 : i32
      %dma_start3A_137 = tpu.memref_slice %arg10[%dma_start3A_135, %dma_start3A_136] : memref<16x64xf32, #tpu.memory_space<vmem>> -> memref<1x64xf32, #tpu.memory_space<vmem>>
      %dma_start3A_138 = tpu.memref_squeeze %dma_start3A_137 : memref<1x64xf32, #tpu.memory_space<vmem>> -> memref<64xf32, #tpu.memory_space<vmem>>
      %dma_start3A_139 = arith.constant 0 : i32
      %dma_start3A_140 = tpu.memref_slice %arg2[%squeeze3A_134, %dma_start3A_139] : memref<1000000x64xf32, #tpu.memory_space<hbm>> -> memref<1x64xf32, #tpu.memory_space<hbm>>
      %dma_start3A_141 = tpu.memref_squeeze %dma_start3A_140 : memref<1x64xf32, #tpu.memory_space<hbm>> -> memref<64xf32, #tpu.memory_space<hbm>>
      %dma_start3A_142 = arith.constant 0 : i32
      %dma_start3A_143 = tpu.memref_slice %arg10[%dma_start3A_135, %dma_start3A_142] : memref<16x64xf32, #tpu.memory_space<vmem>> -> memref<1x64xf32, #tpu.memory_space<vmem>>
      %dma_start3A_144 = tpu.memref_squeeze %dma_start3A_143 : memref<1x64xf32, #tpu.memory_space<vmem>> -> memref<64xf32, #tpu.memory_space<vmem>>
      %dma_start3A_145 = arith.constant 0 : i32
      %dma_start3A_146 = tpu.memref_slice %arg2[%squeeze3A_134, %dma_start3A_145] : memref<1000000x64xf32, #tpu.memory_space<hbm>> -> memref<1x64xf32, #tpu.memory_space<hbm>>
      %dma_start3A_147 = tpu.memref_squeeze %dma_start3A_146 : memref<1x64xf32, #tpu.memory_space<hbm>> -> memref<64xf32, #tpu.memory_space<hbm>>
      tpu.enqueue_dma source(%dma_start3A_147 : memref<64xf32, #tpu.memory_space<hbm>>) target(%dma_start3A_144 : memref<64xf32, #tpu.memory_space<vmem>>) target_semaphore(%arg14 : memref<!tpu.dma_semaphore, #tpu.memory_space<semaphore_mem>>)
      %slice3A_148 = vector.extract_strided_slice %get3A_15 {offsets = [4], sizes = [1], strides = [1]} : vector<16xi32> to vector<1xi32>
      %squeeze3A_149 = vector.extract %slice3A_148[0] : i32 from vector<1xi32>
      %dma_start3A_150 = arith.constant 4 : i32
      %dma_start3A_151 = arith.constant 0 : i32
      %dma_start3A_152 = tpu.memref_slice %arg11[%dma_start3A_150, %dma_start3A_151] : memref<16x64xf32, #tpu.memory_space<vmem>> -> memref<1x64xf32, #tpu.memory_space<vmem>>
      %dma_start3A_153 = tpu.memref_squeeze %dma_start3A_152 : memref<1x64xf32, #tpu.memory_space<vmem>> -> memref<64xf32, #tpu.memory_space<vmem>>
      %dma_start3A_154 = arith.constant 0 : i32
      %dma_start3A_155 = tpu.memref_slice %arg3[%squeeze3A_149, %dma_start3A_154] : memref<100000x64xf32, #tpu.memory_space<hbm>> -> memref<1x64xf32, #tpu.memory_space<hbm>>
      %dma_start3A_156 = tpu.memref_squeeze %dma_start3A_155 : memref<1x64xf32, #tpu.memory_space<hbm>> -> memref<64xf32, #tpu.memory_space<hbm>>
      %dma_start3A_157 = arith.constant 0 : i32
      %dma_start3A_158 = tpu.memref_slice %arg11[%dma_start3A_150, %dma_start3A_157] : memref<16x64xf32, #tpu.memory_space<vmem>> -> memref<1x64xf32, #tpu.memory_space<vmem>>
      %dma_start3A_159 = tpu.memref_squeeze %dma_start3A_158 : memref<1x64xf32, #tpu.memory_space<vmem>> -> memref<64xf32, #tpu.memory_space<vmem>>
      %dma_start3A_160 = arith.constant 0 : i32
      %dma_start3A_161 = tpu.memref_slice %arg3[%squeeze3A_149, %dma_start3A_160] : memref<100000x64xf32, #tpu.memory_space<hbm>> -> memref<1x64xf32, #tpu.memory_space<hbm>>
      %dma_start3A_162 = tpu.memref_squeeze %dma_start3A_161 : memref<1x64xf32, #tpu.memory_space<hbm>> -> memref<64xf32, #tpu.memory_space<hbm>>
      tpu.enqueue_dma source(%dma_start3A_162 : memref<64xf32, #tpu.memory_space<hbm>>) target(%dma_start3A_159 : memref<64xf32, #tpu.memory_space<vmem>>) target_semaphore(%arg15 : memref<!tpu.dma_semaphore, #tpu.memory_space<semaphore_mem>>)
      %slice3A_163 = vector.extract_strided_slice %get3A_11 {offsets = [5], sizes = [1], strides = [1]} : vector<16xi32> to vector<1xi32>
      %squeeze3A_164 = vector.extract %slice3A_163[0] : i32 from vector<1xi32>
      %dma_start3A_165 = arith.constant 5 : i32
      %dma_start3A_166 = arith.constant 0 : i32
      %dma_start3A_167 = tpu.memref_slice %arg10[%dma_start3A_165, %dma_start3A_166] : memref<16x64xf32, #tpu.memory_space<vmem>> -> memref<1x64xf32, #tpu.memory_space<vmem>>
      %dma_start3A_168 = tpu.memref_squeeze %dma_start3A_167 : memref<1x64xf32, #tpu.memory_space<vmem>> -> memref<64xf32, #tpu.memory_space<vmem>>
      %dma_start3A_169 = arith.constant 0 : i32
      %dma_start3A_170 = tpu.memref_slice %arg2[%squeeze3A_164, %dma_start3A_169] : memref<1000000x64xf32, #tpu.memory_space<hbm>> -> memref<1x64xf32, #tpu.memory_space<hbm>>
      %dma_start3A_171 = tpu.memref_squeeze %dma_start3A_170 : memref<1x64xf32, #tpu.memory_space<hbm>> -> memref<64xf32, #tpu.memory_space<hbm>>
      %dma_start3A_172 = arith.constant 0 : i32
      %dma_start3A_173 = tpu.memref_slice %arg10[%dma_start3A_165, %dma_start3A_172] : memref<16x64xf32, #tpu.memory_space<vmem>> -> memref<1x64xf32, #tpu.memory_space<vmem>>
      %dma_start3A_174 = tpu.memref_squeeze %dma_start3A_173 : memref<1x64xf32, #tpu.memory_space<vmem>> -> memref<64xf32, #tpu.memory_space<vmem>>
      %dma_start3A_175 = arith.constant 0 : i32
      %dma_start3A_176 = tpu.memref_slice %arg2[%squeeze3A_164, %dma_start3A_175] : memref<1000000x64xf32, #tpu.memory_space<hbm>> -> memref<1x64xf32, #tpu.memory_space<hbm>>
      %dma_start3A_177 = tpu.memref_squeeze %dma_start3A_176 : memref<1x64xf32, #tpu.memory_space<hbm>> -> memref<64xf32, #tpu.memory_space<hbm>>
      tpu.enqueue_dma source(%dma_start3A_177 : memref<64xf32, #tpu.memory_space<hbm>>) target(%dma_start3A_174 : memref<64xf32, #tpu.memory_space<vmem>>) target_semaphore(%arg14 : memref<!tpu.dma_semaphore, #tpu.memory_space<semaphore_mem>>)
      %slice3A_178 = vector.extract_strided_slice %get3A_15 {offsets = [5], sizes = [1], strides = [1]} : vector<16xi32> to vector<1xi32>
      %squeeze3A_179 = vector.extract %slice3A_178[0] : i32 from vector<1xi32>
      %dma_start3A_180 = arith.constant 5 : i32
      %dma_start3A_181 = arith.constant 0 : i32
      %dma_start3A_182 = tpu.memref_slice %arg11[%dma_start3A_180, %dma_start3A_181] : memref<16x64xf32, #tpu.memory_space<vmem>> -> memref<1x64xf32, #tpu.memory_space<vmem>>
      %dma_start3A_183 = tpu.memref_squeeze %dma_start3A_182 : memref<1x64xf32, #tpu.memory_space<vmem>> -> memref<64xf32, #tpu.memory_space<vmem>>
      %dma_start3A_184 = arith.constant 0 : i32
      %dma_start3A_185 = tpu.memref_slice %arg3[%squeeze3A_179, %dma_start3A_184] : memref<100000x64xf32, #tpu.memory_space<hbm>> -> memref<1x64xf32, #tpu.memory_space<hbm>>
      %dma_start3A_186 = tpu.memref_squeeze %dma_start3A_185 : memref<1x64xf32, #tpu.memory_space<hbm>> -> memref<64xf32, #tpu.memory_space<hbm>>
      %dma_start3A_187 = arith.constant 0 : i32
      %dma_start3A_188 = tpu.memref_slice %arg11[%dma_start3A_180, %dma_start3A_187] : memref<16x64xf32, #tpu.memory_space<vmem>> -> memref<1x64xf32, #tpu.memory_space<vmem>>
      %dma_start3A_189 = tpu.memref_squeeze %dma_start3A_188 : memref<1x64xf32, #tpu.memory_space<vmem>> -> memref<64xf32, #tpu.memory_space<vmem>>
      %dma_start3A_190 = arith.constant 0 : i32
      %dma_start3A_191 = tpu.memref_slice %arg3[%squeeze3A_179, %dma_start3A_190] : memref<100000x64xf32, #tpu.memory_space<hbm>> -> memref<1x64xf32, #tpu.memory_space<hbm>>
      %dma_start3A_192 = tpu.memref_squeeze %dma_start3A_191 : memref<1x64xf32, #tpu.memory_space<hbm>> -> memref<64xf32, #tpu.memory_space<hbm>>
      tpu.enqueue_dma source(%dma_start3A_192 : memref<64xf32, #tpu.memory_space<hbm>>) target(%dma_start3A_189 : memref<64xf32, #tpu.memory_space<vmem>>) target_semaphore(%arg15 : memref<!tpu.dma_semaphore, #tpu.memory_space<semaphore_mem>>)
      %slice3A_193 = vector.extract_strided_slice %get3A_11 {offsets = [6], sizes = [1], strides = [1]} : vector<16xi32> to vector<1xi32>
      %squeeze3A_194 = vector.extract %slice3A_193[0] : i32 from vector<1xi32>
      %dma_start3A_195 = arith.constant 6 : i32
      %dma_start3A_196 = arith.constant 0 : i32
      %dma_start3A_197 = tpu.memref_slice %arg10[%dma_start3A_195, %dma_start3A_196] : memref<16x64xf32, #tpu.memory_space<vmem>> -> memref<1x64xf32, #tpu.memory_space<vmem>>
      %dma_start3A_198 = tpu.memref_squeeze %dma_start3A_197 : memref<1x64xf32, #tpu.memory_space<vmem>> -> memref<64xf32, #tpu.memory_space<vmem>>
      %dma_start3A_199 = arith.constant 0 : i32
      %dma_start3A_200 = tpu.memref_slice %arg2[%squeeze3A_194, %dma_start3A_199] : memref<1000000x64xf32, #tpu.memory_space<hbm>> -> memref<1x64xf32, #tpu.memory_space<hbm>>
      %dma_start3A_201 = tpu.memref_squeeze %dma_start3A_200 : memref<1x64xf32, #tpu.memory_space<hbm>> -> memref<64xf32, #tpu.memory_space<hbm>>
      %dma_start3A_202 = arith.constant 0 : i32
      %dma_start3A_203 = tpu.memref_slice %arg10[%dma_start3A_195, %dma_start3A_202] : memref<16x64xf32, #tpu.memory_space<vmem>> -> memref<1x64xf32, #tpu.memory_space<vmem>>
      %dma_start3A_204 = tpu.memref_squeeze %dma_start3A_203 : memref<1x64xf32, #tpu.memory_space<vmem>> -> memref<64xf32, #tpu.memory_space<vmem>>
      %dma_start3A_205 = arith.constant 0 : i32
      %dma_start3A_206 = tpu.memref_slice %arg2[%squeeze3A_194, %dma_start3A_205] : memref<1000000x64xf32, #tpu.memory_space<hbm>> -> memref<1x64xf32, #tpu.memory_space<hbm>>
      %dma_start3A_207 = tpu.memref_squeeze %dma_start3A_206 : memref<1x64xf32, #tpu.memory_space<hbm>> -> memref<64xf32, #tpu.memory_space<hbm>>
      tpu.enqueue_dma source(%dma_start3A_207 : memref<64xf32, #tpu.memory_space<hbm>>) target(%dma_start3A_204 : memref<64xf32, #tpu.memory_space<vmem>>) target_semaphore(%arg14 : memref<!tpu.dma_semaphore, #tpu.memory_space<semaphore_mem>>)
      %slice3A_208 = vector.extract_strided_slice %get3A_15 {offsets = [6], sizes = [1], strides = [1]} : vector<16xi32> to vector<1xi32>
      %squeeze3A_209 = vector.extract %slice3A_208[0] : i32 from vector<1xi32>
      %dma_start3A_210 = arith.constant 6 : i32
      %dma_start3A_211 = arith.constant 0 : i32
      %dma_start3A_212 = tpu.memref_slice %arg11[%dma_start3A_210, %dma_start3A_211] : memref<16x64xf32, #tpu.memory_space<vmem>> -> memref<1x64xf32, #tpu.memory_space<vmem>>
      %dma_start3A_213 = tpu.memref_squeeze %dma_start3A_212 : memref<1x64xf32, #tpu.memory_space<vmem>> -> memref<64xf32, #tpu.memory_space<vmem>>
      %dma_start3A_214 = arith.constant 0 : i32
      %dma_start3A_215 = tpu.memref_slice %arg3[%squeeze3A_209, %dma_start3A_214] : memref<100000x64xf32, #tpu.memory_space<hbm>> -> memref<1x64xf32, #tpu.memory_space<hbm>>
      %dma_start3A_216 = tpu.memref_squeeze %dma_start3A_215 : memref<1x64xf32, #tpu.memory_space<hbm>> -> memref<64xf32, #tpu.memory_space<hbm>>
      %dma_start3A_217 = arith.constant 0 : i32
      %dma_start3A_218 = tpu.memref_slice %arg11[%dma_start3A_210, %dma_start3A_217] : memref<16x64xf32, #tpu.memory_space<vmem>> -> memref<1x64xf32, #tpu.memory_space<vmem>>
      %dma_start3A_219 = tpu.memref_squeeze %dma_start3A_218 : memref<1x64xf32, #tpu.memory_space<vmem>> -> memref<64xf32, #tpu.memory_space<vmem>>
      %dma_start3A_220 = arith.constant 0 : i32
      %dma_start3A_221 = tpu.memref_slice %arg3[%squeeze3A_209, %dma_start3A_220] : memref<100000x64xf32, #tpu.memory_space<hbm>> -> memref<1x64xf32, #tpu.memory_space<hbm>>
      %dma_start3A_222 = tpu.memref_squeeze %dma_start3A_221 : memref<1x64xf32, #tpu.memory_space<hbm>> -> memref<64xf32, #tpu.memory_space<hbm>>
      tpu.enqueue_dma source(%dma_start3A_222 : memref<64xf32, #tpu.memory_space<hbm>>) target(%dma_start3A_219 : memref<64xf32, #tpu.memory_space<vmem>>) target_semaphore(%arg15 : memref<!tpu.dma_semaphore, #tpu.memory_space<semaphore_mem>>)
      %slice3A_223 = vector.extract_strided_slice %get3A_11 {offsets = [7], sizes = [1], strides = [1]} : vector<16xi32> to vector<1xi32>
      %squeeze3A_224 = vector.extract %slice3A_223[0] : i32 from vector<1xi32>
      %dma_start3A_225 = arith.constant 7 : i32
      %dma_start3A_226 = arith.constant 0 : i32
      %dma_start3A_227 = tpu.memref_slice %arg10[%dma_start3A_225, %dma_start3A_226] : memref<16x64xf32, #tpu.memory_space<vmem>> -> memref<1x64xf32, #tpu.memory_space<vmem>>
      %dma_start3A_228 = tpu.memref_squeeze %dma_start3A_227 : memref<1x64xf32, #tpu.memory_space<vmem>> -> memref<64xf32, #tpu.memory_space<vmem>>
      %dma_start3A_229 = arith.constant 0 : i32
      %dma_start3A_230 = tpu.memref_slice %arg2[%squeeze3A_224, %dma_start3A_229] : memref<1000000x64xf32, #tpu.memory_space<hbm>> -> memref<1x64xf32, #tpu.memory_space<hbm>>
      %dma_start3A_231 = tpu.memref_squeeze %dma_start3A_230 : memref<1x64xf32, #tpu.memory_space<hbm>> -> memref<64xf32, #tpu.memory_space<hbm>>
      %dma_start3A_232 = arith.constant 0 : i32
      %dma_start3A_233 = tpu.memref_slice %arg10[%dma_start3A_225, %dma_start3A_232] : memref<16x64xf32, #tpu.memory_space<vmem>> -> memref<1x64xf32, #tpu.memory_space<vmem>>
      %dma_start3A_234 = tpu.memref_squeeze %dma_start3A_233 : memref<1x64xf32, #tpu.memory_space<vmem>> -> memref<64xf32, #tpu.memory_space<vmem>>
      %dma_start3A_235 = arith.constant 0 : i32
      %dma_start3A_236 = tpu.memref_slice %arg2[%squeeze3A_224, %dma_start3A_235] : memref<1000000x64xf32, #tpu.memory_space<hbm>> -> memref<1x64xf32, #tpu.memory_space<hbm>>
      %dma_start3A_237 = tpu.memref_squeeze %dma_start3A_236 : memref<1x64xf32, #tpu.memory_space<hbm>> -> memref<64xf32, #tpu.memory_space<hbm>>
      tpu.enqueue_dma source(%dma_start3A_237 : memref<64xf32, #tpu.memory_space<hbm>>) target(%dma_start3A_234 : memref<64xf32, #tpu.memory_space<vmem>>) target_semaphore(%arg14 : memref<!tpu.dma_semaphore, #tpu.memory_space<semaphore_mem>>)
      %slice3A_238 = vector.extract_strided_slice %get3A_15 {offsets = [7], sizes = [1], strides = [1]} : vector<16xi32> to vector<1xi32>
      %squeeze3A_239 = vector.extract %slice3A_238[0] : i32 from vector<1xi32>
      %dma_start3A_240 = arith.constant 7 : i32
      %dma_start3A_241 = arith.constant 0 : i32
      %dma_start3A_242 = tpu.memref_slice %arg11[%dma_start3A_240, %dma_start3A_241] : memref<16x64xf32, #tpu.memory_space<vmem>> -> memref<1x64xf32, #tpu.memory_space<vmem>>
      %dma_start3A_243 = tpu.memref_squeeze %dma_start3A_242 : memref<1x64xf32, #tpu.memory_space<vmem>> -> memref<64xf32, #tpu.memory_space<vmem>>
      %dma_start3A_244 = arith.constant 0 : i32
      %dma_start3A_245 = tpu.memref_slice %arg3[%squeeze3A_239, %dma_start3A_244] : memref<100000x64xf32, #tpu.memory_space<hbm>> -> memref<1x64xf32, #tpu.memory_space<hbm>>
      %dma_start3A_246 = tpu.memref_squeeze %dma_start3A_245 : memref<1x64xf32, #tpu.memory_space<hbm>> -> memref<64xf32, #tpu.memory_space<hbm>>
      %dma_start3A_247 = arith.constant 0 : i32
      %dma_start3A_248 = tpu.memref_slice %arg11[%dma_start3A_240, %dma_start3A_247] : memref<16x64xf32, #tpu.memory_space<vmem>> -> memref<1x64xf32, #tpu.memory_space<vmem>>
      %dma_start3A_249 = tpu.memref_squeeze %dma_start3A_248 : memref<1x64xf32, #tpu.memory_space<vmem>> -> memref<64xf32, #tpu.memory_space<vmem>>
      %dma_start3A_250 = arith.constant 0 : i32
      %dma_start3A_251 = tpu.memref_slice %arg3[%squeeze3A_239, %dma_start3A_250] : memref<100000x64xf32, #tpu.memory_space<hbm>> -> memref<1x64xf32, #tpu.memory_space<hbm>>
      %dma_start3A_252 = tpu.memref_squeeze %dma_start3A_251 : memref<1x64xf32, #tpu.memory_space<hbm>> -> memref<64xf32, #tpu.memory_space<hbm>>
      tpu.enqueue_dma source(%dma_start3A_252 : memref<64xf32, #tpu.memory_space<hbm>>) target(%dma_start3A_249 : memref<64xf32, #tpu.memory_space<vmem>>) target_semaphore(%arg15 : memref<!tpu.dma_semaphore, #tpu.memory_space<semaphore_mem>>)
      %slice3A_253 = vector.extract_strided_slice %get3A_11 {offsets = [8], sizes = [1], strides = [1]} : vector<16xi32> to vector<1xi32>
      %squeeze3A_254 = vector.extract %slice3A_253[0] : i32 from vector<1xi32>
      %dma_start3A_255 = arith.constant 8 : i32
      %dma_start3A_256 = arith.constant 0 : i32
      %dma_start3A_257 = tpu.memref_slice %arg10[%dma_start3A_255, %dma_start3A_256] : memref<16x64xf32, #tpu.memory_space<vmem>> -> memref<1x64xf32, #tpu.memory_space<vmem>>
      %dma_start3A_258 = tpu.memref_squeeze %dma_start3A_257 : memref<1x64xf32, #tpu.memory_space<vmem>> -> memref<64xf32, #tpu.memory_space<vmem>>
      %dma_start3A_259 = arith.constant 0 : i32
      %dma_start3A_260 = tpu.memref_slice %arg2[%squeeze3A_254, %dma_start3A_259] : memref<1000000x64xf32, #tpu.memory_space<hbm>> -> memref<1x64xf32, #tpu.memory_space<hbm>>
      %dma_start3A_261 = tpu.memref_squeeze %dma_start3A_260 : memref<1x64xf32, #tpu.memory_space<hbm>> -> memref<64xf32, #tpu.memory_space<hbm>>
      %dma_start3A_262 = arith.constant 0 : i32
      %dma_start3A_263 = tpu.memref_slice %arg10[%dma_start3A_255, %dma_start3A_262] : memref<16x64xf32, #tpu.memory_space<vmem>> -> memref<1x64xf32, #tpu.memory_space<vmem>>
      %dma_start3A_264 = tpu.memref_squeeze %dma_start3A_263 : memref<1x64xf32, #tpu.memory_space<vmem>> -> memref<64xf32, #tpu.memory_space<vmem>>
      %dma_start3A_265 = arith.constant 0 : i32
      %dma_start3A_266 = tpu.memref_slice %arg2[%squeeze3A_254, %dma_start3A_265] : memref<1000000x64xf32, #tpu.memory_space<hbm>> -> memref<1x64xf32, #tpu.memory_space<hbm>>
      %dma_start3A_267 = tpu.memref_squeeze %dma_start3A_266 : memref<1x64xf32, #tpu.memory_space<hbm>> -> memref<64xf32, #tpu.memory_space<hbm>>
      tpu.enqueue_dma source(%dma_start3A_267 : memref<64xf32, #tpu.memory_space<hbm>>) target(%dma_start3A_264 : memref<64xf32, #tpu.memory_space<vmem>>) target_semaphore(%arg14 : memref<!tpu.dma_semaphore, #tpu.memory_space<semaphore_mem>>)
      %slice3A_268 = vector.extract_strided_slice %get3A_15 {offsets = [8], sizes = [1], strides = [1]} : vector<16xi32> to vector<1xi32>
      %squeeze3A_269 = vector.extract %slice3A_268[0] : i32 from vector<1xi32>
      %dma_start3A_270 = arith.constant 8 : i32
      %dma_start3A_271 = arith.constant 0 : i32
      %dma_start3A_272 = tpu.memref_slice %arg11[%dma_start3A_270, %dma_start3A_271] : memref<16x64xf32, #tpu.memory_space<vmem>> -> memref<1x64xf32, #tpu.memory_space<vmem>>
      %dma_start3A_273 = tpu.memref_squeeze %dma_start3A_272 : memref<1x64xf32, #tpu.memory_space<vmem>> -> memref<64xf32, #tpu.memory_space<vmem>>
      %dma_start3A_274 = arith.constant 0 : i32
      %dma_start3A_275 = tpu.memref_slice %arg3[%squeeze3A_269, %dma_start3A_274] : memref<100000x64xf32, #tpu.memory_space<hbm>> -> memref<1x64xf32, #tpu.memory_space<hbm>>
      %dma_start3A_276 = tpu.memref_squeeze %dma_start3A_275 : memref<1x64xf32, #tpu.memory_space<hbm>> -> memref<64xf32, #tpu.memory_space<hbm>>
      %dma_start3A_277 = arith.constant 0 : i32
      %dma_start3A_278 = tpu.memref_slice %arg11[%dma_start3A_270, %dma_start3A_277] : memref<16x64xf32, #tpu.memory_space<vmem>> -> memref<1x64xf32, #tpu.memory_space<vmem>>
      %dma_start3A_279 = tpu.memref_squeeze %dma_start3A_278 : memref<1x64xf32, #tpu.memory_space<vmem>> -> memref<64xf32, #tpu.memory_space<vmem>>
      %dma_start3A_280 = arith.constant 0 : i32
      %dma_start3A_281 = tpu.memref_slice %arg3[%squeeze3A_269, %dma_start3A_280] : memref<100000x64xf32, #tpu.memory_space<hbm>> -> memref<1x64xf32, #tpu.memory_space<hbm>>
      %dma_start3A_282 = tpu.memref_squeeze %dma_start3A_281 : memref<1x64xf32, #tpu.memory_space<hbm>> -> memref<64xf32, #tpu.memory_space<hbm>>
      tpu.enqueue_dma source(%dma_start3A_282 : memref<64xf32, #tpu.memory_space<hbm>>) target(%dma_start3A_279 : memref<64xf32, #tpu.memory_space<vmem>>) target_semaphore(%arg15 : memref<!tpu.dma_semaphore, #tpu.memory_space<semaphore_mem>>)
      %slice3A_283 = vector.extract_strided_slice %get3A_11 {offsets = [9], sizes = [1], strides = [1]} : vector<16xi32> to vector<1xi32>
      %squeeze3A_284 = vector.extract %slice3A_283[0] : i32 from vector<1xi32>
      %dma_start3A_285 = arith.constant 9 : i32
      %dma_start3A_286 = arith.constant 0 : i32
      %dma_start3A_287 = tpu.memref_slice %arg10[%dma_start3A_285, %dma_start3A_286] : memref<16x64xf32, #tpu.memory_space<vmem>> -> memref<1x64xf32, #tpu.memory_space<vmem>>
      %dma_start3A_288 = tpu.memref_squeeze %dma_start3A_287 : memref<1x64xf32, #tpu.memory_space<vmem>> -> memref<64xf32, #tpu.memory_space<vmem>>
      %dma_start3A_289 = arith.constant 0 : i32
      %dma_start3A_290 = tpu.memref_slice %arg2[%squeeze3A_284, %dma_start3A_289] : memref<1000000x64xf32, #tpu.memory_space<hbm>> -> memref<1x64xf32, #tpu.memory_space<hbm>>
      %dma_start3A_291 = tpu.memref_squeeze %dma_start3A_290 : memref<1x64xf32, #tpu.memory_space<hbm>> -> memref<64xf32, #tpu.memory_space<hbm>>
      %dma_start3A_292 = arith.constant 0 : i32
      %dma_start3A_293 = tpu.memref_slice %arg10[%dma_start3A_285, %dma_start3A_292] : memref<16x64xf32, #tpu.memory_space<vmem>> -> memref<1x64xf32, #tpu.memory_space<vmem>>
      %dma_start3A_294 = tpu.memref_squeeze %dma_start3A_293 : memref<1x64xf32, #tpu.memory_space<vmem>> -> memref<64xf32, #tpu.memory_space<vmem>>
      %dma_start3A_295 = arith.constant 0 : i32
      %dma_start3A_296 = tpu.memref_slice %arg2[%squeeze3A_284, %dma_start3A_295] : memref<1000000x64xf32, #tpu.memory_space<hbm>> -> memref<1x64xf32, #tpu.memory_space<hbm>>
      %dma_start3A_297 = tpu.memref_squeeze %dma_start3A_296 : memref<1x64xf32, #tpu.memory_space<hbm>> -> memref<64xf32, #tpu.memory_space<hbm>>
      tpu.enqueue_dma source(%dma_start3A_297 : memref<64xf32, #tpu.memory_space<hbm>>) target(%dma_start3A_294 : memref<64xf32, #tpu.memory_space<vmem>>) target_semaphore(%arg14 : memref<!tpu.dma_semaphore, #tpu.memory_space<semaphore_mem>>)
      %slice3A_298 = vector.extract_strided_slice %get3A_15 {offsets = [9], sizes = [1], strides = [1]} : vector<16xi32> to vector<1xi32>
      %squeeze3A_299 = vector.extract %slice3A_298[0] : i32 from vector<1xi32>
      %dma_start3A_300 = arith.constant 9 : i32
      %dma_start3A_301 = arith.constant 0 : i32
      %dma_start3A_302 = tpu.memref_slice %arg11[%dma_start3A_300, %dma_start3A_301] : memref<16x64xf32, #tpu.memory_space<vmem>> -> memref<1x64xf32, #tpu.memory_space<vmem>>
      %dma_start3A_303 = tpu.memref_squeeze %dma_start3A_302 : memref<1x64xf32, #tpu.memory_space<vmem>> -> memref<64xf32, #tpu.memory_space<vmem>>
      %dma_start3A_304 = arith.constant 0 : i32
      %dma_start3A_305 = tpu.memref_slice %arg3[%squeeze3A_299, %dma_start3A_304] : memref<100000x64xf32, #tpu.memory_space<hbm>> -> memref<1x64xf32, #tpu.memory_space<hbm>>
      %dma_start3A_306 = tpu.memref_squeeze %dma_start3A_305 : memref<1x64xf32, #tpu.memory_space<hbm>> -> memref<64xf32, #tpu.memory_space<hbm>>
      %dma_start3A_307 = arith.constant 0 : i32
      %dma_start3A_308 = tpu.memref_slice %arg11[%dma_start3A_300, %dma_start3A_307] : memref<16x64xf32, #tpu.memory_space<vmem>> -> memref<1x64xf32, #tpu.memory_space<vmem>>
      %dma_start3A_309 = tpu.memref_squeeze %dma_start3A_308 : memref<1x64xf32, #tpu.memory_space<vmem>> -> memref<64xf32, #tpu.memory_space<vmem>>
      %dma_start3A_310 = arith.constant 0 : i32
      %dma_start3A_311 = tpu.memref_slice %arg3[%squeeze3A_299, %dma_start3A_310] : memref<100000x64xf32, #tpu.memory_space<hbm>> -> memref<1x64xf32, #tpu.memory_space<hbm>>
      %dma_start3A_312 = tpu.memref_squeeze %dma_start3A_311 : memref<1x64xf32, #tpu.memory_space<hbm>> -> memref<64xf32, #tpu.memory_space<hbm>>
      tpu.enqueue_dma source(%dma_start3A_312 : memref<64xf32, #tpu.memory_space<hbm>>) target(%dma_start3A_309 : memref<64xf32, #tpu.memory_space<vmem>>) target_semaphore(%arg15 : memref<!tpu.dma_semaphore, #tpu.memory_space<semaphore_mem>>)
      %slice3A_313 = vector.extract_strided_slice %get3A_11 {offsets = [10], sizes = [1], strides = [1]} : vector<16xi32> to vector<1xi32>
      %squeeze3A_314 = vector.extract %slice3A_313[0] : i32 from vector<1xi32>
      %dma_start3A_315 = arith.constant 10 : i32
      %dma_start3A_316 = arith.constant 0 : i32
      %dma_start3A_317 = tpu.memref_slice %arg10[%dma_start3A_315, %dma_start3A_316] : memref<16x64xf32, #tpu.memory_space<vmem>> -> memref<1x64xf32, #tpu.memory_space<vmem>>
      %dma_start3A_318 = tpu.memref_squeeze %dma_start3A_317 : memref<1x64xf32, #tpu.memory_space<vmem>> -> memref<64xf32, #tpu.memory_space<vmem>>
      %dma_start3A_319 = arith.constant 0 : i32
      %dma_start3A_320 = tpu.memref_slice %arg2[%squeeze3A_314, %dma_start3A_319] : memref<1000000x64xf32, #tpu.memory_space<hbm>> -> memref<1x64xf32, #tpu.memory_space<hbm>>
      %dma_start3A_321 = tpu.memref_squeeze %dma_start3A_320 : memref<1x64xf32, #tpu.memory_space<hbm>> -> memref<64xf32, #tpu.memory_space<hbm>>
      %dma_start3A_322 = arith.constant 0 : i32
      %dma_start3A_323 = tpu.memref_slice %arg10[%dma_start3A_315, %dma_start3A_322] : memref<16x64xf32, #tpu.memory_space<vmem>> -> memref<1x64xf32, #tpu.memory_space<vmem>>
      %dma_start3A_324 = tpu.memref_squeeze %dma_start3A_323 : memref<1x64xf32, #tpu.memory_space<vmem>> -> memref<64xf32, #tpu.memory_space<vmem>>
      %dma_start3A_325 = arith.constant 0 : i32
      %dma_start3A_326 = tpu.memref_slice %arg2[%squeeze3A_314, %dma_start3A_325] : memref<1000000x64xf32, #tpu.memory_space<hbm>> -> memref<1x64xf32, #tpu.memory_space<hbm>>
      %dma_start3A_327 = tpu.memref_squeeze %dma_start3A_326 : memref<1x64xf32, #tpu.memory_space<hbm>> -> memref<64xf32, #tpu.memory_space<hbm>>
      tpu.enqueue_dma source(%dma_start3A_327 : memref<64xf32, #tpu.memory_space<hbm>>) target(%dma_start3A_324 : memref<64xf32, #tpu.memory_space<vmem>>) target_semaphore(%arg14 : memref<!tpu.dma_semaphore, #tpu.memory_space<semaphore_mem>>)
      %slice3A_328 = vector.extract_strided_slice %get3A_15 {offsets = [10], sizes = [1], strides = [1]} : vector<16xi32> to vector<1xi32>
      %squeeze3A_329 = vector.extract %slice3A_328[0] : i32 from vector<1xi32>
      %dma_start3A_330 = arith.constant 10 : i32
      %dma_start3A_331 = arith.constant 0 : i32
      %dma_start3A_332 = tpu.memref_slice %arg11[%dma_start3A_330, %dma_start3A_331] : memref<16x64xf32, #tpu.memory_space<vmem>> -> memref<1x64xf32, #tpu.memory_space<vmem>>
      %dma_start3A_333 = tpu.memref_squeeze %dma_start3A_332 : memref<1x64xf32, #tpu.memory_space<vmem>> -> memref<64xf32, #tpu.memory_space<vmem>>
      %dma_start3A_334 = arith.constant 0 : i32
      %dma_start3A_335 = tpu.memref_slice %arg3[%squeeze3A_329, %dma_start3A_334] : memref<100000x64xf32, #tpu.memory_space<hbm>> -> memref<1x64xf32, #tpu.memory_space<hbm>>
      %dma_start3A_336 = tpu.memref_squeeze %dma_start3A_335 : memref<1x64xf32, #tpu.memory_space<hbm>> -> memref<64xf32, #tpu.memory_space<hbm>>
      %dma_start3A_337 = arith.constant 0 : i32
      %dma_start3A_338 = tpu.memref_slice %arg11[%dma_start3A_330, %dma_start3A_337] : memref<16x64xf32, #tpu.memory_space<vmem>> -> memref<1x64xf32, #tpu.memory_space<vmem>>
      %dma_start3A_339 = tpu.memref_squeeze %dma_start3A_338 : memref<1x64xf32, #tpu.memory_space<vmem>> -> memref<64xf32, #tpu.memory_space<vmem>>
      %dma_start3A_340 = arith.constant 0 : i32
      %dma_start3A_341 = tpu.memref_slice %arg3[%squeeze3A_329, %dma_start3A_340] : memref<100000x64xf32, #tpu.memory_space<hbm>> -> memref<1x64xf32, #tpu.memory_space<hbm>>
      %dma_start3A_342 = tpu.memref_squeeze %dma_start3A_341 : memref<1x64xf32, #tpu.memory_space<hbm>> -> memref<64xf32, #tpu.memory_space<hbm>>
      tpu.enqueue_dma source(%dma_start3A_342 : memref<64xf32, #tpu.memory_space<hbm>>) target(%dma_start3A_339 : memref<64xf32, #tpu.memory_space<vmem>>) target_semaphore(%arg15 : memref<!tpu.dma_semaphore, #tpu.memory_space<semaphore_mem>>)
      %slice3A_343 = vector.extract_strided_slice %get3A_11 {offsets = [11], sizes = [1], strides = [1]} : vector<16xi32> to vector<1xi32>
      %squeeze3A_344 = vector.extract %slice3A_343[0] : i32 from vector<1xi32>
      %dma_start3A_345 = arith.constant 11 : i32
      %dma_start3A_346 = arith.constant 0 : i32
      %dma_start3A_347 = tpu.memref_slice %arg10[%dma_start3A_345, %dma_start3A_346] : memref<16x64xf32, #tpu.memory_space<vmem>> -> memref<1x64xf32, #tpu.memory_space<vmem>>
      %dma_start3A_348 = tpu.memref_squeeze %dma_start3A_347 : memref<1x64xf32, #tpu.memory_space<vmem>> -> memref<64xf32, #tpu.memory_space<vmem>>
      %dma_start3A_349 = arith.constant 0 : i32
      %dma_start3A_350 = tpu.memref_slice %arg2[%squeeze3A_344, %dma_start3A_349] : memref<1000000x64xf32, #tpu.memory_space<hbm>> -> memref<1x64xf32, #tpu.memory_space<hbm>>
      %dma_start3A_351 = tpu.memref_squeeze %dma_start3A_350 : memref<1x64xf32, #tpu.memory_space<hbm>> -> memref<64xf32, #tpu.memory_space<hbm>>
      %dma_start3A_352 = arith.constant 0 : i32
      %dma_start3A_353 = tpu.memref_slice %arg10[%dma_start3A_345, %dma_start3A_352] : memref<16x64xf32, #tpu.memory_space<vmem>> -> memref<1x64xf32, #tpu.memory_space<vmem>>
      %dma_start3A_354 = tpu.memref_squeeze %dma_start3A_353 : memref<1x64xf32, #tpu.memory_space<vmem>> -> memref<64xf32, #tpu.memory_space<vmem>>
      %dma_start3A_355 = arith.constant 0 : i32
      %dma_start3A_356 = tpu.memref_slice %arg2[%squeeze3A_344, %dma_start3A_355] : memref<1000000x64xf32, #tpu.memory_space<hbm>> -> memref<1x64xf32, #tpu.memory_space<hbm>>
      %dma_start3A_357 = tpu.memref_squeeze %dma_start3A_356 : memref<1x64xf32, #tpu.memory_space<hbm>> -> memref<64xf32, #tpu.memory_space<hbm>>
      tpu.enqueue_dma source(%dma_start3A_357 : memref<64xf32, #tpu.memory_space<hbm>>) target(%dma_start3A_354 : memref<64xf32, #tpu.memory_space<vmem>>) target_semaphore(%arg14 : memref<!tpu.dma_semaphore, #tpu.memory_space<semaphore_mem>>)
      %slice3A_358 = vector.extract_strided_slice %get3A_15 {offsets = [11], sizes = [1], strides = [1]} : vector<16xi32> to vector<1xi32>
      %squeeze3A_359 = vector.extract %slice3A_358[0] : i32 from vector<1xi32>
      %dma_start3A_360 = arith.constant 11 : i32
      %dma_start3A_361 = arith.constant 0 : i32
      %dma_start3A_362 = tpu.memref_slice %arg11[%dma_start3A_360, %dma_start3A_361] : memref<16x64xf32, #tpu.memory_space<vmem>> -> memref<1x64xf32, #tpu.memory_space<vmem>>
      %dma_start3A_363 = tpu.memref_squeeze %dma_start3A_362 : memref<1x64xf32, #tpu.memory_space<vmem>> -> memref<64xf32, #tpu.memory_space<vmem>>
      %dma_start3A_364 = arith.constant 0 : i32
      %dma_start3A_365 = tpu.memref_slice %arg3[%squeeze3A_359, %dma_start3A_364] : memref<100000x64xf32, #tpu.memory_space<hbm>> -> memref<1x64xf32, #tpu.memory_space<hbm>>
      %dma_start3A_366 = tpu.memref_squeeze %dma_start3A_365 : memref<1x64xf32, #tpu.memory_space<hbm>> -> memref<64xf32, #tpu.memory_space<hbm>>
      %dma_start3A_367 = arith.constant 0 : i32
      %dma_start3A_368 = tpu.memref_slice %arg11[%dma_start3A_360, %dma_start3A_367] : memref<16x64xf32, #tpu.memory_space<vmem>> -> memref<1x64xf32, #tpu.memory_space<vmem>>
      %dma_start3A_369 = tpu.memref_squeeze %dma_start3A_368 : memref<1x64xf32, #tpu.memory_space<vmem>> -> memref<64xf32, #tpu.memory_space<vmem>>
      %dma_start3A_370 = arith.constant 0 : i32
      %dma_start3A_371 = tpu.memref_slice %arg3[%squeeze3A_359, %dma_start3A_370] : memref<100000x64xf32, #tpu.memory_space<hbm>> -> memref<1x64xf32, #tpu.memory_space<hbm>>
      %dma_start3A_372 = tpu.memref_squeeze %dma_start3A_371 : memref<1x64xf32, #tpu.memory_space<hbm>> -> memref<64xf32, #tpu.memory_space<hbm>>
      tpu.enqueue_dma source(%dma_start3A_372 : memref<64xf32, #tpu.memory_space<hbm>>) target(%dma_start3A_369 : memref<64xf32, #tpu.memory_space<vmem>>) target_semaphore(%arg15 : memref<!tpu.dma_semaphore, #tpu.memory_space<semaphore_mem>>)
      %slice3A_373 = vector.extract_strided_slice %get3A_11 {offsets = [12], sizes = [1], strides = [1]} : vector<16xi32> to vector<1xi32>
      %squeeze3A_374 = vector.extract %slice3A_373[0] : i32 from vector<1xi32>
      %dma_start3A_375 = arith.constant 12 : i32
      %dma_start3A_376 = arith.constant 0 : i32
      %dma_start3A_377 = tpu.memref_slice %arg10[%dma_start3A_375, %dma_start3A_376] : memref<16x64xf32, #tpu.memory_space<vmem>> -> memref<1x64xf32, #tpu.memory_space<vmem>>
      %dma_start3A_378 = tpu.memref_squeeze %dma_start3A_377 : memref<1x64xf32, #tpu.memory_space<vmem>> -> memref<64xf32, #tpu.memory_space<vmem>>
      %dma_start3A_379 = arith.constant 0 : i32
      %dma_start3A_380 = tpu.memref_slice %arg2[%squeeze3A_374, %dma_start3A_379] : memref<1000000x64xf32, #tpu.memory_space<hbm>> -> memref<1x64xf32, #tpu.memory_space<hbm>>
      %dma_start3A_381 = tpu.memref_squeeze %dma_start3A_380 : memref<1x64xf32, #tpu.memory_space<hbm>> -> memref<64xf32, #tpu.memory_space<hbm>>
      %dma_start3A_382 = arith.constant 0 : i32
      %dma_start3A_383 = tpu.memref_slice %arg10[%dma_start3A_375, %dma_start3A_382] : memref<16x64xf32, #tpu.memory_space<vmem>> -> memref<1x64xf32, #tpu.memory_space<vmem>>
      %dma_start3A_384 = tpu.memref_squeeze %dma_start3A_383 : memref<1x64xf32, #tpu.memory_space<vmem>> -> memref<64xf32, #tpu.memory_space<vmem>>
      %dma_start3A_385 = arith.constant 0 : i32
      %dma_start3A_386 = tpu.memref_slice %arg2[%squeeze3A_374, %dma_start3A_385] : memref<1000000x64xf32, #tpu.memory_space<hbm>> -> memref<1x64xf32, #tpu.memory_space<hbm>>
      %dma_start3A_387 = tpu.memref_squeeze %dma_start3A_386 : memref<1x64xf32, #tpu.memory_space<hbm>> -> memref<64xf32, #tpu.memory_space<hbm>>
      tpu.enqueue_dma source(%dma_start3A_387 : memref<64xf32, #tpu.memory_space<hbm>>) target(%dma_start3A_384 : memref<64xf32, #tpu.memory_space<vmem>>) target_semaphore(%arg14 : memref<!tpu.dma_semaphore, #tpu.memory_space<semaphore_mem>>)
      %slice3A_388 = vector.extract_strided_slice %get3A_15 {offsets = [12], sizes = [1], strides = [1]} : vector<16xi32> to vector<1xi32>
      %squeeze3A_389 = vector.extract %slice3A_388[0] : i32 from vector<1xi32>
      %dma_start3A_390 = arith.constant 12 : i32
      %dma_start3A_391 = arith.constant 0 : i32
      %dma_start3A_392 = tpu.memref_slice %arg11[%dma_start3A_390, %dma_start3A_391] : memref<16x64xf32, #tpu.memory_space<vmem>> -> memref<1x64xf32, #tpu.memory_space<vmem>>
      %dma_start3A_393 = tpu.memref_squeeze %dma_start3A_392 : memref<1x64xf32, #tpu.memory_space<vmem>> -> memref<64xf32, #tpu.memory_space<vmem>>
      %dma_start3A_394 = arith.constant 0 : i32
      %dma_start3A_395 = tpu.memref_slice %arg3[%squeeze3A_389, %dma_start3A_394] : memref<100000x64xf32, #tpu.memory_space<hbm>> -> memref<1x64xf32, #tpu.memory_space<hbm>>
      %dma_start3A_396 = tpu.memref_squeeze %dma_start3A_395 : memref<1x64xf32, #tpu.memory_space<hbm>> -> memref<64xf32, #tpu.memory_space<hbm>>
      %dma_start3A_397 = arith.constant 0 : i32
      %dma_start3A_398 = tpu.memref_slice %arg11[%dma_start3A_390, %dma_start3A_397] : memref<16x64xf32, #tpu.memory_space<vmem>> -> memref<1x64xf32, #tpu.memory_space<vmem>>
      %dma_start3A_399 = tpu.memref_squeeze %dma_start3A_398 : memref<1x64xf32, #tpu.memory_space<vmem>> -> memref<64xf32, #tpu.memory_space<vmem>>
      %dma_start3A_400 = arith.constant 0 : i32
      %dma_start3A_401 = tpu.memref_slice %arg3[%squeeze3A_389, %dma_start3A_400] : memref<100000x64xf32, #tpu.memory_space<hbm>> -> memref<1x64xf32, #tpu.memory_space<hbm>>
      %dma_start3A_402 = tpu.memref_squeeze %dma_start3A_401 : memref<1x64xf32, #tpu.memory_space<hbm>> -> memref<64xf32, #tpu.memory_space<hbm>>
      tpu.enqueue_dma source(%dma_start3A_402 : memref<64xf32, #tpu.memory_space<hbm>>) target(%dma_start3A_399 : memref<64xf32, #tpu.memory_space<vmem>>) target_semaphore(%arg15 : memref<!tpu.dma_semaphore, #tpu.memory_space<semaphore_mem>>)
      %slice3A_403 = vector.extract_strided_slice %get3A_11 {offsets = [13], sizes = [1], strides = [1]} : vector<16xi32> to vector<1xi32>
      %squeeze3A_404 = vector.extract %slice3A_403[0] : i32 from vector<1xi32>
      %dma_start3A_405 = arith.constant 13 : i32
      %dma_start3A_406 = arith.constant 0 : i32
      %dma_start3A_407 = tpu.memref_slice %arg10[%dma_start3A_405, %dma_start3A_406] : memref<16x64xf32, #tpu.memory_space<vmem>> -> memref<1x64xf32, #tpu.memory_space<vmem>>
      %dma_start3A_408 = tpu.memref_squeeze %dma_start3A_407 : memref<1x64xf32, #tpu.memory_space<vmem>> -> memref<64xf32, #tpu.memory_space<vmem>>
      %dma_start3A_409 = arith.constant 0 : i32
      %dma_start3A_410 = tpu.memref_slice %arg2[%squeeze3A_404, %dma_start3A_409] : memref<1000000x64xf32, #tpu.memory_space<hbm>> -> memref<1x64xf32, #tpu.memory_space<hbm>>
      %dma_start3A_411 = tpu.memref_squeeze %dma_start3A_410 : memref<1x64xf32, #tpu.memory_space<hbm>> -> memref<64xf32, #tpu.memory_space<hbm>>
      %dma_start3A_412 = arith.constant 0 : i32
      %dma_start3A_413 = tpu.memref_slice %arg10[%dma_start3A_405, %dma_start3A_412] : memref<16x64xf32, #tpu.memory_space<vmem>> -> memref<1x64xf32, #tpu.memory_space<vmem>>
      %dma_start3A_414 = tpu.memref_squeeze %dma_start3A_413 : memref<1x64xf32, #tpu.memory_space<vmem>> -> memref<64xf32, #tpu.memory_space<vmem>>
      %dma_start3A_415 = arith.constant 0 : i32
      %dma_start3A_416 = tpu.memref_slice %arg2[%squeeze3A_404, %dma_start3A_415] : memref<1000000x64xf32, #tpu.memory_space<hbm>> -> memref<1x64xf32, #tpu.memory_space<hbm>>
      %dma_start3A_417 = tpu.memref_squeeze %dma_start3A_416 : memref<1x64xf32, #tpu.memory_space<hbm>> -> memref<64xf32, #tpu.memory_space<hbm>>
      tpu.enqueue_dma source(%dma_start3A_417 : memref<64xf32, #tpu.memory_space<hbm>>) target(%dma_start3A_414 : memref<64xf32, #tpu.memory_space<vmem>>) target_semaphore(%arg14 : memref<!tpu.dma_semaphore, #tpu.memory_space<semaphore_mem>>)
      %slice3A_418 = vector.extract_strided_slice %get3A_15 {offsets = [13], sizes = [1], strides = [1]} : vector<16xi32> to vector<1xi32>
      %squeeze3A_419 = vector.extract %slice3A_418[0] : i32 from vector<1xi32>
      %dma_start3A_420 = arith.constant 13 : i32
      %dma_start3A_421 = arith.constant 0 : i32
      %dma_start3A_422 = tpu.memref_slice %arg11[%dma_start3A_420, %dma_start3A_421] : memref<16x64xf32, #tpu.memory_space<vmem>> -> memref<1x64xf32, #tpu.memory_space<vmem>>
      %dma_start3A_423 = tpu.memref_squeeze %dma_start3A_422 : memref<1x64xf32, #tpu.memory_space<vmem>> -> memref<64xf32, #tpu.memory_space<vmem>>
      %dma_start3A_424 = arith.constant 0 : i32
      %dma_start3A_425 = tpu.memref_slice %arg3[%squeeze3A_419, %dma_start3A_424] : memref<100000x64xf32, #tpu.memory_space<hbm>> -> memref<1x64xf32, #tpu.memory_space<hbm>>
      %dma_start3A_426 = tpu.memref_squeeze %dma_start3A_425 : memref<1x64xf32, #tpu.memory_space<hbm>> -> memref<64xf32, #tpu.memory_space<hbm>>
      %dma_start3A_427 = arith.constant 0 : i32
      %dma_start3A_428 = tpu.memref_slice %arg11[%dma_start3A_420, %dma_start3A_427] : memref<16x64xf32, #tpu.memory_space<vmem>> -> memref<1x64xf32, #tpu.memory_space<vmem>>
      %dma_start3A_429 = tpu.memref_squeeze %dma_start3A_428 : memref<1x64xf32, #tpu.memory_space<vmem>> -> memref<64xf32, #tpu.memory_space<vmem>>
      %dma_start3A_430 = arith.constant 0 : i32
      %dma_start3A_431 = tpu.memref_slice %arg3[%squeeze3A_419, %dma_start3A_430] : memref<100000x64xf32, #tpu.memory_space<hbm>> -> memref<1x64xf32, #tpu.memory_space<hbm>>
      %dma_start3A_432 = tpu.memref_squeeze %dma_start3A_431 : memref<1x64xf32, #tpu.memory_space<hbm>> -> memref<64xf32, #tpu.memory_space<hbm>>
      tpu.enqueue_dma source(%dma_start3A_432 : memref<64xf32, #tpu.memory_space<hbm>>) target(%dma_start3A_429 : memref<64xf32, #tpu.memory_space<vmem>>) target_semaphore(%arg15 : memref<!tpu.dma_semaphore, #tpu.memory_space<semaphore_mem>>)
      %slice3A_433 = vector.extract_strided_slice %get3A_11 {offsets = [14], sizes = [1], strides = [1]} : vector<16xi32> to vector<1xi32>
      %squeeze3A_434 = vector.extract %slice3A_433[0] : i32 from vector<1xi32>
      %dma_start3A_435 = arith.constant 14 : i32
      %dma_start3A_436 = arith.constant 0 : i32
      %dma_start3A_437 = tpu.memref_slice %arg10[%dma_start3A_435, %dma_start3A_436] : memref<16x64xf32, #tpu.memory_space<vmem>> -> memref<1x64xf32, #tpu.memory_space<vmem>>
      %dma_start3A_438 = tpu.memref_squeeze %dma_start3A_437 : memref<1x64xf32, #tpu.memory_space<vmem>> -> memref<64xf32, #tpu.memory_space<vmem>>
      %dma_start3A_439 = arith.constant 0 : i32
      %dma_start3A_440 = tpu.memref_slice %arg2[%squeeze3A_434, %dma_start3A_439] : memref<1000000x64xf32, #tpu.memory_space<hbm>> -> memref<1x64xf32, #tpu.memory_space<hbm>>
      %dma_start3A_441 = tpu.memref_squeeze %dma_start3A_440 : memref<1x64xf32, #tpu.memory_space<hbm>> -> memref<64xf32, #tpu.memory_space<hbm>>
      %dma_start3A_442 = arith.constant 0 : i32
      %dma_start3A_443 = tpu.memref_slice %arg10[%dma_start3A_435, %dma_start3A_442] : memref<16x64xf32, #tpu.memory_space<vmem>> -> memref<1x64xf32, #tpu.memory_space<vmem>>
      %dma_start3A_444 = tpu.memref_squeeze %dma_start3A_443 : memref<1x64xf32, #tpu.memory_space<vmem>> -> memref<64xf32, #tpu.memory_space<vmem>>
      %dma_start3A_445 = arith.constant 0 : i32
      %dma_start3A_446 = tpu.memref_slice %arg2[%squeeze3A_434, %dma_start3A_445] : memref<1000000x64xf32, #tpu.memory_space<hbm>> -> memref<1x64xf32, #tpu.memory_space<hbm>>
      %dma_start3A_447 = tpu.memref_squeeze %dma_start3A_446 : memref<1x64xf32, #tpu.memory_space<hbm>> -> memref<64xf32, #tpu.memory_space<hbm>>
      tpu.enqueue_dma source(%dma_start3A_447 : memref<64xf32, #tpu.memory_space<hbm>>) target(%dma_start3A_444 : memref<64xf32, #tpu.memory_space<vmem>>) target_semaphore(%arg14 : memref<!tpu.dma_semaphore, #tpu.memory_space<semaphore_mem>>)
      %slice3A_448 = vector.extract_strided_slice %get3A_15 {offsets = [14], sizes = [1], strides = [1]} : vector<16xi32> to vector<1xi32>
      %squeeze3A_449 = vector.extract %slice3A_448[0] : i32 from vector<1xi32>
      %dma_start3A_450 = arith.constant 14 : i32
      %dma_start3A_451 = arith.constant 0 : i32
      %dma_start3A_452 = tpu.memref_slice %arg11[%dma_start3A_450, %dma_start3A_451] : memref<16x64xf32, #tpu.memory_space<vmem>> -> memref<1x64xf32, #tpu.memory_space<vmem>>
      %dma_start3A_453 = tpu.memref_squeeze %dma_start3A_452 : memref<1x64xf32, #tpu.memory_space<vmem>> -> memref<64xf32, #tpu.memory_space<vmem>>
      %dma_start3A_454 = arith.constant 0 : i32
      %dma_start3A_455 = tpu.memref_slice %arg3[%squeeze3A_449, %dma_start3A_454] : memref<100000x64xf32, #tpu.memory_space<hbm>> -> memref<1x64xf32, #tpu.memory_space<hbm>>
      %dma_start3A_456 = tpu.memref_squeeze %dma_start3A_455 : memref<1x64xf32, #tpu.memory_space<hbm>> -> memref<64xf32, #tpu.memory_space<hbm>>
      %dma_start3A_457 = arith.constant 0 : i32
      %dma_start3A_458 = tpu.memref_slice %arg11[%dma_start3A_450, %dma_start3A_457] : memref<16x64xf32, #tpu.memory_space<vmem>> -> memref<1x64xf32, #tpu.memory_space<vmem>>
      %dma_start3A_459 = tpu.memref_squeeze %dma_start3A_458 : memref<1x64xf32, #tpu.memory_space<vmem>> -> memref<64xf32, #tpu.memory_space<vmem>>
      %dma_start3A_460 = arith.constant 0 : i32
      %dma_start3A_461 = tpu.memref_slice %arg3[%squeeze3A_449, %dma_start3A_460] : memref<100000x64xf32, #tpu.memory_space<hbm>> -> memref<1x64xf32, #tpu.memory_space<hbm>>
      %dma_start3A_462 = tpu.memref_squeeze %dma_start3A_461 : memref<1x64xf32, #tpu.memory_space<hbm>> -> memref<64xf32, #tpu.memory_space<hbm>>
      tpu.enqueue_dma source(%dma_start3A_462 : memref<64xf32, #tpu.memory_space<hbm>>) target(%dma_start3A_459 : memref<64xf32, #tpu.memory_space<vmem>>) target_semaphore(%arg15 : memref<!tpu.dma_semaphore, #tpu.memory_space<semaphore_mem>>)
      %slice3A_463 = vector.extract_strided_slice %get3A_11 {offsets = [15], sizes = [1], strides = [1]} : vector<16xi32> to vector<1xi32>
      %squeeze3A_464 = vector.extract %slice3A_463[0] : i32 from vector<1xi32>
      %dma_start3A_465 = arith.constant 15 : i32
      %dma_start3A_466 = arith.constant 0 : i32
      %dma_start3A_467 = tpu.memref_slice %arg10[%dma_start3A_465, %dma_start3A_466] : memref<16x64xf32, #tpu.memory_space<vmem>> -> memref<1x64xf32, #tpu.memory_space<vmem>>
      %dma_start3A_468 = tpu.memref_squeeze %dma_start3A_467 : memref<1x64xf32, #tpu.memory_space<vmem>> -> memref<64xf32, #tpu.memory_space<vmem>>
      %dma_start3A_469 = arith.constant 0 : i32
      %dma_start3A_470 = tpu.memref_slice %arg2[%squeeze3A_464, %dma_start3A_469] : memref<1000000x64xf32, #tpu.memory_space<hbm>> -> memref<1x64xf32, #tpu.memory_space<hbm>>
      %dma_start3A_471 = tpu.memref_squeeze %dma_start3A_470 : memref<1x64xf32, #tpu.memory_space<hbm>> -> memref<64xf32, #tpu.memory_space<hbm>>
      %dma_start3A_472 = arith.constant 0 : i32
      %dma_start3A_473 = tpu.memref_slice %arg10[%dma_start3A_465, %dma_start3A_472] : memref<16x64xf32, #tpu.memory_space<vmem>> -> memref<1x64xf32, #tpu.memory_space<vmem>>
      %dma_start3A_474 = tpu.memref_squeeze %dma_start3A_473 : memref<1x64xf32, #tpu.memory_space<vmem>> -> memref<64xf32, #tpu.memory_space<vmem>>
      %dma_start3A_475 = arith.constant 0 : i32
      %dma_start3A_476 = tpu.memref_slice %arg2[%squeeze3A_464, %dma_start3A_475] : memref<1000000x64xf32, #tpu.memory_space<hbm>> -> memref<1x64xf32, #tpu.memory_space<hbm>>
      %dma_start3A_477 = tpu.memref_squeeze %dma_start3A_476 : memref<1x64xf32, #tpu.memory_space<hbm>> -> memref<64xf32, #tpu.memory_space<hbm>>
      tpu.enqueue_dma source(%dma_start3A_477 : memref<64xf32, #tpu.memory_space<hbm>>) target(%dma_start3A_474 : memref<64xf32, #tpu.memory_space<vmem>>) target_semaphore(%arg14 : memref<!tpu.dma_semaphore, #tpu.memory_space<semaphore_mem>>)
      %slice3A_478 = vector.extract_strided_slice %get3A_15 {offsets = [15], sizes = [1], strides = [1]} : vector<16xi32> to vector<1xi32>
      %squeeze3A_479 = vector.extract %slice3A_478[0] : i32 from vector<1xi32>
      %dma_start3A_480 = arith.constant 15 : i32
      %dma_start3A_481 = arith.constant 0 : i32
      %dma_start3A_482 = tpu.memref_slice %arg11[%dma_start3A_480, %dma_start3A_481] : memref<16x64xf32, #tpu.memory_space<vmem>> -> memref<1x64xf32, #tpu.memory_space<vmem>>
      %dma_start3A_483 = tpu.memref_squeeze %dma_start3A_482 : memref<1x64xf32, #tpu.memory_space<vmem>> -> memref<64xf32, #tpu.memory_space<vmem>>
      %dma_start3A_484 = arith.constant 0 : i32
      %dma_start3A_485 = tpu.memref_slice %arg3[%squeeze3A_479, %dma_start3A_484] : memref<100000x64xf32, #tpu.memory_space<hbm>> -> memref<1x64xf32, #tpu.memory_space<hbm>>
      %dma_start3A_486 = tpu.memref_squeeze %dma_start3A_485 : memref<1x64xf32, #tpu.memory_space<hbm>> -> memref<64xf32, #tpu.memory_space<hbm>>
      %dma_start3A_487 = arith.constant 0 : i32
      %dma_start3A_488 = tpu.memref_slice %arg11[%dma_start3A_480, %dma_start3A_487] : memref<16x64xf32, #tpu.memory_space<vmem>> -> memref<1x64xf32, #tpu.memory_space<vmem>>
      %dma_start3A_489 = tpu.memref_squeeze %dma_start3A_488 : memref<1x64xf32, #tpu.memory_space<vmem>> -> memref<64xf32, #tpu.memory_space<vmem>>
      %dma_start3A_490 = arith.constant 0 : i32
      %dma_start3A_491 = tpu.memref_slice %arg3[%squeeze3A_479, %dma_start3A_490] : memref<100000x64xf32, #tpu.memory_space<hbm>> -> memref<1x64xf32, #tpu.memory_space<hbm>>
      %dma_start3A_492 = tpu.memref_squeeze %dma_start3A_491 : memref<1x64xf32, #tpu.memory_space<hbm>> -> memref<64xf32, #tpu.memory_space<hbm>>
      tpu.enqueue_dma source(%dma_start3A_492 : memref<64xf32, #tpu.memory_space<hbm>>) target(%dma_start3A_489 : memref<64xf32, #tpu.memory_space<vmem>>) target_semaphore(%arg15 : memref<!tpu.dma_semaphore, #tpu.memory_space<semaphore_mem>>)
      %dma_wait3A = arith.constant 0 : i32
      %dma_wait3A_493 = arith.constant 0 : i32
      %dma_wait3A_494 = tpu.memref_slice %arg10[%dma_wait3A, %dma_wait3A_493] : memref<16x64xf32, #tpu.memory_space<vmem>> -> memref<1x64xf32, #tpu.memory_space<vmem>>
      %dma_wait3A_495 = tpu.memref_squeeze %dma_wait3A_494 : memref<1x64xf32, #tpu.memory_space<vmem>> -> memref<64xf32, #tpu.memory_space<vmem>>
      %dma_wait3A_496 = arith.constant 0 : i32
      %dma_wait3A_497 = tpu.memref_slice %arg2[%squeeze3A, %dma_wait3A_496] : memref<1000000x64xf32, #tpu.memory_space<hbm>> -> memref<1x64xf32, #tpu.memory_space<hbm>>
      %dma_wait3A_498 = tpu.memref_squeeze %dma_wait3A_497 : memref<1x64xf32, #tpu.memory_space<hbm>> -> memref<64xf32, #tpu.memory_space<hbm>>
      %dma_wait3A_499 = arith.constant 0 : i32
      %dma_wait3A_500 = tpu.memref_slice %arg10[%dma_wait3A, %dma_wait3A_499] : memref<16x64xf32, #tpu.memory_space<vmem>> -> memref<1x64xf32, #tpu.memory_space<vmem>>
      %dma_wait3A_501 = tpu.memref_squeeze %dma_wait3A_500 : memref<1x64xf32, #tpu.memory_space<vmem>> -> memref<64xf32, #tpu.memory_space<vmem>>
      %dma_wait3A_502 = arith.constant 0 : i32
      %dma_wait3A_503 = tpu.memref_slice %arg2[%squeeze3A, %dma_wait3A_502] : memref<1000000x64xf32, #tpu.memory_space<hbm>> -> memref<1x64xf32, #tpu.memory_space<hbm>>
      %dma_wait3A_504 = tpu.memref_squeeze %dma_wait3A_503 : memref<1x64xf32, #tpu.memory_space<hbm>> -> memref<64xf32, #tpu.memory_space<hbm>>
      tpu.wait_dma2 semaphore(%arg14 : memref<!tpu.dma_semaphore, #tpu.memory_space<semaphore_mem>>) src(%dma_wait3A_504 : memref<64xf32, #tpu.memory_space<hbm>>) dst(%dma_wait3A_501 : memref<64xf32, #tpu.memory_space<vmem>>)
      %dma_wait3A_505 = arith.constant 0 : i32
      %dma_wait3A_506 = arith.constant 0 : i32
      %dma_wait3A_507 = tpu.memref_slice %arg11[%dma_wait3A_505, %dma_wait3A_506] : memref<16x64xf32, #tpu.memory_space<vmem>> -> memref<1x64xf32, #tpu.memory_space<vmem>>
      %dma_wait3A_508 = tpu.memref_squeeze %dma_wait3A_507 : memref<1x64xf32, #tpu.memory_space<vmem>> -> memref<64xf32, #tpu.memory_space<vmem>>
      %dma_wait3A_509 = arith.constant 0 : i32
      %dma_wait3A_510 = tpu.memref_slice %arg3[%squeeze3A_29, %dma_wait3A_509] : memref<100000x64xf32, #tpu.memory_space<hbm>> -> memref<1x64xf32, #tpu.memory_space<hbm>>
      %dma_wait3A_511 = tpu.memref_squeeze %dma_wait3A_510 : memref<1x64xf32, #tpu.memory_space<hbm>> -> memref<64xf32, #tpu.memory_space<hbm>>
      %dma_wait3A_512 = arith.constant 0 : i32
      %dma_wait3A_513 = tpu.memref_slice %arg11[%dma_wait3A_505, %dma_wait3A_512] : memref<16x64xf32, #tpu.memory_space<vmem>> -> memref<1x64xf32, #tpu.memory_space<vmem>>
      %dma_wait3A_514 = tpu.memref_squeeze %dma_wait3A_513 : memref<1x64xf32, #tpu.memory_space<vmem>> -> memref<64xf32, #tpu.memory_space<vmem>>
      %dma_wait3A_515 = arith.constant 0 : i32
      %dma_wait3A_516 = tpu.memref_slice %arg3[%squeeze3A_29, %dma_wait3A_515] : memref<100000x64xf32, #tpu.memory_space<hbm>> -> memref<1x64xf32, #tpu.memory_space<hbm>>
      %dma_wait3A_517 = tpu.memref_squeeze %dma_wait3A_516 : memref<1x64xf32, #tpu.memory_space<hbm>> -> memref<64xf32, #tpu.memory_space<hbm>>
      tpu.wait_dma2 semaphore(%arg15 : memref<!tpu.dma_semaphore, #tpu.memory_space<semaphore_mem>>) src(%dma_wait3A_517 : memref<64xf32, #tpu.memory_space<hbm>>) dst(%dma_wait3A_514 : memref<64xf32, #tpu.memory_space<vmem>>)
      %dma_wait3A_518 = arith.constant 1 : i32
      %dma_wait3A_519 = arith.constant 0 : i32
      %dma_wait3A_520 = tpu.memref_slice %arg10[%dma_wait3A_518, %dma_wait3A_519] : memref<16x64xf32, #tpu.memory_space<vmem>> -> memref<1x64xf32, #tpu.memory_space<vmem>>
      %dma_wait3A_521 = tpu.memref_squeeze %dma_wait3A_520 : memref<1x64xf32, #tpu.memory_space<vmem>> -> memref<64xf32, #tpu.memory_space<vmem>>
      %dma_wait3A_522 = arith.constant 0 : i32
      %dma_wait3A_523 = tpu.memref_slice %arg2[%squeeze3A_44, %dma_wait3A_522] : memref<1000000x64xf32, #tpu.memory_space<hbm>> -> memref<1x64xf32, #tpu.memory_space<hbm>>
      %dma_wait3A_524 = tpu.memref_squeeze %dma_wait3A_523 : memref<1x64xf32, #tpu.memory_space<hbm>> -> memref<64xf32, #tpu.memory_space<hbm>>
      %dma_wait3A_525 = arith.constant 0 : i32
      %dma_wait3A_526 = tpu.memref_slice %arg10[%dma_wait3A_518, %dma_wait3A_525] : memref<16x64xf32, #tpu.memory_space<vmem>> -> memref<1x64xf32, #tpu.memory_space<vmem>>
      %dma_wait3A_527 = tpu.memref_squeeze %dma_wait3A_526 : memref<1x64xf32, #tpu.memory_space<vmem>> -> memref<64xf32, #tpu.memory_space<vmem>>
      %dma_wait3A_528 = arith.constant 0 : i32
      %dma_wait3A_529 = tpu.memref_slice %arg2[%squeeze3A_44, %dma_wait3A_528] : memref<1000000x64xf32, #tpu.memory_space<hbm>> -> memref<1x64xf32, #tpu.memory_space<hbm>>
      %dma_wait3A_530 = tpu.memref_squeeze %dma_wait3A_529 : memref<1x64xf32, #tpu.memory_space<hbm>> -> memref<64xf32, #tpu.memory_space<hbm>>
      tpu.wait_dma2 semaphore(%arg14 : memref<!tpu.dma_semaphore, #tpu.memory_space<semaphore_mem>>) src(%dma_wait3A_530 : memref<64xf32, #tpu.memory_space<hbm>>) dst(%dma_wait3A_527 : memref<64xf32, #tpu.memory_space<vmem>>)
      %dma_wait3A_531 = arith.constant 1 : i32
      %dma_wait3A_532 = arith.constant 0 : i32
      %dma_wait3A_533 = tpu.memref_slice %arg11[%dma_wait3A_531, %dma_wait3A_532] : memref<16x64xf32, #tpu.memory_space<vmem>> -> memref<1x64xf32, #tpu.memory_space<vmem>>
      %dma_wait3A_534 = tpu.memref_squeeze %dma_wait3A_533 : memref<1x64xf32, #tpu.memory_space<vmem>> -> memref<64xf32, #tpu.memory_space<vmem>>
      %dma_wait3A_535 = arith.constant 0 : i32
      %dma_wait3A_536 = tpu.memref_slice %arg3[%squeeze3A_59, %dma_wait3A_535] : memref<100000x64xf32, #tpu.memory_space<hbm>> -> memref<1x64xf32, #tpu.memory_space<hbm>>
      %dma_wait3A_537 = tpu.memref_squeeze %dma_wait3A_536 : memref<1x64xf32, #tpu.memory_space<hbm>> -> memref<64xf32, #tpu.memory_space<hbm>>
      %dma_wait3A_538 = arith.constant 0 : i32
      %dma_wait3A_539 = tpu.memref_slice %arg11[%dma_wait3A_531, %dma_wait3A_538] : memref<16x64xf32, #tpu.memory_space<vmem>> -> memref<1x64xf32, #tpu.memory_space<vmem>>
      %dma_wait3A_540 = tpu.memref_squeeze %dma_wait3A_539 : memref<1x64xf32, #tpu.memory_space<vmem>> -> memref<64xf32, #tpu.memory_space<vmem>>
      %dma_wait3A_541 = arith.constant 0 : i32
      %dma_wait3A_542 = tpu.memref_slice %arg3[%squeeze3A_59, %dma_wait3A_541] : memref<100000x64xf32, #tpu.memory_space<hbm>> -> memref<1x64xf32, #tpu.memory_space<hbm>>
      %dma_wait3A_543 = tpu.memref_squeeze %dma_wait3A_542 : memref<1x64xf32, #tpu.memory_space<hbm>> -> memref<64xf32, #tpu.memory_space<hbm>>
      tpu.wait_dma2 semaphore(%arg15 : memref<!tpu.dma_semaphore, #tpu.memory_space<semaphore_mem>>) src(%dma_wait3A_543 : memref<64xf32, #tpu.memory_space<hbm>>) dst(%dma_wait3A_540 : memref<64xf32, #tpu.memory_space<vmem>>)
      %dma_wait3A_544 = arith.constant 2 : i32
      %dma_wait3A_545 = arith.constant 0 : i32
      %dma_wait3A_546 = tpu.memref_slice %arg10[%dma_wait3A_544, %dma_wait3A_545] : memref<16x64xf32, #tpu.memory_space<vmem>> -> memref<1x64xf32, #tpu.memory_space<vmem>>
      %dma_wait3A_547 = tpu.memref_squeeze %dma_wait3A_546 : memref<1x64xf32, #tpu.memory_space<vmem>> -> memref<64xf32, #tpu.memory_space<vmem>>
      %dma_wait3A_548 = arith.constant 0 : i32
      %dma_wait3A_549 = tpu.memref_slice %arg2[%squeeze3A_74, %dma_wait3A_548] : memref<1000000x64xf32, #tpu.memory_space<hbm>> -> memref<1x64xf32, #tpu.memory_space<hbm>>
      %dma_wait3A_550 = tpu.memref_squeeze %dma_wait3A_549 : memref<1x64xf32, #tpu.memory_space<hbm>> -> memref<64xf32, #tpu.memory_space<hbm>>
      %dma_wait3A_551 = arith.constant 0 : i32
      %dma_wait3A_552 = tpu.memref_slice %arg10[%dma_wait3A_544, %dma_wait3A_551] : memref<16x64xf32, #tpu.memory_space<vmem>> -> memref<1x64xf32, #tpu.memory_space<vmem>>
      %dma_wait3A_553 = tpu.memref_squeeze %dma_wait3A_552 : memref<1x64xf32, #tpu.memory_space<vmem>> -> memref<64xf32, #tpu.memory_space<vmem>>
      %dma_wait3A_554 = arith.constant 0 : i32
      %dma_wait3A_555 = tpu.memref_slice %arg2[%squeeze3A_74, %dma_wait3A_554] : memref<1000000x64xf32, #tpu.memory_space<hbm>> -> memref<1x64xf32, #tpu.memory_space<hbm>>
      %dma_wait3A_556 = tpu.memref_squeeze %dma_wait3A_555 : memref<1x64xf32, #tpu.memory_space<hbm>> -> memref<64xf32, #tpu.memory_space<hbm>>
      tpu.wait_dma2 semaphore(%arg14 : memref<!tpu.dma_semaphore, #tpu.memory_space<semaphore_mem>>) src(%dma_wait3A_556 : memref<64xf32, #tpu.memory_space<hbm>>) dst(%dma_wait3A_553 : memref<64xf32, #tpu.memory_space<vmem>>)
      %dma_wait3A_557 = arith.constant 2 : i32
      %dma_wait3A_558 = arith.constant 0 : i32
      %dma_wait3A_559 = tpu.memref_slice %arg11[%dma_wait3A_557, %dma_wait3A_558] : memref<16x64xf32, #tpu.memory_space<vmem>> -> memref<1x64xf32, #tpu.memory_space<vmem>>
      %dma_wait3A_560 = tpu.memref_squeeze %dma_wait3A_559 : memref<1x64xf32, #tpu.memory_space<vmem>> -> memref<64xf32, #tpu.memory_space<vmem>>
      %dma_wait3A_561 = arith.constant 0 : i32
      %dma_wait3A_562 = tpu.memref_slice %arg3[%squeeze3A_89, %dma_wait3A_561] : memref<100000x64xf32, #tpu.memory_space<hbm>> -> memref<1x64xf32, #tpu.memory_space<hbm>>
      %dma_wait3A_563 = tpu.memref_squeeze %dma_wait3A_562 : memref<1x64xf32, #tpu.memory_space<hbm>> -> memref<64xf32, #tpu.memory_space<hbm>>
      %dma_wait3A_564 = arith.constant 0 : i32
      %dma_wait3A_565 = tpu.memref_slice %arg11[%dma_wait3A_557, %dma_wait3A_564] : memref<16x64xf32, #tpu.memory_space<vmem>> -> memref<1x64xf32, #tpu.memory_space<vmem>>
      %dma_wait3A_566 = tpu.memref_squeeze %dma_wait3A_565 : memref<1x64xf32, #tpu.memory_space<vmem>> -> memref<64xf32, #tpu.memory_space<vmem>>
      %dma_wait3A_567 = arith.constant 0 : i32
      %dma_wait3A_568 = tpu.memref_slice %arg3[%squeeze3A_89, %dma_wait3A_567] : memref<100000x64xf32, #tpu.memory_space<hbm>> -> memref<1x64xf32, #tpu.memory_space<hbm>>
      %dma_wait3A_569 = tpu.memref_squeeze %dma_wait3A_568 : memref<1x64xf32, #tpu.memory_space<hbm>> -> memref<64xf32, #tpu.memory_space<hbm>>
      tpu.wait_dma2 semaphore(%arg15 : memref<!tpu.dma_semaphore, #tpu.memory_space<semaphore_mem>>) src(%dma_wait3A_569 : memref<64xf32, #tpu.memory_space<hbm>>) dst(%dma_wait3A_566 : memref<64xf32, #tpu.memory_space<vmem>>)
      %dma_wait3A_570 = arith.constant 3 : i32
      %dma_wait3A_571 = arith.constant 0 : i32
      %dma_wait3A_572 = tpu.memref_slice %arg10[%dma_wait3A_570, %dma_wait3A_571] : memref<16x64xf32, #tpu.memory_space<vmem>> -> memref<1x64xf32, #tpu.memory_space<vmem>>
      %dma_wait3A_573 = tpu.memref_squeeze %dma_wait3A_572 : memref<1x64xf32, #tpu.memory_space<vmem>> -> memref<64xf32, #tpu.memory_space<vmem>>
      %dma_wait3A_574 = arith.constant 0 : i32
      %dma_wait3A_575 = tpu.memref_slice %arg2[%squeeze3A_104, %dma_wait3A_574] : memref<1000000x64xf32, #tpu.memory_space<hbm>> -> memref<1x64xf32, #tpu.memory_space<hbm>>
      %dma_wait3A_576 = tpu.memref_squeeze %dma_wait3A_575 : memref<1x64xf32, #tpu.memory_space<hbm>> -> memref<64xf32, #tpu.memory_space<hbm>>
      %dma_wait3A_577 = arith.constant 0 : i32
      %dma_wait3A_578 = tpu.memref_slice %arg10[%dma_wait3A_570, %dma_wait3A_577] : memref<16x64xf32, #tpu.memory_space<vmem>> -> memref<1x64xf32, #tpu.memory_space<vmem>>
      %dma_wait3A_579 = tpu.memref_squeeze %dma_wait3A_578 : memref<1x64xf32, #tpu.memory_space<vmem>> -> memref<64xf32, #tpu.memory_space<vmem>>
      %dma_wait3A_580 = arith.constant 0 : i32
      %dma_wait3A_581 = tpu.memref_slice %arg2[%squeeze3A_104, %dma_wait3A_580] : memref<1000000x64xf32, #tpu.memory_space<hbm>> -> memref<1x64xf32, #tpu.memory_space<hbm>>
      %dma_wait3A_582 = tpu.memref_squeeze %dma_wait3A_581 : memref<1x64xf32, #tpu.memory_space<hbm>> -> memref<64xf32, #tpu.memory_space<hbm>>
      tpu.wait_dma2 semaphore(%arg14 : memref<!tpu.dma_semaphore, #tpu.memory_space<semaphore_mem>>) src(%dma_wait3A_582 : memref<64xf32, #tpu.memory_space<hbm>>) dst(%dma_wait3A_579 : memref<64xf32, #tpu.memory_space<vmem>>)
      %dma_wait3A_583 = arith.constant 3 : i32
      %dma_wait3A_584 = arith.constant 0 : i32
      %dma_wait3A_585 = tpu.memref_slice %arg11[%dma_wait3A_583, %dma_wait3A_584] : memref<16x64xf32, #tpu.memory_space<vmem>> -> memref<1x64xf32, #tpu.memory_space<vmem>>
      %dma_wait3A_586 = tpu.memref_squeeze %dma_wait3A_585 : memref<1x64xf32, #tpu.memory_space<vmem>> -> memref<64xf32, #tpu.memory_space<vmem>>
      %dma_wait3A_587 = arith.constant 0 : i32
      %dma_wait3A_588 = tpu.memref_slice %arg3[%squeeze3A_119, %dma_wait3A_587] : memref<100000x64xf32, #tpu.memory_space<hbm>> -> memref<1x64xf32, #tpu.memory_space<hbm>>
      %dma_wait3A_589 = tpu.memref_squeeze %dma_wait3A_588 : memref<1x64xf32, #tpu.memory_space<hbm>> -> memref<64xf32, #tpu.memory_space<hbm>>
      %dma_wait3A_590 = arith.constant 0 : i32
      %dma_wait3A_591 = tpu.memref_slice %arg11[%dma_wait3A_583, %dma_wait3A_590] : memref<16x64xf32, #tpu.memory_space<vmem>> -> memref<1x64xf32, #tpu.memory_space<vmem>>
      %dma_wait3A_592 = tpu.memref_squeeze %dma_wait3A_591 : memref<1x64xf32, #tpu.memory_space<vmem>> -> memref<64xf32, #tpu.memory_space<vmem>>
      %dma_wait3A_593 = arith.constant 0 : i32
      %dma_wait3A_594 = tpu.memref_slice %arg3[%squeeze3A_119, %dma_wait3A_593] : memref<100000x64xf32, #tpu.memory_space<hbm>> -> memref<1x64xf32, #tpu.memory_space<hbm>>
      %dma_wait3A_595 = tpu.memref_squeeze %dma_wait3A_594 : memref<1x64xf32, #tpu.memory_space<hbm>> -> memref<64xf32, #tpu.memory_space<hbm>>
      tpu.wait_dma2 semaphore(%arg15 : memref<!tpu.dma_semaphore, #tpu.memory_space<semaphore_mem>>) src(%dma_wait3A_595 : memref<64xf32, #tpu.memory_space<hbm>>) dst(%dma_wait3A_592 : memref<64xf32, #tpu.memory_space<vmem>>)
      %dma_wait3A_596 = arith.constant 4 : i32
      %dma_wait3A_597 = arith.constant 0 : i32
      %dma_wait3A_598 = tpu.memref_slice %arg10[%dma_wait3A_596, %dma_wait3A_597] : memref<16x64xf32, #tpu.memory_space<vmem>> -> memref<1x64xf32, #tpu.memory_space<vmem>>
      %dma_wait3A_599 = tpu.memref_squeeze %dma_wait3A_598 : memref<1x64xf32, #tpu.memory_space<vmem>> -> memref<64xf32, #tpu.memory_space<vmem>>
      %dma_wait3A_600 = arith.constant 0 : i32
      %dma_wait3A_601 = tpu.memref_slice %arg2[%squeeze3A_134, %dma_wait3A_600] : memref<1000000x64xf32, #tpu.memory_space<hbm>> -> memref<1x64xf32, #tpu.memory_space<hbm>>
      %dma_wait3A_602 = tpu.memref_squeeze %dma_wait3A_601 : memref<1x64xf32, #tpu.memory_space<hbm>> -> memref<64xf32, #tpu.memory_space<hbm>>
      %dma_wait3A_603 = arith.constant 0 : i32
      %dma_wait3A_604 = tpu.memref_slice %arg10[%dma_wait3A_596, %dma_wait3A_603] : memref<16x64xf32, #tpu.memory_space<vmem>> -> memref<1x64xf32, #tpu.memory_space<vmem>>
      %dma_wait3A_605 = tpu.memref_squeeze %dma_wait3A_604 : memref<1x64xf32, #tpu.memory_space<vmem>> -> memref<64xf32, #tpu.memory_space<vmem>>
      %dma_wait3A_606 = arith.constant 0 : i32
      %dma_wait3A_607 = tpu.memref_slice %arg2[%squeeze3A_134, %dma_wait3A_606] : memref<1000000x64xf32, #tpu.memory_space<hbm>> -> memref<1x64xf32, #tpu.memory_space<hbm>>
      %dma_wait3A_608 = tpu.memref_squeeze %dma_wait3A_607 : memref<1x64xf32, #tpu.memory_space<hbm>> -> memref<64xf32, #tpu.memory_space<hbm>>
      tpu.wait_dma2 semaphore(%arg14 : memref<!tpu.dma_semaphore, #tpu.memory_space<semaphore_mem>>) src(%dma_wait3A_608 : memref<64xf32, #tpu.memory_space<hbm>>) dst(%dma_wait3A_605 : memref<64xf32, #tpu.memory_space<vmem>>)
      %dma_wait3A_609 = arith.constant 4 : i32
      %dma_wait3A_610 = arith.constant 0 : i32
      %dma_wait3A_611 = tpu.memref_slice %arg11[%dma_wait3A_609, %dma_wait3A_610] : memref<16x64xf32, #tpu.memory_space<vmem>> -> memref<1x64xf32, #tpu.memory_space<vmem>>
      %dma_wait3A_612 = tpu.memref_squeeze %dma_wait3A_611 : memref<1x64xf32, #tpu.memory_space<vmem>> -> memref<64xf32, #tpu.memory_space<vmem>>
      %dma_wait3A_613 = arith.constant 0 : i32
      %dma_wait3A_614 = tpu.memref_slice %arg3[%squeeze3A_149, %dma_wait3A_613] : memref<100000x64xf32, #tpu.memory_space<hbm>> -> memref<1x64xf32, #tpu.memory_space<hbm>>
      %dma_wait3A_615 = tpu.memref_squeeze %dma_wait3A_614 : memref<1x64xf32, #tpu.memory_space<hbm>> -> memref<64xf32, #tpu.memory_space<hbm>>
      %dma_wait3A_616 = arith.constant 0 : i32
      %dma_wait3A_617 = tpu.memref_slice %arg11[%dma_wait3A_609, %dma_wait3A_616] : memref<16x64xf32, #tpu.memory_space<vmem>> -> memref<1x64xf32, #tpu.memory_space<vmem>>
      %dma_wait3A_618 = tpu.memref_squeeze %dma_wait3A_617 : memref<1x64xf32, #tpu.memory_space<vmem>> -> memref<64xf32, #tpu.memory_space<vmem>>
      %dma_wait3A_619 = arith.constant 0 : i32
      %dma_wait3A_620 = tpu.memref_slice %arg3[%squeeze3A_149, %dma_wait3A_619] : memref<100000x64xf32, #tpu.memory_space<hbm>> -> memref<1x64xf32, #tpu.memory_space<hbm>>
      %dma_wait3A_621 = tpu.memref_squeeze %dma_wait3A_620 : memref<1x64xf32, #tpu.memory_space<hbm>> -> memref<64xf32, #tpu.memory_space<hbm>>
      tpu.wait_dma2 semaphore(%arg15 : memref<!tpu.dma_semaphore, #tpu.memory_space<semaphore_mem>>) src(%dma_wait3A_621 : memref<64xf32, #tpu.memory_space<hbm>>) dst(%dma_wait3A_618 : memref<64xf32, #tpu.memory_space<vmem>>)
      %dma_wait3A_622 = arith.constant 5 : i32
      %dma_wait3A_623 = arith.constant 0 : i32
      %dma_wait3A_624 = tpu.memref_slice %arg10[%dma_wait3A_622, %dma_wait3A_623] : memref<16x64xf32, #tpu.memory_space<vmem>> -> memref<1x64xf32, #tpu.memory_space<vmem>>
      %dma_wait3A_625 = tpu.memref_squeeze %dma_wait3A_624 : memref<1x64xf32, #tpu.memory_space<vmem>> -> memref<64xf32, #tpu.memory_space<vmem>>
      %dma_wait3A_626 = arith.constant 0 : i32
      %dma_wait3A_627 = tpu.memref_slice %arg2[%squeeze3A_164, %dma_wait3A_626] : memref<1000000x64xf32, #tpu.memory_space<hbm>> -> memref<1x64xf32, #tpu.memory_space<hbm>>
      %dma_wait3A_628 = tpu.memref_squeeze %dma_wait3A_627 : memref<1x64xf32, #tpu.memory_space<hbm>> -> memref<64xf32, #tpu.memory_space<hbm>>
      %dma_wait3A_629 = arith.constant 0 : i32
      %dma_wait3A_630 = tpu.memref_slice %arg10[%dma_wait3A_622, %dma_wait3A_629] : memref<16x64xf32, #tpu.memory_space<vmem>> -> memref<1x64xf32, #tpu.memory_space<vmem>>
      %dma_wait3A_631 = tpu.memref_squeeze %dma_wait3A_630 : memref<1x64xf32, #tpu.memory_space<vmem>> -> memref<64xf32, #tpu.memory_space<vmem>>
      %dma_wait3A_632 = arith.constant 0 : i32
      %dma_wait3A_633 = tpu.memref_slice %arg2[%squeeze3A_164, %dma_wait3A_632] : memref<1000000x64xf32, #tpu.memory_space<hbm>> -> memref<1x64xf32, #tpu.memory_space<hbm>>
      %dma_wait3A_634 = tpu.memref_squeeze %dma_wait3A_633 : memref<1x64xf32, #tpu.memory_space<hbm>> -> memref<64xf32, #tpu.memory_space<hbm>>
      tpu.wait_dma2 semaphore(%arg14 : memref<!tpu.dma_semaphore, #tpu.memory_space<semaphore_mem>>) src(%dma_wait3A_634 : memref<64xf32, #tpu.memory_space<hbm>>) dst(%dma_wait3A_631 : memref<64xf32, #tpu.memory_space<vmem>>)
      %dma_wait3A_635 = arith.constant 5 : i32
      %dma_wait3A_636 = arith.constant 0 : i32
      %dma_wait3A_637 = tpu.memref_slice %arg11[%dma_wait3A_635, %dma_wait3A_636] : memref<16x64xf32, #tpu.memory_space<vmem>> -> memref<1x64xf32, #tpu.memory_space<vmem>>
      %dma_wait3A_638 = tpu.memref_squeeze %dma_wait3A_637 : memref<1x64xf32, #tpu.memory_space<vmem>> -> memref<64xf32, #tpu.memory_space<vmem>>
      %dma_wait3A_639 = arith.constant 0 : i32
      %dma_wait3A_640 = tpu.memref_slice %arg3[%squeeze3A_179, %dma_wait3A_639] : memref<100000x64xf32, #tpu.memory_space<hbm>> -> memref<1x64xf32, #tpu.memory_space<hbm>>
      %dma_wait3A_641 = tpu.memref_squeeze %dma_wait3A_640 : memref<1x64xf32, #tpu.memory_space<hbm>> -> memref<64xf32, #tpu.memory_space<hbm>>
      %dma_wait3A_642 = arith.constant 0 : i32
      %dma_wait3A_643 = tpu.memref_slice %arg11[%dma_wait3A_635, %dma_wait3A_642] : memref<16x64xf32, #tpu.memory_space<vmem>> -> memref<1x64xf32, #tpu.memory_space<vmem>>
      %dma_wait3A_644 = tpu.memref_squeeze %dma_wait3A_643 : memref<1x64xf32, #tpu.memory_space<vmem>> -> memref<64xf32, #tpu.memory_space<vmem>>
      %dma_wait3A_645 = arith.constant 0 : i32
      %dma_wait3A_646 = tpu.memref_slice %arg3[%squeeze3A_179, %dma_wait3A_645] : memref<100000x64xf32, #tpu.memory_space<hbm>> -> memref<1x64xf32, #tpu.memory_space<hbm>>
      %dma_wait3A_647 = tpu.memref_squeeze %dma_wait3A_646 : memref<1x64xf32, #tpu.memory_space<hbm>> -> memref<64xf32, #tpu.memory_space<hbm>>
      tpu.wait_dma2 semaphore(%arg15 : memref<!tpu.dma_semaphore, #tpu.memory_space<semaphore_mem>>) src(%dma_wait3A_647 : memref<64xf32, #tpu.memory_space<hbm>>) dst(%dma_wait3A_644 : memref<64xf32, #tpu.memory_space<vmem>>)
      %dma_wait3A_648 = arith.constant 6 : i32
      %dma_wait3A_649 = arith.constant 0 : i32
      %dma_wait3A_650 = tpu.memref_slice %arg10[%dma_wait3A_648, %dma_wait3A_649] : memref<16x64xf32, #tpu.memory_space<vmem>> -> memref<1x64xf32, #tpu.memory_space<vmem>>
      %dma_wait3A_651 = tpu.memref_squeeze %dma_wait3A_650 : memref<1x64xf32, #tpu.memory_space<vmem>> -> memref<64xf32, #tpu.memory_space<vmem>>
      %dma_wait3A_652 = arith.constant 0 : i32
      %dma_wait3A_653 = tpu.memref_slice %arg2[%squeeze3A_194, %dma_wait3A_652] : memref<1000000x64xf32, #tpu.memory_space<hbm>> -> memref<1x64xf32, #tpu.memory_space<hbm>>
      %dma_wait3A_654 = tpu.memref_squeeze %dma_wait3A_653 : memref<1x64xf32, #tpu.memory_space<hbm>> -> memref<64xf32, #tpu.memory_space<hbm>>
      %dma_wait3A_655 = arith.constant 0 : i32
      %dma_wait3A_656 = tpu.memref_slice %arg10[%dma_wait3A_648, %dma_wait3A_655] : memref<16x64xf32, #tpu.memory_space<vmem>> -> memref<1x64xf32, #tpu.memory_space<vmem>>
      %dma_wait3A_657 = tpu.memref_squeeze %dma_wait3A_656 : memref<1x64xf32, #tpu.memory_space<vmem>> -> memref<64xf32, #tpu.memory_space<vmem>>
      %dma_wait3A_658 = arith.constant 0 : i32
      %dma_wait3A_659 = tpu.memref_slice %arg2[%squeeze3A_194, %dma_wait3A_658] : memref<1000000x64xf32, #tpu.memory_space<hbm>> -> memref<1x64xf32, #tpu.memory_space<hbm>>
      %dma_wait3A_660 = tpu.memref_squeeze %dma_wait3A_659 : memref<1x64xf32, #tpu.memory_space<hbm>> -> memref<64xf32, #tpu.memory_space<hbm>>
      tpu.wait_dma2 semaphore(%arg14 : memref<!tpu.dma_semaphore, #tpu.memory_space<semaphore_mem>>) src(%dma_wait3A_660 : memref<64xf32, #tpu.memory_space<hbm>>) dst(%dma_wait3A_657 : memref<64xf32, #tpu.memory_space<vmem>>)
      %dma_wait3A_661 = arith.constant 6 : i32
      %dma_wait3A_662 = arith.constant 0 : i32
      %dma_wait3A_663 = tpu.memref_slice %arg11[%dma_wait3A_661, %dma_wait3A_662] : memref<16x64xf32, #tpu.memory_space<vmem>> -> memref<1x64xf32, #tpu.memory_space<vmem>>
      %dma_wait3A_664 = tpu.memref_squeeze %dma_wait3A_663 : memref<1x64xf32, #tpu.memory_space<vmem>> -> memref<64xf32, #tpu.memory_space<vmem>>
      %dma_wait3A_665 = arith.constant 0 : i32
      %dma_wait3A_666 = tpu.memref_slice %arg3[%squeeze3A_209, %dma_wait3A_665] : memref<100000x64xf32, #tpu.memory_space<hbm>> -> memref<1x64xf32, #tpu.memory_space<hbm>>
      %dma_wait3A_667 = tpu.memref_squeeze %dma_wait3A_666 : memref<1x64xf32, #tpu.memory_space<hbm>> -> memref<64xf32, #tpu.memory_space<hbm>>
      %dma_wait3A_668 = arith.constant 0 : i32
      %dma_wait3A_669 = tpu.memref_slice %arg11[%dma_wait3A_661, %dma_wait3A_668] : memref<16x64xf32, #tpu.memory_space<vmem>> -> memref<1x64xf32, #tpu.memory_space<vmem>>
      %dma_wait3A_670 = tpu.memref_squeeze %dma_wait3A_669 : memref<1x64xf32, #tpu.memory_space<vmem>> -> memref<64xf32, #tpu.memory_space<vmem>>
      %dma_wait3A_671 = arith.constant 0 : i32
      %dma_wait3A_672 = tpu.memref_slice %arg3[%squeeze3A_209, %dma_wait3A_671] : memref<100000x64xf32, #tpu.memory_space<hbm>> -> memref<1x64xf32, #tpu.memory_space<hbm>>
      %dma_wait3A_673 = tpu.memref_squeeze %dma_wait3A_672 : memref<1x64xf32, #tpu.memory_space<hbm>> -> memref<64xf32, #tpu.memory_space<hbm>>
      tpu.wait_dma2 semaphore(%arg15 : memref<!tpu.dma_semaphore, #tpu.memory_space<semaphore_mem>>) src(%dma_wait3A_673 : memref<64xf32, #tpu.memory_space<hbm>>) dst(%dma_wait3A_670 : memref<64xf32, #tpu.memory_space<vmem>>)
      %dma_wait3A_674 = arith.constant 7 : i32
      %dma_wait3A_675 = arith.constant 0 : i32
      %dma_wait3A_676 = tpu.memref_slice %arg10[%dma_wait3A_674, %dma_wait3A_675] : memref<16x64xf32, #tpu.memory_space<vmem>> -> memref<1x64xf32, #tpu.memory_space<vmem>>
      %dma_wait3A_677 = tpu.memref_squeeze %dma_wait3A_676 : memref<1x64xf32, #tpu.memory_space<vmem>> -> memref<64xf32, #tpu.memory_space<vmem>>
      %dma_wait3A_678 = arith.constant 0 : i32
      %dma_wait3A_679 = tpu.memref_slice %arg2[%squeeze3A_224, %dma_wait3A_678] : memref<1000000x64xf32, #tpu.memory_space<hbm>> -> memref<1x64xf32, #tpu.memory_space<hbm>>
      %dma_wait3A_680 = tpu.memref_squeeze %dma_wait3A_679 : memref<1x64xf32, #tpu.memory_space<hbm>> -> memref<64xf32, #tpu.memory_space<hbm>>
      %dma_wait3A_681 = arith.constant 0 : i32
      %dma_wait3A_682 = tpu.memref_slice %arg10[%dma_wait3A_674, %dma_wait3A_681] : memref<16x64xf32, #tpu.memory_space<vmem>> -> memref<1x64xf32, #tpu.memory_space<vmem>>
      %dma_wait3A_683 = tpu.memref_squeeze %dma_wait3A_682 : memref<1x64xf32, #tpu.memory_space<vmem>> -> memref<64xf32, #tpu.memory_space<vmem>>
      %dma_wait3A_684 = arith.constant 0 : i32
      %dma_wait3A_685 = tpu.memref_slice %arg2[%squeeze3A_224, %dma_wait3A_684] : memref<1000000x64xf32, #tpu.memory_space<hbm>> -> memref<1x64xf32, #tpu.memory_space<hbm>>
      %dma_wait3A_686 = tpu.memref_squeeze %dma_wait3A_685 : memref<1x64xf32, #tpu.memory_space<hbm>> -> memref<64xf32, #tpu.memory_space<hbm>>
      tpu.wait_dma2 semaphore(%arg14 : memref<!tpu.dma_semaphore, #tpu.memory_space<semaphore_mem>>) src(%dma_wait3A_686 : memref<64xf32, #tpu.memory_space<hbm>>) dst(%dma_wait3A_683 : memref<64xf32, #tpu.memory_space<vmem>>)
      %dma_wait3A_687 = arith.constant 7 : i32
      %dma_wait3A_688 = arith.constant 0 : i32
      %dma_wait3A_689 = tpu.memref_slice %arg11[%dma_wait3A_687, %dma_wait3A_688] : memref<16x64xf32, #tpu.memory_space<vmem>> -> memref<1x64xf32, #tpu.memory_space<vmem>>
      %dma_wait3A_690 = tpu.memref_squeeze %dma_wait3A_689 : memref<1x64xf32, #tpu.memory_space<vmem>> -> memref<64xf32, #tpu.memory_space<vmem>>
      %dma_wait3A_691 = arith.constant 0 : i32
      %dma_wait3A_692 = tpu.memref_slice %arg3[%squeeze3A_239, %dma_wait3A_691] : memref<100000x64xf32, #tpu.memory_space<hbm>> -> memref<1x64xf32, #tpu.memory_space<hbm>>
      %dma_wait3A_693 = tpu.memref_squeeze %dma_wait3A_692 : memref<1x64xf32, #tpu.memory_space<hbm>> -> memref<64xf32, #tpu.memory_space<hbm>>
      %dma_wait3A_694 = arith.constant 0 : i32
      %dma_wait3A_695 = tpu.memref_slice %arg11[%dma_wait3A_687, %dma_wait3A_694] : memref<16x64xf32, #tpu.memory_space<vmem>> -> memref<1x64xf32, #tpu.memory_space<vmem>>
      %dma_wait3A_696 = tpu.memref_squeeze %dma_wait3A_695 : memref<1x64xf32, #tpu.memory_space<vmem>> -> memref<64xf32, #tpu.memory_space<vmem>>
      %dma_wait3A_697 = arith.constant 0 : i32
      %dma_wait3A_698 = tpu.memref_slice %arg3[%squeeze3A_239, %dma_wait3A_697] : memref<100000x64xf32, #tpu.memory_space<hbm>> -> memref<1x64xf32, #tpu.memory_space<hbm>>
      %dma_wait3A_699 = tpu.memref_squeeze %dma_wait3A_698 : memref<1x64xf32, #tpu.memory_space<hbm>> -> memref<64xf32, #tpu.memory_space<hbm>>
      tpu.wait_dma2 semaphore(%arg15 : memref<!tpu.dma_semaphore, #tpu.memory_space<semaphore_mem>>) src(%dma_wait3A_699 : memref<64xf32, #tpu.memory_space<hbm>>) dst(%dma_wait3A_696 : memref<64xf32, #tpu.memory_space<vmem>>)
      %dma_wait3A_700 = arith.constant 8 : i32
      %dma_wait3A_701 = arith.constant 0 : i32
      %dma_wait3A_702 = tpu.memref_slice %arg10[%dma_wait3A_700, %dma_wait3A_701] : memref<16x64xf32, #tpu.memory_space<vmem>> -> memref<1x64xf32, #tpu.memory_space<vmem>>
      %dma_wait3A_703 = tpu.memref_squeeze %dma_wait3A_702 : memref<1x64xf32, #tpu.memory_space<vmem>> -> memref<64xf32, #tpu.memory_space<vmem>>
      %dma_wait3A_704 = arith.constant 0 : i32
      %dma_wait3A_705 = tpu.memref_slice %arg2[%squeeze3A_254, %dma_wait3A_704] : memref<1000000x64xf32, #tpu.memory_space<hbm>> -> memref<1x64xf32, #tpu.memory_space<hbm>>
      %dma_wait3A_706 = tpu.memref_squeeze %dma_wait3A_705 : memref<1x64xf32, #tpu.memory_space<hbm>> -> memref<64xf32, #tpu.memory_space<hbm>>
      %dma_wait3A_707 = arith.constant 0 : i32
      %dma_wait3A_708 = tpu.memref_slice %arg10[%dma_wait3A_700, %dma_wait3A_707] : memref<16x64xf32, #tpu.memory_space<vmem>> -> memref<1x64xf32, #tpu.memory_space<vmem>>
      %dma_wait3A_709 = tpu.memref_squeeze %dma_wait3A_708 : memref<1x64xf32, #tpu.memory_space<vmem>> -> memref<64xf32, #tpu.memory_space<vmem>>
      %dma_wait3A_710 = arith.constant 0 : i32
      %dma_wait3A_711 = tpu.memref_slice %arg2[%squeeze3A_254, %dma_wait3A_710] : memref<1000000x64xf32, #tpu.memory_space<hbm>> -> memref<1x64xf32, #tpu.memory_space<hbm>>
      %dma_wait3A_712 = tpu.memref_squeeze %dma_wait3A_711 : memref<1x64xf32, #tpu.memory_space<hbm>> -> memref<64xf32, #tpu.memory_space<hbm>>
      tpu.wait_dma2 semaphore(%arg14 : memref<!tpu.dma_semaphore, #tpu.memory_space<semaphore_mem>>) src(%dma_wait3A_712 : memref<64xf32, #tpu.memory_space<hbm>>) dst(%dma_wait3A_709 : memref<64xf32, #tpu.memory_space<vmem>>)
      %dma_wait3A_713 = arith.constant 8 : i32
      %dma_wait3A_714 = arith.constant 0 : i32
      %dma_wait3A_715 = tpu.memref_slice %arg11[%dma_wait3A_713, %dma_wait3A_714] : memref<16x64xf32, #tpu.memory_space<vmem>> -> memref<1x64xf32, #tpu.memory_space<vmem>>
      %dma_wait3A_716 = tpu.memref_squeeze %dma_wait3A_715 : memref<1x64xf32, #tpu.memory_space<vmem>> -> memref<64xf32, #tpu.memory_space<vmem>>
      %dma_wait3A_717 = arith.constant 0 : i32
      %dma_wait3A_718 = tpu.memref_slice %arg3[%squeeze3A_269, %dma_wait3A_717] : memref<100000x64xf32, #tpu.memory_space<hbm>> -> memref<1x64xf32, #tpu.memory_space<hbm>>
      %dma_wait3A_719 = tpu.memref_squeeze %dma_wait3A_718 : memref<1x64xf32, #tpu.memory_space<hbm>> -> memref<64xf32, #tpu.memory_space<hbm>>
      %dma_wait3A_720 = arith.constant 0 : i32
      %dma_wait3A_721 = tpu.memref_slice %arg11[%dma_wait3A_713, %dma_wait3A_720] : memref<16x64xf32, #tpu.memory_space<vmem>> -> memref<1x64xf32, #tpu.memory_space<vmem>>
      %dma_wait3A_722 = tpu.memref_squeeze %dma_wait3A_721 : memref<1x64xf32, #tpu.memory_space<vmem>> -> memref<64xf32, #tpu.memory_space<vmem>>
      %dma_wait3A_723 = arith.constant 0 : i32
      %dma_wait3A_724 = tpu.memref_slice %arg3[%squeeze3A_269, %dma_wait3A_723] : memref<100000x64xf32, #tpu.memory_space<hbm>> -> memref<1x64xf32, #tpu.memory_space<hbm>>
      %dma_wait3A_725 = tpu.memref_squeeze %dma_wait3A_724 : memref<1x64xf32, #tpu.memory_space<hbm>> -> memref<64xf32, #tpu.memory_space<hbm>>
      tpu.wait_dma2 semaphore(%arg15 : memref<!tpu.dma_semaphore, #tpu.memory_space<semaphore_mem>>) src(%dma_wait3A_725 : memref<64xf32, #tpu.memory_space<hbm>>) dst(%dma_wait3A_722 : memref<64xf32, #tpu.memory_space<vmem>>)
      %dma_wait3A_726 = arith.constant 9 : i32
      %dma_wait3A_727 = arith.constant 0 : i32
      %dma_wait3A_728 = tpu.memref_slice %arg10[%dma_wait3A_726, %dma_wait3A_727] : memref<16x64xf32, #tpu.memory_space<vmem>> -> memref<1x64xf32, #tpu.memory_space<vmem>>
      %dma_wait3A_729 = tpu.memref_squeeze %dma_wait3A_728 : memref<1x64xf32, #tpu.memory_space<vmem>> -> memref<64xf32, #tpu.memory_space<vmem>>
      %dma_wait3A_730 = arith.constant 0 : i32
      %dma_wait3A_731 = tpu.memref_slice %arg2[%squeeze3A_284, %dma_wait3A_730] : memref<1000000x64xf32, #tpu.memory_space<hbm>> -> memref<1x64xf32, #tpu.memory_space<hbm>>
      %dma_wait3A_732 = tpu.memref_squeeze %dma_wait3A_731 : memref<1x64xf32, #tpu.memory_space<hbm>> -> memref<64xf32, #tpu.memory_space<hbm>>
      %dma_wait3A_733 = arith.constant 0 : i32
      %dma_wait3A_734 = tpu.memref_slice %arg10[%dma_wait3A_726, %dma_wait3A_733] : memref<16x64xf32, #tpu.memory_space<vmem>> -> memref<1x64xf32, #tpu.memory_space<vmem>>
      %dma_wait3A_735 = tpu.memref_squeeze %dma_wait3A_734 : memref<1x64xf32, #tpu.memory_space<vmem>> -> memref<64xf32, #tpu.memory_space<vmem>>
      %dma_wait3A_736 = arith.constant 0 : i32
      %dma_wait3A_737 = tpu.memref_slice %arg2[%squeeze3A_284, %dma_wait3A_736] : memref<1000000x64xf32, #tpu.memory_space<hbm>> -> memref<1x64xf32, #tpu.memory_space<hbm>>
      %dma_wait3A_738 = tpu.memref_squeeze %dma_wait3A_737 : memref<1x64xf32, #tpu.memory_space<hbm>> -> memref<64xf32, #tpu.memory_space<hbm>>
      tpu.wait_dma2 semaphore(%arg14 : memref<!tpu.dma_semaphore, #tpu.memory_space<semaphore_mem>>) src(%dma_wait3A_738 : memref<64xf32, #tpu.memory_space<hbm>>) dst(%dma_wait3A_735 : memref<64xf32, #tpu.memory_space<vmem>>)
      %dma_wait3A_739 = arith.constant 9 : i32
      %dma_wait3A_740 = arith.constant 0 : i32
      %dma_wait3A_741 = tpu.memref_slice %arg11[%dma_wait3A_739, %dma_wait3A_740] : memref<16x64xf32, #tpu.memory_space<vmem>> -> memref<1x64xf32, #tpu.memory_space<vmem>>
      %dma_wait3A_742 = tpu.memref_squeeze %dma_wait3A_741 : memref<1x64xf32, #tpu.memory_space<vmem>> -> memref<64xf32, #tpu.memory_space<vmem>>
      %dma_wait3A_743 = arith.constant 0 : i32
      %dma_wait3A_744 = tpu.memref_slice %arg3[%squeeze3A_299, %dma_wait3A_743] : memref<100000x64xf32, #tpu.memory_space<hbm>> -> memref<1x64xf32, #tpu.memory_space<hbm>>
      %dma_wait3A_745 = tpu.memref_squeeze %dma_wait3A_744 : memref<1x64xf32, #tpu.memory_space<hbm>> -> memref<64xf32, #tpu.memory_space<hbm>>
      %dma_wait3A_746 = arith.constant 0 : i32
      %dma_wait3A_747 = tpu.memref_slice %arg11[%dma_wait3A_739, %dma_wait3A_746] : memref<16x64xf32, #tpu.memory_space<vmem>> -> memref<1x64xf32, #tpu.memory_space<vmem>>
      %dma_wait3A_748 = tpu.memref_squeeze %dma_wait3A_747 : memref<1x64xf32, #tpu.memory_space<vmem>> -> memref<64xf32, #tpu.memory_space<vmem>>
      %dma_wait3A_749 = arith.constant 0 : i32
      %dma_wait3A_750 = tpu.memref_slice %arg3[%squeeze3A_299, %dma_wait3A_749] : memref<100000x64xf32, #tpu.memory_space<hbm>> -> memref<1x64xf32, #tpu.memory_space<hbm>>
      %dma_wait3A_751 = tpu.memref_squeeze %dma_wait3A_750 : memref<1x64xf32, #tpu.memory_space<hbm>> -> memref<64xf32, #tpu.memory_space<hbm>>
      tpu.wait_dma2 semaphore(%arg15 : memref<!tpu.dma_semaphore, #tpu.memory_space<semaphore_mem>>) src(%dma_wait3A_751 : memref<64xf32, #tpu.memory_space<hbm>>) dst(%dma_wait3A_748 : memref<64xf32, #tpu.memory_space<vmem>>)
      %dma_wait3A_752 = arith.constant 10 : i32
      %dma_wait3A_753 = arith.constant 0 : i32
      %dma_wait3A_754 = tpu.memref_slice %arg10[%dma_wait3A_752, %dma_wait3A_753] : memref<16x64xf32, #tpu.memory_space<vmem>> -> memref<1x64xf32, #tpu.memory_space<vmem>>
      %dma_wait3A_755 = tpu.memref_squeeze %dma_wait3A_754 : memref<1x64xf32, #tpu.memory_space<vmem>> -> memref<64xf32, #tpu.memory_space<vmem>>
      %dma_wait3A_756 = arith.constant 0 : i32
      %dma_wait3A_757 = tpu.memref_slice %arg2[%squeeze3A_314, %dma_wait3A_756] : memref<1000000x64xf32, #tpu.memory_space<hbm>> -> memref<1x64xf32, #tpu.memory_space<hbm>>
      %dma_wait3A_758 = tpu.memref_squeeze %dma_wait3A_757 : memref<1x64xf32, #tpu.memory_space<hbm>> -> memref<64xf32, #tpu.memory_space<hbm>>
      %dma_wait3A_759 = arith.constant 0 : i32
      %dma_wait3A_760 = tpu.memref_slice %arg10[%dma_wait3A_752, %dma_wait3A_759] : memref<16x64xf32, #tpu.memory_space<vmem>> -> memref<1x64xf32, #tpu.memory_space<vmem>>
      %dma_wait3A_761 = tpu.memref_squeeze %dma_wait3A_760 : memref<1x64xf32, #tpu.memory_space<vmem>> -> memref<64xf32, #tpu.memory_space<vmem>>
      %dma_wait3A_762 = arith.constant 0 : i32
      %dma_wait3A_763 = tpu.memref_slice %arg2[%squeeze3A_314, %dma_wait3A_762] : memref<1000000x64xf32, #tpu.memory_space<hbm>> -> memref<1x64xf32, #tpu.memory_space<hbm>>
      %dma_wait3A_764 = tpu.memref_squeeze %dma_wait3A_763 : memref<1x64xf32, #tpu.memory_space<hbm>> -> memref<64xf32, #tpu.memory_space<hbm>>
      tpu.wait_dma2 semaphore(%arg14 : memref<!tpu.dma_semaphore, #tpu.memory_space<semaphore_mem>>) src(%dma_wait3A_764 : memref<64xf32, #tpu.memory_space<hbm>>) dst(%dma_wait3A_761 : memref<64xf32, #tpu.memory_space<vmem>>)
      %dma_wait3A_765 = arith.constant 10 : i32
      %dma_wait3A_766 = arith.constant 0 : i32
      %dma_wait3A_767 = tpu.memref_slice %arg11[%dma_wait3A_765, %dma_wait3A_766] : memref<16x64xf32, #tpu.memory_space<vmem>> -> memref<1x64xf32, #tpu.memory_space<vmem>>
      %dma_wait3A_768 = tpu.memref_squeeze %dma_wait3A_767 : memref<1x64xf32, #tpu.memory_space<vmem>> -> memref<64xf32, #tpu.memory_space<vmem>>
      %dma_wait3A_769 = arith.constant 0 : i32
      %dma_wait3A_770 = tpu.memref_slice %arg3[%squeeze3A_329, %dma_wait3A_769] : memref<100000x64xf32, #tpu.memory_space<hbm>> -> memref<1x64xf32, #tpu.memory_space<hbm>>
      %dma_wait3A_771 = tpu.memref_squeeze %dma_wait3A_770 : memref<1x64xf32, #tpu.memory_space<hbm>> -> memref<64xf32, #tpu.memory_space<hbm>>
      %dma_wait3A_772 = arith.constant 0 : i32
      %dma_wait3A_773 = tpu.memref_slice %arg11[%dma_wait3A_765, %dma_wait3A_772] : memref<16x64xf32, #tpu.memory_space<vmem>> -> memref<1x64xf32, #tpu.memory_space<vmem>>
      %dma_wait3A_774 = tpu.memref_squeeze %dma_wait3A_773 : memref<1x64xf32, #tpu.memory_space<vmem>> -> memref<64xf32, #tpu.memory_space<vmem>>
      %dma_wait3A_775 = arith.constant 0 : i32
      %dma_wait3A_776 = tpu.memref_slice %arg3[%squeeze3A_329, %dma_wait3A_775] : memref<100000x64xf32, #tpu.memory_space<hbm>> -> memref<1x64xf32, #tpu.memory_space<hbm>>
      %dma_wait3A_777 = tpu.memref_squeeze %dma_wait3A_776 : memref<1x64xf32, #tpu.memory_space<hbm>> -> memref<64xf32, #tpu.memory_space<hbm>>
      tpu.wait_dma2 semaphore(%arg15 : memref<!tpu.dma_semaphore, #tpu.memory_space<semaphore_mem>>) src(%dma_wait3A_777 : memref<64xf32, #tpu.memory_space<hbm>>) dst(%dma_wait3A_774 : memref<64xf32, #tpu.memory_space<vmem>>)
      %dma_wait3A_778 = arith.constant 11 : i32
      %dma_wait3A_779 = arith.constant 0 : i32
      %dma_wait3A_780 = tpu.memref_slice %arg10[%dma_wait3A_778, %dma_wait3A_779] : memref<16x64xf32, #tpu.memory_space<vmem>> -> memref<1x64xf32, #tpu.memory_space<vmem>>
      %dma_wait3A_781 = tpu.memref_squeeze %dma_wait3A_780 : memref<1x64xf32, #tpu.memory_space<vmem>> -> memref<64xf32, #tpu.memory_space<vmem>>
      %dma_wait3A_782 = arith.constant 0 : i32
      %dma_wait3A_783 = tpu.memref_slice %arg2[%squeeze3A_344, %dma_wait3A_782] : memref<1000000x64xf32, #tpu.memory_space<hbm>> -> memref<1x64xf32, #tpu.memory_space<hbm>>
      %dma_wait3A_784 = tpu.memref_squeeze %dma_wait3A_783 : memref<1x64xf32, #tpu.memory_space<hbm>> -> memref<64xf32, #tpu.memory_space<hbm>>
      %dma_wait3A_785 = arith.constant 0 : i32
      %dma_wait3A_786 = tpu.memref_slice %arg10[%dma_wait3A_778, %dma_wait3A_785] : memref<16x64xf32, #tpu.memory_space<vmem>> -> memref<1x64xf32, #tpu.memory_space<vmem>>
      %dma_wait3A_787 = tpu.memref_squeeze %dma_wait3A_786 : memref<1x64xf32, #tpu.memory_space<vmem>> -> memref<64xf32, #tpu.memory_space<vmem>>
      %dma_wait3A_788 = arith.constant 0 : i32
      %dma_wait3A_789 = tpu.memref_slice %arg2[%squeeze3A_344, %dma_wait3A_788] : memref<1000000x64xf32, #tpu.memory_space<hbm>> -> memref<1x64xf32, #tpu.memory_space<hbm>>
      %dma_wait3A_790 = tpu.memref_squeeze %dma_wait3A_789 : memref<1x64xf32, #tpu.memory_space<hbm>> -> memref<64xf32, #tpu.memory_space<hbm>>
      tpu.wait_dma2 semaphore(%arg14 : memref<!tpu.dma_semaphore, #tpu.memory_space<semaphore_mem>>) src(%dma_wait3A_790 : memref<64xf32, #tpu.memory_space<hbm>>) dst(%dma_wait3A_787 : memref<64xf32, #tpu.memory_space<vmem>>)
      %dma_wait3A_791 = arith.constant 11 : i32
      %dma_wait3A_792 = arith.constant 0 : i32
      %dma_wait3A_793 = tpu.memref_slice %arg11[%dma_wait3A_791, %dma_wait3A_792] : memref<16x64xf32, #tpu.memory_space<vmem>> -> memref<1x64xf32, #tpu.memory_space<vmem>>
      %dma_wait3A_794 = tpu.memref_squeeze %dma_wait3A_793 : memref<1x64xf32, #tpu.memory_space<vmem>> -> memref<64xf32, #tpu.memory_space<vmem>>
      %dma_wait3A_795 = arith.constant 0 : i32
      %dma_wait3A_796 = tpu.memref_slice %arg3[%squeeze3A_359, %dma_wait3A_795] : memref<100000x64xf32, #tpu.memory_space<hbm>> -> memref<1x64xf32, #tpu.memory_space<hbm>>
      %dma_wait3A_797 = tpu.memref_squeeze %dma_wait3A_796 : memref<1x64xf32, #tpu.memory_space<hbm>> -> memref<64xf32, #tpu.memory_space<hbm>>
      %dma_wait3A_798 = arith.constant 0 : i32
      %dma_wait3A_799 = tpu.memref_slice %arg11[%dma_wait3A_791, %dma_wait3A_798] : memref<16x64xf32, #tpu.memory_space<vmem>> -> memref<1x64xf32, #tpu.memory_space<vmem>>
      %dma_wait3A_800 = tpu.memref_squeeze %dma_wait3A_799 : memref<1x64xf32, #tpu.memory_space<vmem>> -> memref<64xf32, #tpu.memory_space<vmem>>
      %dma_wait3A_801 = arith.constant 0 : i32
      %dma_wait3A_802 = tpu.memref_slice %arg3[%squeeze3A_359, %dma_wait3A_801] : memref<100000x64xf32, #tpu.memory_space<hbm>> -> memref<1x64xf32, #tpu.memory_space<hbm>>
      %dma_wait3A_803 = tpu.memref_squeeze %dma_wait3A_802 : memref<1x64xf32, #tpu.memory_space<hbm>> -> memref<64xf32, #tpu.memory_space<hbm>>
      tpu.wait_dma2 semaphore(%arg15 : memref<!tpu.dma_semaphore, #tpu.memory_space<semaphore_mem>>) src(%dma_wait3A_803 : memref<64xf32, #tpu.memory_space<hbm>>) dst(%dma_wait3A_800 : memref<64xf32, #tpu.memory_space<vmem>>)
      %dma_wait3A_804 = arith.constant 12 : i32
      %dma_wait3A_805 = arith.constant 0 : i32
      %dma_wait3A_806 = tpu.memref_slice %arg10[%dma_wait3A_804, %dma_wait3A_805] : memref<16x64xf32, #tpu.memory_space<vmem>> -> memref<1x64xf32, #tpu.memory_space<vmem>>
      %dma_wait3A_807 = tpu.memref_squeeze %dma_wait3A_806 : memref<1x64xf32, #tpu.memory_space<vmem>> -> memref<64xf32, #tpu.memory_space<vmem>>
      %dma_wait3A_808 = arith.constant 0 : i32
      %dma_wait3A_809 = tpu.memref_slice %arg2[%squeeze3A_374, %dma_wait3A_808] : memref<1000000x64xf32, #tpu.memory_space<hbm>> -> memref<1x64xf32, #tpu.memory_space<hbm>>
      %dma_wait3A_810 = tpu.memref_squeeze %dma_wait3A_809 : memref<1x64xf32, #tpu.memory_space<hbm>> -> memref<64xf32, #tpu.memory_space<hbm>>
      %dma_wait3A_811 = arith.constant 0 : i32
      %dma_wait3A_812 = tpu.memref_slice %arg10[%dma_wait3A_804, %dma_wait3A_811] : memref<16x64xf32, #tpu.memory_space<vmem>> -> memref<1x64xf32, #tpu.memory_space<vmem>>
      %dma_wait3A_813 = tpu.memref_squeeze %dma_wait3A_812 : memref<1x64xf32, #tpu.memory_space<vmem>> -> memref<64xf32, #tpu.memory_space<vmem>>
      %dma_wait3A_814 = arith.constant 0 : i32
      %dma_wait3A_815 = tpu.memref_slice %arg2[%squeeze3A_374, %dma_wait3A_814] : memref<1000000x64xf32, #tpu.memory_space<hbm>> -> memref<1x64xf32, #tpu.memory_space<hbm>>
      %dma_wait3A_816 = tpu.memref_squeeze %dma_wait3A_815 : memref<1x64xf32, #tpu.memory_space<hbm>> -> memref<64xf32, #tpu.memory_space<hbm>>
      tpu.wait_dma2 semaphore(%arg14 : memref<!tpu.dma_semaphore, #tpu.memory_space<semaphore_mem>>) src(%dma_wait3A_816 : memref<64xf32, #tpu.memory_space<hbm>>) dst(%dma_wait3A_813 : memref<64xf32, #tpu.memory_space<vmem>>)
      %dma_wait3A_817 = arith.constant 12 : i32
      %dma_wait3A_818 = arith.constant 0 : i32
      %dma_wait3A_819 = tpu.memref_slice %arg11[%dma_wait3A_817, %dma_wait3A_818] : memref<16x64xf32, #tpu.memory_space<vmem>> -> memref<1x64xf32, #tpu.memory_space<vmem>>
      %dma_wait3A_820 = tpu.memref_squeeze %dma_wait3A_819 : memref<1x64xf32, #tpu.memory_space<vmem>> -> memref<64xf32, #tpu.memory_space<vmem>>
      %dma_wait3A_821 = arith.constant 0 : i32
      %dma_wait3A_822 = tpu.memref_slice %arg3[%squeeze3A_389, %dma_wait3A_821] : memref<100000x64xf32, #tpu.memory_space<hbm>> -> memref<1x64xf32, #tpu.memory_space<hbm>>
      %dma_wait3A_823 = tpu.memref_squeeze %dma_wait3A_822 : memref<1x64xf32, #tpu.memory_space<hbm>> -> memref<64xf32, #tpu.memory_space<hbm>>
      %dma_wait3A_824 = arith.constant 0 : i32
      %dma_wait3A_825 = tpu.memref_slice %arg11[%dma_wait3A_817, %dma_wait3A_824] : memref<16x64xf32, #tpu.memory_space<vmem>> -> memref<1x64xf32, #tpu.memory_space<vmem>>
      %dma_wait3A_826 = tpu.memref_squeeze %dma_wait3A_825 : memref<1x64xf32, #tpu.memory_space<vmem>> -> memref<64xf32, #tpu.memory_space<vmem>>
      %dma_wait3A_827 = arith.constant 0 : i32
      %dma_wait3A_828 = tpu.memref_slice %arg3[%squeeze3A_389, %dma_wait3A_827] : memref<100000x64xf32, #tpu.memory_space<hbm>> -> memref<1x64xf32, #tpu.memory_space<hbm>>
      %dma_wait3A_829 = tpu.memref_squeeze %dma_wait3A_828 : memref<1x64xf32, #tpu.memory_space<hbm>> -> memref<64xf32, #tpu.memory_space<hbm>>
      tpu.wait_dma2 semaphore(%arg15 : memref<!tpu.dma_semaphore, #tpu.memory_space<semaphore_mem>>) src(%dma_wait3A_829 : memref<64xf32, #tpu.memory_space<hbm>>) dst(%dma_wait3A_826 : memref<64xf32, #tpu.memory_space<vmem>>)
      %dma_wait3A_830 = arith.constant 13 : i32
      %dma_wait3A_831 = arith.constant 0 : i32
      %dma_wait3A_832 = tpu.memref_slice %arg10[%dma_wait3A_830, %dma_wait3A_831] : memref<16x64xf32, #tpu.memory_space<vmem>> -> memref<1x64xf32, #tpu.memory_space<vmem>>
      %dma_wait3A_833 = tpu.memref_squeeze %dma_wait3A_832 : memref<1x64xf32, #tpu.memory_space<vmem>> -> memref<64xf32, #tpu.memory_space<vmem>>
      %dma_wait3A_834 = arith.constant 0 : i32
      %dma_wait3A_835 = tpu.memref_slice %arg2[%squeeze3A_404, %dma_wait3A_834] : memref<1000000x64xf32, #tpu.memory_space<hbm>> -> memref<1x64xf32, #tpu.memory_space<hbm>>
      %dma_wait3A_836 = tpu.memref_squeeze %dma_wait3A_835 : memref<1x64xf32, #tpu.memory_space<hbm>> -> memref<64xf32, #tpu.memory_space<hbm>>
      %dma_wait3A_837 = arith.constant 0 : i32
      %dma_wait3A_838 = tpu.memref_slice %arg10[%dma_wait3A_830, %dma_wait3A_837] : memref<16x64xf32, #tpu.memory_space<vmem>> -> memref<1x64xf32, #tpu.memory_space<vmem>>
      %dma_wait3A_839 = tpu.memref_squeeze %dma_wait3A_838 : memref<1x64xf32, #tpu.memory_space<vmem>> -> memref<64xf32, #tpu.memory_space<vmem>>
      %dma_wait3A_840 = arith.constant 0 : i32
      %dma_wait3A_841 = tpu.memref_slice %arg2[%squeeze3A_404, %dma_wait3A_840] : memref<1000000x64xf32, #tpu.memory_space<hbm>> -> memref<1x64xf32, #tpu.memory_space<hbm>>
      %dma_wait3A_842 = tpu.memref_squeeze %dma_wait3A_841 : memref<1x64xf32, #tpu.memory_space<hbm>> -> memref<64xf32, #tpu.memory_space<hbm>>
      tpu.wait_dma2 semaphore(%arg14 : memref<!tpu.dma_semaphore, #tpu.memory_space<semaphore_mem>>) src(%dma_wait3A_842 : memref<64xf32, #tpu.memory_space<hbm>>) dst(%dma_wait3A_839 : memref<64xf32, #tpu.memory_space<vmem>>)
      %dma_wait3A_843 = arith.constant 13 : i32
      %dma_wait3A_844 = arith.constant 0 : i32
      %dma_wait3A_845 = tpu.memref_slice %arg11[%dma_wait3A_843, %dma_wait3A_844] : memref<16x64xf32, #tpu.memory_space<vmem>> -> memref<1x64xf32, #tpu.memory_space<vmem>>
      %dma_wait3A_846 = tpu.memref_squeeze %dma_wait3A_845 : memref<1x64xf32, #tpu.memory_space<vmem>> -> memref<64xf32, #tpu.memory_space<vmem>>
      %dma_wait3A_847 = arith.constant 0 : i32
      %dma_wait3A_848 = tpu.memref_slice %arg3[%squeeze3A_419, %dma_wait3A_847] : memref<100000x64xf32, #tpu.memory_space<hbm>> -> memref<1x64xf32, #tpu.memory_space<hbm>>
      %dma_wait3A_849 = tpu.memref_squeeze %dma_wait3A_848 : memref<1x64xf32, #tpu.memory_space<hbm>> -> memref<64xf32, #tpu.memory_space<hbm>>
      %dma_wait3A_850 = arith.constant 0 : i32
      %dma_wait3A_851 = tpu.memref_slice %arg11[%dma_wait3A_843, %dma_wait3A_850] : memref<16x64xf32, #tpu.memory_space<vmem>> -> memref<1x64xf32, #tpu.memory_space<vmem>>
      %dma_wait3A_852 = tpu.memref_squeeze %dma_wait3A_851 : memref<1x64xf32, #tpu.memory_space<vmem>> -> memref<64xf32, #tpu.memory_space<vmem>>
      %dma_wait3A_853 = arith.constant 0 : i32
      %dma_wait3A_854 = tpu.memref_slice %arg3[%squeeze3A_419, %dma_wait3A_853] : memref<100000x64xf32, #tpu.memory_space<hbm>> -> memref<1x64xf32, #tpu.memory_space<hbm>>
      %dma_wait3A_855 = tpu.memref_squeeze %dma_wait3A_854 : memref<1x64xf32, #tpu.memory_space<hbm>> -> memref<64xf32, #tpu.memory_space<hbm>>
      tpu.wait_dma2 semaphore(%arg15 : memref<!tpu.dma_semaphore, #tpu.memory_space<semaphore_mem>>) src(%dma_wait3A_855 : memref<64xf32, #tpu.memory_space<hbm>>) dst(%dma_wait3A_852 : memref<64xf32, #tpu.memory_space<vmem>>)
      %dma_wait3A_856 = arith.constant 14 : i32
      %dma_wait3A_857 = arith.constant 0 : i32
      %dma_wait3A_858 = tpu.memref_slice %arg10[%dma_wait3A_856, %dma_wait3A_857] : memref<16x64xf32, #tpu.memory_space<vmem>> -> memref<1x64xf32, #tpu.memory_space<vmem>>
      %dma_wait3A_859 = tpu.memref_squeeze %dma_wait3A_858 : memref<1x64xf32, #tpu.memory_space<vmem>> -> memref<64xf32, #tpu.memory_space<vmem>>
      %dma_wait3A_860 = arith.constant 0 : i32
      %dma_wait3A_861 = tpu.memref_slice %arg2[%squeeze3A_434, %dma_wait3A_860] : memref<1000000x64xf32, #tpu.memory_space<hbm>> -> memref<1x64xf32, #tpu.memory_space<hbm>>
      %dma_wait3A_862 = tpu.memref_squeeze %dma_wait3A_861 : memref<1x64xf32, #tpu.memory_space<hbm>> -> memref<64xf32, #tpu.memory_space<hbm>>
      %dma_wait3A_863 = arith.constant 0 : i32
      %dma_wait3A_864 = tpu.memref_slice %arg10[%dma_wait3A_856, %dma_wait3A_863] : memref<16x64xf32, #tpu.memory_space<vmem>> -> memref<1x64xf32, #tpu.memory_space<vmem>>
      %dma_wait3A_865 = tpu.memref_squeeze %dma_wait3A_864 : memref<1x64xf32, #tpu.memory_space<vmem>> -> memref<64xf32, #tpu.memory_space<vmem>>
      %dma_wait3A_866 = arith.constant 0 : i32
      %dma_wait3A_867 = tpu.memref_slice %arg2[%squeeze3A_434, %dma_wait3A_866] : memref<1000000x64xf32, #tpu.memory_space<hbm>> -> memref<1x64xf32, #tpu.memory_space<hbm>>
      %dma_wait3A_868 = tpu.memref_squeeze %dma_wait3A_867 : memref<1x64xf32, #tpu.memory_space<hbm>> -> memref<64xf32, #tpu.memory_space<hbm>>
      tpu.wait_dma2 semaphore(%arg14 : memref<!tpu.dma_semaphore, #tpu.memory_space<semaphore_mem>>) src(%dma_wait3A_868 : memref<64xf32, #tpu.memory_space<hbm>>) dst(%dma_wait3A_865 : memref<64xf32, #tpu.memory_space<vmem>>)
      %dma_wait3A_869 = arith.constant 14 : i32
      %dma_wait3A_870 = arith.constant 0 : i32
      %dma_wait3A_871 = tpu.memref_slice %arg11[%dma_wait3A_869, %dma_wait3A_870] : memref<16x64xf32, #tpu.memory_space<vmem>> -> memref<1x64xf32, #tpu.memory_space<vmem>>
      %dma_wait3A_872 = tpu.memref_squeeze %dma_wait3A_871 : memref<1x64xf32, #tpu.memory_space<vmem>> -> memref<64xf32, #tpu.memory_space<vmem>>
      %dma_wait3A_873 = arith.constant 0 : i32
      %dma_wait3A_874 = tpu.memref_slice %arg3[%squeeze3A_449, %dma_wait3A_873] : memref<100000x64xf32, #tpu.memory_space<hbm>> -> memref<1x64xf32, #tpu.memory_space<hbm>>
      %dma_wait3A_875 = tpu.memref_squeeze %dma_wait3A_874 : memref<1x64xf32, #tpu.memory_space<hbm>> -> memref<64xf32, #tpu.memory_space<hbm>>
      %dma_wait3A_876 = arith.constant 0 : i32
      %dma_wait3A_877 = tpu.memref_slice %arg11[%dma_wait3A_869, %dma_wait3A_876] : memref<16x64xf32, #tpu.memory_space<vmem>> -> memref<1x64xf32, #tpu.memory_space<vmem>>
      %dma_wait3A_878 = tpu.memref_squeeze %dma_wait3A_877 : memref<1x64xf32, #tpu.memory_space<vmem>> -> memref<64xf32, #tpu.memory_space<vmem>>
      %dma_wait3A_879 = arith.constant 0 : i32
      %dma_wait3A_880 = tpu.memref_slice %arg3[%squeeze3A_449, %dma_wait3A_879] : memref<100000x64xf32, #tpu.memory_space<hbm>> -> memref<1x64xf32, #tpu.memory_space<hbm>>
      %dma_wait3A_881 = tpu.memref_squeeze %dma_wait3A_880 : memref<1x64xf32, #tpu.memory_space<hbm>> -> memref<64xf32, #tpu.memory_space<hbm>>
      tpu.wait_dma2 semaphore(%arg15 : memref<!tpu.dma_semaphore, #tpu.memory_space<semaphore_mem>>) src(%dma_wait3A_881 : memref<64xf32, #tpu.memory_space<hbm>>) dst(%dma_wait3A_878 : memref<64xf32, #tpu.memory_space<vmem>>)
      %dma_wait3A_882 = arith.constant 15 : i32
      %dma_wait3A_883 = arith.constant 0 : i32
      %dma_wait3A_884 = tpu.memref_slice %arg10[%dma_wait3A_882, %dma_wait3A_883] : memref<16x64xf32, #tpu.memory_space<vmem>> -> memref<1x64xf32, #tpu.memory_space<vmem>>
      %dma_wait3A_885 = tpu.memref_squeeze %dma_wait3A_884 : memref<1x64xf32, #tpu.memory_space<vmem>> -> memref<64xf32, #tpu.memory_space<vmem>>
      %dma_wait3A_886 = arith.constant 0 : i32
      %dma_wait3A_887 = tpu.memref_slice %arg2[%squeeze3A_464, %dma_wait3A_886] : memref<1000000x64xf32, #tpu.memory_space<hbm>> -> memref<1x64xf32, #tpu.memory_space<hbm>>
      %dma_wait3A_888 = tpu.memref_squeeze %dma_wait3A_887 : memref<1x64xf32, #tpu.memory_space<hbm>> -> memref<64xf32, #tpu.memory_space<hbm>>
      %dma_wait3A_889 = arith.constant 0 : i32
      %dma_wait3A_890 = tpu.memref_slice %arg10[%dma_wait3A_882, %dma_wait3A_889] : memref<16x64xf32, #tpu.memory_space<vmem>> -> memref<1x64xf32, #tpu.memory_space<vmem>>
      %dma_wait3A_891 = tpu.memref_squeeze %dma_wait3A_890 : memref<1x64xf32, #tpu.memory_space<vmem>> -> memref<64xf32, #tpu.memory_space<vmem>>
      %dma_wait3A_892 = arith.constant 0 : i32
      %dma_wait3A_893 = tpu.memref_slice %arg2[%squeeze3A_464, %dma_wait3A_892] : memref<1000000x64xf32, #tpu.memory_space<hbm>> -> memref<1x64xf32, #tpu.memory_space<hbm>>
      %dma_wait3A_894 = tpu.memref_squeeze %dma_wait3A_893 : memref<1x64xf32, #tpu.memory_space<hbm>> -> memref<64xf32, #tpu.memory_space<hbm>>
      tpu.wait_dma2 semaphore(%arg14 : memref<!tpu.dma_semaphore, #tpu.memory_space<semaphore_mem>>) src(%dma_wait3A_894 : memref<64xf32, #tpu.memory_space<hbm>>) dst(%dma_wait3A_891 : memref<64xf32, #tpu.memory_space<vmem>>)
      %dma_wait3A_895 = arith.constant 15 : i32
      %dma_wait3A_896 = arith.constant 0 : i32
      %dma_wait3A_897 = tpu.memref_slice %arg11[%dma_wait3A_895, %dma_wait3A_896] : memref<16x64xf32, #tpu.memory_space<vmem>> -> memref<1x64xf32, #tpu.memory_space<vmem>>
      %dma_wait3A_898 = tpu.memref_squeeze %dma_wait3A_897 : memref<1x64xf32, #tpu.memory_space<vmem>> -> memref<64xf32, #tpu.memory_space<vmem>>
      %dma_wait3A_899 = arith.constant 0 : i32
      %dma_wait3A_900 = tpu.memref_slice %arg3[%squeeze3A_479, %dma_wait3A_899] : memref<100000x64xf32, #tpu.memory_space<hbm>> -> memref<1x64xf32, #tpu.memory_space<hbm>>
      %dma_wait3A_901 = tpu.memref_squeeze %dma_wait3A_900 : memref<1x64xf32, #tpu.memory_space<hbm>> -> memref<64xf32, #tpu.memory_space<hbm>>
      %dma_wait3A_902 = arith.constant 0 : i32
      %dma_wait3A_903 = tpu.memref_slice %arg11[%dma_wait3A_895, %dma_wait3A_902] : memref<16x64xf32, #tpu.memory_space<vmem>> -> memref<1x64xf32, #tpu.memory_space<vmem>>
      %dma_wait3A_904 = tpu.memref_squeeze %dma_wait3A_903 : memref<1x64xf32, #tpu.memory_space<vmem>> -> memref<64xf32, #tpu.memory_space<vmem>>
      %dma_wait3A_905 = arith.constant 0 : i32
      %dma_wait3A_906 = tpu.memref_slice %arg3[%squeeze3A_479, %dma_wait3A_905] : memref<100000x64xf32, #tpu.memory_space<hbm>> -> memref<1x64xf32, #tpu.memory_space<hbm>>
      %dma_wait3A_907 = tpu.memref_squeeze %dma_wait3A_906 : memref<1x64xf32, #tpu.memory_space<hbm>> -> memref<64xf32, #tpu.memory_space<hbm>>
      tpu.wait_dma2 semaphore(%arg15 : memref<!tpu.dma_semaphore, #tpu.memory_space<semaphore_mem>>) src(%dma_wait3A_907 : memref<64xf32, #tpu.memory_space<hbm>>) dst(%dma_wait3A_904 : memref<64xf32, #tpu.memory_space<vmem>>)
      %broadcast_in_dim3A = arith.constant 0.000000e+00 : f32
      %broadcast_in_dim3A_908 = vector.broadcast %broadcast_in_dim3A : f32 to vector<16xf32>
      %get3A_909 = arith.constant 0 : i32
      %get3A_910 = arith.index_cast %get3A_909 : i32 to index
      %get3A_911 = arith.constant 0 : index
      %get3A_912 = tpu.vector_load %arg10[%get3A_910, %get3A_911] {strides = array<i32>} : memref<16x64xf32, #tpu.memory_space<vmem>>, vector<16xf32>,
      %get3A_913 = arith.constant 0 : i32
      %get3A_914 = arith.index_cast %get3A_913 : i32 to index
      %get3A_915 = arith.constant 0 : index
      %get3A_916 = tpu.vector_load %arg11[%get3A_914, %get3A_915] {strides = array<i32>} : memref<16x64xf32, #tpu.memory_space<vmem>>, vector<16xf32>,
      %mul3A_917 = arith.mulf %get3A_912, %get3A_916 : vector<16xf32>
      %get3A_918 = arith.constant 0 : i32
      %get3A_919 = arith.index_cast %get3A_918 : i32 to index
      %get3A_920 = arith.constant 16 : index
      %get3A_921 = tpu.vector_load %arg10[%get3A_919, %get3A_920] {strides = array<i32>} : memref<16x64xf32, #tpu.memory_space<vmem>>, vector<16xf32>,
      %get3A_922 = arith.constant 0 : i32
      %get3A_923 = arith.index_cast %get3A_922 : i32 to index
      %get3A_924 = arith.constant 16 : index
      %get3A_925 = tpu.vector_load %arg11[%get3A_923, %get3A_924] {strides = array<i32>} : memref<16x64xf32, #tpu.memory_space<vmem>>, vector<16xf32>,
      %mul3A_926 = arith.mulf %get3A_921, %get3A_925 : vector<16xf32>
      %add3A_927 = arith.addf %mul3A_917, %mul3A_926 : vector<16xf32>
      %get3A_928 = arith.constant 0 : i32
      %get3A_929 = arith.index_cast %get3A_928 : i32 to index
      %get3A_930 = arith.constant 32 : index
      %get3A_931 = tpu.vector_load %arg10[%get3A_929, %get3A_930] {strides = array<i32>} : memref<16x64xf32, #tpu.memory_space<vmem>>, vector<16xf32>,
      %get3A_932 = arith.constant 0 : i32
      %get3A_933 = arith.index_cast %get3A_932 : i32 to index
      %get3A_934 = arith.constant 32 : index
      %get3A_935 = tpu.vector_load %arg11[%get3A_933, %get3A_934] {strides = array<i32>} : memref<16x64xf32, #tpu.memory_space<vmem>>, vector<16xf32>,
      %mul3A_936 = arith.mulf %get3A_931, %get3A_935 : vector<16xf32>
      %add3A_937 = arith.addf %add3A_927, %mul3A_936 : vector<16xf32>
      %get3A_938 = arith.constant 0 : i32
      %get3A_939 = arith.index_cast %get3A_938 : i32 to index
      %get3A_940 = arith.constant 48 : index
      %get3A_941 = tpu.vector_load %arg10[%get3A_939, %get3A_940] {strides = array<i32>} : memref<16x64xf32, #tpu.memory_space<vmem>>, vector<16xf32>,
      %get3A_942 = arith.constant 0 : i32
      %get3A_943 = arith.index_cast %get3A_942 : i32 to index
      %get3A_944 = arith.constant 48 : index
      %get3A_945 = tpu.vector_load %arg11[%get3A_943, %get3A_944] {strides = array<i32>} : memref<16x64xf32, #tpu.memory_space<vmem>>, vector<16xf32>,
      %mul3A_946 = arith.mulf %get3A_941, %get3A_945 : vector<16xf32>
      %add3A_947 = arith.addf %add3A_937, %mul3A_946 : vector<16xf32>
      %eq3A = arith.constant 0 : i32
      %eq3A_948 = vector.broadcast %eq3A : i32 to vector<16xi32>
      %eq3A_949 = arith.cmpi eq, %iota3A, %eq3A_948 : vector<16xi32>
      %reduce_sum3A = arith.constant true
      %reduce_sum3A_950 = vector.broadcast %reduce_sum3A : i1 to vector<16xi1>
      %reduce_sum3A_951 = tpu.scan <sum>, %add3A_947 masked %reduce_sum3A_950 : vector<16xf32>, vector<16xi1> -> vector<16xf32>
      %reduce_sum3A_952 = vector.extract %reduce_sum3A_951[15] : f32 from vector<16xf32>
      %broadcast_in_dim3A_953 = vector.broadcast %reduce_sum3A_952 : f32 to vector<16xf32>
      %select_n3A = arith.select %eq3A_949, %broadcast_in_dim3A_953, %broadcast_in_dim3A_908 : vector<16xi1>, vector<16xf32>
      %get3A_954 = arith.constant 1 : i32
      %get3A_955 = arith.index_cast %get3A_954 : i32 to index
      %get3A_956 = arith.constant 0 : index
      %get3A_957 = tpu.vector_load %arg10[%get3A_955, %get3A_956] {strides = array<i32>} : memref<16x64xf32, #tpu.memory_space<vmem>>, vector<16xf32>,
      %get3A_958 = arith.constant 1 : i32
      %get3A_959 = arith.index_cast %get3A_958 : i32 to index
      %get3A_960 = arith.constant 0 : index
      %get3A_961 = tpu.vector_load %arg11[%get3A_959, %get3A_960] {strides = array<i32>} : memref<16x64xf32, #tpu.memory_space<vmem>>, vector<16xf32>,
      %mul3A_962 = arith.mulf %get3A_957, %get3A_961 : vector<16xf32>
      %get3A_963 = arith.constant 1 : i32
      %get3A_964 = arith.index_cast %get3A_963 : i32 to index
      %get3A_965 = arith.constant 16 : index
      %get3A_966 = tpu.vector_load %arg10[%get3A_964, %get3A_965] {strides = array<i32>} : memref<16x64xf32, #tpu.memory_space<vmem>>, vector<16xf32>,
      %get3A_967 = arith.constant 1 : i32
      %get3A_968 = arith.index_cast %get3A_967 : i32 to index
      %get3A_969 = arith.constant 16 : index
      %get3A_970 = tpu.vector_load %arg11[%get3A_968, %get3A_969] {strides = array<i32>} : memref<16x64xf32, #tpu.memory_space<vmem>>, vector<16xf32>,
      %mul3A_971 = arith.mulf %get3A_966, %get3A_970 : vector<16xf32>
      %add3A_972 = arith.addf %mul3A_962, %mul3A_971 : vector<16xf32>
      %get3A_973 = arith.constant 1 : i32
      %get3A_974 = arith.index_cast %get3A_973 : i32 to index
      %get3A_975 = arith.constant 32 : index
      %get3A_976 = tpu.vector_load %arg10[%get3A_974, %get3A_975] {strides = array<i32>} : memref<16x64xf32, #tpu.memory_space<vmem>>, vector<16xf32>,
      %get3A_977 = arith.constant 1 : i32
      %get3A_978 = arith.index_cast %get3A_977 : i32 to index
      %get3A_979 = arith.constant 32 : index
      %get3A_980 = tpu.vector_load %arg11[%get3A_978, %get3A_979] {strides = array<i32>} : memref<16x64xf32, #tpu.memory_space<vmem>>, vector<16xf32>,
      %mul3A_981 = arith.mulf %get3A_976, %get3A_980 : vector<16xf32>
      %add3A_982 = arith.addf %add3A_972, %mul3A_981 : vector<16xf32>
      %get3A_983 = arith.constant 1 : i32
      %get3A_984 = arith.index_cast %get3A_983 : i32 to index
      %get3A_985 = arith.constant 48 : index
      %get3A_986 = tpu.vector_load %arg10[%get3A_984, %get3A_985] {strides = array<i32>} : memref<16x64xf32, #tpu.memory_space<vmem>>, vector<16xf32>,
      %get3A_987 = arith.constant 1 : i32
      %get3A_988 = arith.index_cast %get3A_987 : i32 to index
      %get3A_989 = arith.constant 48 : index
      %get3A_990 = tpu.vector_load %arg11[%get3A_988, %get3A_989] {strides = array<i32>} : memref<16x64xf32, #tpu.memory_space<vmem>>, vector<16xf32>,
      %mul3A_991 = arith.mulf %get3A_986, %get3A_990 : vector<16xf32>
      %add3A_992 = arith.addf %add3A_982, %mul3A_991 : vector<16xf32>
      %eq3A_993 = arith.constant 1 : i32
      %eq3A_994 = vector.broadcast %eq3A_993 : i32 to vector<16xi32>
      %eq3A_995 = arith.cmpi eq, %iota3A, %eq3A_994 : vector<16xi32>
      %reduce_sum3A_996 = arith.constant true
      %reduce_sum3A_997 = vector.broadcast %reduce_sum3A_996 : i1 to vector<16xi1>
      %reduce_sum3A_998 = tpu.scan <sum>, %add3A_992 masked %reduce_sum3A_997 : vector<16xf32>, vector<16xi1> -> vector<16xf32>
      %reduce_sum3A_999 = vector.extract %reduce_sum3A_998[15] : f32 from vector<16xf32>
      %broadcast_in_dim3A_1000 = vector.broadcast %reduce_sum3A_999 : f32 to vector<16xf32>
      %select_n3A_1001 = arith.select %eq3A_995, %broadcast_in_dim3A_1000, %select_n3A : vector<16xi1>, vector<16xf32>
      %get3A_1002 = arith.constant 2 : i32
      %get3A_1003 = arith.index_cast %get3A_1002 : i32 to index
      %get3A_1004 = arith.constant 0 : index
      %get3A_1005 = tpu.vector_load %arg10[%get3A_1003, %get3A_1004] {strides = array<i32>} : memref<16x64xf32, #tpu.memory_space<vmem>>, vector<16xf32>,
      %get3A_1006 = arith.constant 2 : i32
      %get3A_1007 = arith.index_cast %get3A_1006 : i32 to index
      %get3A_1008 = arith.constant 0 : index
      %get3A_1009 = tpu.vector_load %arg11[%get3A_1007, %get3A_1008] {strides = array<i32>} : memref<16x64xf32, #tpu.memory_space<vmem>>, vector<16xf32>,
      %mul3A_1010 = arith.mulf %get3A_1005, %get3A_1009 : vector<16xf32>
      %get3A_1011 = arith.constant 2 : i32
      %get3A_1012 = arith.index_cast %get3A_1011 : i32 to index
      %get3A_1013 = arith.constant 16 : index
      %get3A_1014 = tpu.vector_load %arg10[%get3A_1012, %get3A_1013] {strides = array<i32>} : memref<16x64xf32, #tpu.memory_space<vmem>>, vector<16xf32>,
      %get3A_1015 = arith.constant 2 : i32
      %get3A_1016 = arith.index_cast %get3A_1015 : i32 to index
      %get3A_1017 = arith.constant 16 : index
      %get3A_1018 = tpu.vector_load %arg11[%get3A_1016, %get3A_1017] {strides = array<i32>} : memref<16x64xf32, #tpu.memory_space<vmem>>, vector<16xf32>,
      %mul3A_1019 = arith.mulf %get3A_1014, %get3A_1018 : vector<16xf32>
      %add3A_1020 = arith.addf %mul3A_1010, %mul3A_1019 : vector<16xf32>
      %get3A_1021 = arith.constant 2 : i32
      %get3A_1022 = arith.index_cast %get3A_1021 : i32 to index
      %get3A_1023 = arith.constant 32 : index
      %get3A_1024 = tpu.vector_load %arg10[%get3A_1022, %get3A_1023] {strides = array<i32>} : memref<16x64xf32, #tpu.memory_space<vmem>>, vector<16xf32>,
      %get3A_1025 = arith.constant 2 : i32
      %get3A_1026 = arith.index_cast %get3A_1025 : i32 to index
      %get3A_1027 = arith.constant 32 : index
      %get3A_1028 = tpu.vector_load %arg11[%get3A_1026, %get3A_1027] {strides = array<i32>} : memref<16x64xf32, #tpu.memory_space<vmem>>, vector<16xf32>,
      %mul3A_1029 = arith.mulf %get3A_1024, %get3A_1028 : vector<16xf32>
      %add3A_1030 = arith.addf %add3A_1020, %mul3A_1029 : vector<16xf32>
      %get3A_1031 = arith.constant 2 : i32
      %get3A_1032 = arith.index_cast %get3A_1031 : i32 to index
      %get3A_1033 = arith.constant 48 : index
      %get3A_1034 = tpu.vector_load %arg10[%get3A_1032, %get3A_1033] {strides = array<i32>} : memref<16x64xf32, #tpu.memory_space<vmem>>, vector<16xf32>,
      %get3A_1035 = arith.constant 2 : i32
      %get3A_1036 = arith.index_cast %get3A_1035 : i32 to index
      %get3A_1037 = arith.constant 48 : index
      %get3A_1038 = tpu.vector_load %arg11[%get3A_1036, %get3A_1037] {strides = array<i32>} : memref<16x64xf32, #tpu.memory_space<vmem>>, vector<16xf32>,
      %mul3A_1039 = arith.mulf %get3A_1034, %get3A_1038 : vector<16xf32>
      %add3A_1040 = arith.addf %add3A_1030, %mul3A_1039 : vector<16xf32>
      %eq3A_1041 = arith.constant 2 : i32
      %eq3A_1042 = vector.broadcast %eq3A_1041 : i32 to vector<16xi32>
      %eq3A_1043 = arith.cmpi eq, %iota3A, %eq3A_1042 : vector<16xi32>
      %reduce_sum3A_1044 = arith.constant true
      %reduce_sum3A_1045 = vector.broadcast %reduce_sum3A_1044 : i1 to vector<16xi1>
      %reduce_sum3A_1046 = tpu.scan <sum>, %add3A_1040 masked %reduce_sum3A_1045 : vector<16xf32>, vector<16xi1> -> vector<16xf32>
      %reduce_sum3A_1047 = vector.extract %reduce_sum3A_1046[15] : f32 from vector<16xf32>
      %broadcast_in_dim3A_1048 = vector.broadcast %reduce_sum3A_1047 : f32 to vector<16xf32>
      %select_n3A_1049 = arith.select %eq3A_1043, %broadcast_in_dim3A_1048, %select_n3A_1001 : vector<16xi1>, vector<16xf32>
      %get3A_1050 = arith.constant 3 : i32
      %get3A_1051 = arith.index_cast %get3A_1050 : i32 to index
      %get3A_1052 = arith.constant 0 : index
      %get3A_1053 = tpu.vector_load %arg10[%get3A_1051, %get3A_1052] {strides = array<i32>} : memref<16x64xf32, #tpu.memory_space<vmem>>, vector<16xf32>,
      %get3A_1054 = arith.constant 3 : i32
      %get3A_1055 = arith.index_cast %get3A_1054 : i32 to index
      %get3A_1056 = arith.constant 0 : index
      %get3A_1057 = tpu.vector_load %arg11[%get3A_1055, %get3A_1056] {strides = array<i32>} : memref<16x64xf32, #tpu.memory_space<vmem>>, vector<16xf32>,
      %mul3A_1058 = arith.mulf %get3A_1053, %get3A_1057 : vector<16xf32>
      %get3A_1059 = arith.constant 3 : i32
      %get3A_1060 = arith.index_cast %get3A_1059 : i32 to index
      %get3A_1061 = arith.constant 16 : index
      %get3A_1062 = tpu.vector_load %arg10[%get3A_1060, %get3A_1061] {strides = array<i32>} : memref<16x64xf32, #tpu.memory_space<vmem>>, vector<16xf32>,
      %get3A_1063 = arith.constant 3 : i32
      %get3A_1064 = arith.index_cast %get3A_1063 : i32 to index
      %get3A_1065 = arith.constant 16 : index
      %get3A_1066 = tpu.vector_load %arg11[%get3A_1064, %get3A_1065] {strides = array<i32>} : memref<16x64xf32, #tpu.memory_space<vmem>>, vector<16xf32>,
      %mul3A_1067 = arith.mulf %get3A_1062, %get3A_1066 : vector<16xf32>
      %add3A_1068 = arith.addf %mul3A_1058, %mul3A_1067 : vector<16xf32>
      %get3A_1069 = arith.constant 3 : i32
      %get3A_1070 = arith.index_cast %get3A_1069 : i32 to index
      %get3A_1071 = arith.constant 32 : index
      %get3A_1072 = tpu.vector_load %arg10[%get3A_1070, %get3A_1071] {strides = array<i32>} : memref<16x64xf32, #tpu.memory_space<vmem>>, vector<16xf32>,
      %get3A_1073 = arith.constant 3 : i32
      %get3A_1074 = arith.index_cast %get3A_1073 : i32 to index
      %get3A_1075 = arith.constant 32 : index
      %get3A_1076 = tpu.vector_load %arg11[%get3A_1074, %get3A_1075] {strides = array<i32>} : memref<16x64xf32, #tpu.memory_space<vmem>>, vector<16xf32>,
      %mul3A_1077 = arith.mulf %get3A_1072, %get3A_1076 : vector<16xf32>
      %add3A_1078 = arith.addf %add3A_1068, %mul3A_1077 : vector<16xf32>
      %get3A_1079 = arith.constant 3 : i32
      %get3A_1080 = arith.index_cast %get3A_1079 : i32 to index
      %get3A_1081 = arith.constant 48 : index
      %get3A_1082 = tpu.vector_load %arg10[%get3A_1080, %get3A_1081] {strides = array<i32>} : memref<16x64xf32, #tpu.memory_space<vmem>>, vector<16xf32>,
      %get3A_1083 = arith.constant 3 : i32
      %get3A_1084 = arith.index_cast %get3A_1083 : i32 to index
      %get3A_1085 = arith.constant 48 : index
      %get3A_1086 = tpu.vector_load %arg11[%get3A_1084, %get3A_1085] {strides = array<i32>} : memref<16x64xf32, #tpu.memory_space<vmem>>, vector<16xf32>,
      %mul3A_1087 = arith.mulf %get3A_1082, %get3A_1086 : vector<16xf32>
      %add3A_1088 = arith.addf %add3A_1078, %mul3A_1087 : vector<16xf32>
      %eq3A_1089 = arith.constant 3 : i32
      %eq3A_1090 = vector.broadcast %eq3A_1089 : i32 to vector<16xi32>
      %eq3A_1091 = arith.cmpi eq, %iota3A, %eq3A_1090 : vector<16xi32>
      %reduce_sum3A_1092 = arith.constant true
      %reduce_sum3A_1093 = vector.broadcast %reduce_sum3A_1092 : i1 to vector<16xi1>
      %reduce_sum3A_1094 = tpu.scan <sum>, %add3A_1088 masked %reduce_sum3A_1093 : vector<16xf32>, vector<16xi1> -> vector<16xf32>
      %reduce_sum3A_1095 = vector.extract %reduce_sum3A_1094[15] : f32 from vector<16xf32>
      %broadcast_in_dim3A_1096 = vector.broadcast %reduce_sum3A_1095 : f32 to vector<16xf32>
      %select_n3A_1097 = arith.select %eq3A_1091, %broadcast_in_dim3A_1096, %select_n3A_1049 : vector<16xi1>, vector<16xf32>
      %get3A_1098 = arith.constant 4 : i32
      %get3A_1099 = arith.index_cast %get3A_1098 : i32 to index
      %get3A_1100 = arith.constant 0 : index
      %get3A_1101 = tpu.vector_load %arg10[%get3A_1099, %get3A_1100] {strides = array<i32>} : memref<16x64xf32, #tpu.memory_space<vmem>>, vector<16xf32>,
      %get3A_1102 = arith.constant 4 : i32
      %get3A_1103 = arith.index_cast %get3A_1102 : i32 to index
      %get3A_1104 = arith.constant 0 : index
      %get3A_1105 = tpu.vector_load %arg11[%get3A_1103, %get3A_1104] {strides = array<i32>} : memref<16x64xf32, #tpu.memory_space<vmem>>, vector<16xf32>,
      %mul3A_1106 = arith.mulf %get3A_1101, %get3A_1105 : vector<16xf32>
      %get3A_1107 = arith.constant 4 : i32
      %get3A_1108 = arith.index_cast %get3A_1107 : i32 to index
      %get3A_1109 = arith.constant 16 : index
      %get3A_1110 = tpu.vector_load %arg10[%get3A_1108, %get3A_1109] {strides = array<i32>} : memref<16x64xf32, #tpu.memory_space<vmem>>, vector<16xf32>,
      %get3A_1111 = arith.constant 4 : i32
      %get3A_1112 = arith.index_cast %get3A_1111 : i32 to index
      %get3A_1113 = arith.constant 16 : index
      %get3A_1114 = tpu.vector_load %arg11[%get3A_1112, %get3A_1113] {strides = array<i32>} : memref<16x64xf32, #tpu.memory_space<vmem>>, vector<16xf32>,
      %mul3A_1115 = arith.mulf %get3A_1110, %get3A_1114 : vector<16xf32>
      %add3A_1116 = arith.addf %mul3A_1106, %mul3A_1115 : vector<16xf32>
      %get3A_1117 = arith.constant 4 : i32
      %get3A_1118 = arith.index_cast %get3A_1117 : i32 to index
      %get3A_1119 = arith.constant 32 : index
      %get3A_1120 = tpu.vector_load %arg10[%get3A_1118, %get3A_1119] {strides = array<i32>} : memref<16x64xf32, #tpu.memory_space<vmem>>, vector<16xf32>,
      %get3A_1121 = arith.constant 4 : i32
      %get3A_1122 = arith.index_cast %get3A_1121 : i32 to index
      %get3A_1123 = arith.constant 32 : index
      %get3A_1124 = tpu.vector_load %arg11[%get3A_1122, %get3A_1123] {strides = array<i32>} : memref<16x64xf32, #tpu.memory_space<vmem>>, vector<16xf32>,
      %mul3A_1125 = arith.mulf %get3A_1120, %get3A_1124 : vector<16xf32>
      %add3A_1126 = arith.addf %add3A_1116, %mul3A_1125 : vector<16xf32>
      %get3A_1127 = arith.constant 4 : i32
      %get3A_1128 = arith.index_cast %get3A_1127 : i32 to index
      %get3A_1129 = arith.constant 48 : index
      %get3A_1130 = tpu.vector_load %arg10[%get3A_1128, %get3A_1129] {strides = array<i32>} : memref<16x64xf32, #tpu.memory_space<vmem>>, vector<16xf32>,
      %get3A_1131 = arith.constant 4 : i32
      %get3A_1132 = arith.index_cast %get3A_1131 : i32 to index
      %get3A_1133 = arith.constant 48 : index
      %get3A_1134 = tpu.vector_load %arg11[%get3A_1132, %get3A_1133] {strides = array<i32>} : memref<16x64xf32, #tpu.memory_space<vmem>>, vector<16xf32>,
      %mul3A_1135 = arith.mulf %get3A_1130, %get3A_1134 : vector<16xf32>
      %add3A_1136 = arith.addf %add3A_1126, %mul3A_1135 : vector<16xf32>
      %eq3A_1137 = arith.constant 4 : i32
      %eq3A_1138 = vector.broadcast %eq3A_1137 : i32 to vector<16xi32>
      %eq3A_1139 = arith.cmpi eq, %iota3A, %eq3A_1138 : vector<16xi32>
      %reduce_sum3A_1140 = arith.constant true
      %reduce_sum3A_1141 = vector.broadcast %reduce_sum3A_1140 : i1 to vector<16xi1>
      %reduce_sum3A_1142 = tpu.scan <sum>, %add3A_1136 masked %reduce_sum3A_1141 : vector<16xf32>, vector<16xi1> -> vector<16xf32>
      %reduce_sum3A_1143 = vector.extract %reduce_sum3A_1142[15] : f32 from vector<16xf32>
      %broadcast_in_dim3A_1144 = vector.broadcast %reduce_sum3A_1143 : f32 to vector<16xf32>
      %select_n3A_1145 = arith.select %eq3A_1139, %broadcast_in_dim3A_1144, %select_n3A_1097 : vector<16xi1>, vector<16xf32>
      %get3A_1146 = arith.constant 5 : i32
      %get3A_1147 = arith.index_cast %get3A_1146 : i32 to index
      %get3A_1148 = arith.constant 0 : index
      %get3A_1149 = tpu.vector_load %arg10[%get3A_1147, %get3A_1148] {strides = array<i32>} : memref<16x64xf32, #tpu.memory_space<vmem>>, vector<16xf32>,
      %get3A_1150 = arith.constant 5 : i32
      %get3A_1151 = arith.index_cast %get3A_1150 : i32 to index
      %get3A_1152 = arith.constant 0 : index
      %get3A_1153 = tpu.vector_load %arg11[%get3A_1151, %get3A_1152] {strides = array<i32>} : memref<16x64xf32, #tpu.memory_space<vmem>>, vector<16xf32>,
      %mul3A_1154 = arith.mulf %get3A_1149, %get3A_1153 : vector<16xf32>
      %get3A_1155 = arith.constant 5 : i32
      %get3A_1156 = arith.index_cast %get3A_1155 : i32 to index
      %get3A_1157 = arith.constant 16 : index
      %get3A_1158 = tpu.vector_load %arg10[%get3A_1156, %get3A_1157] {strides = array<i32>} : memref<16x64xf32, #tpu.memory_space<vmem>>, vector<16xf32>,
      %get3A_1159 = arith.constant 5 : i32
      %get3A_1160 = arith.index_cast %get3A_1159 : i32 to index
      %get3A_1161 = arith.constant 16 : index
      %get3A_1162 = tpu.vector_load %arg11[%get3A_1160, %get3A_1161] {strides = array<i32>} : memref<16x64xf32, #tpu.memory_space<vmem>>, vector<16xf32>,
      %mul3A_1163 = arith.mulf %get3A_1158, %get3A_1162 : vector<16xf32>
      %add3A_1164 = arith.addf %mul3A_1154, %mul3A_1163 : vector<16xf32>
      %get3A_1165 = arith.constant 5 : i32
      %get3A_1166 = arith.index_cast %get3A_1165 : i32 to index
      %get3A_1167 = arith.constant 32 : index
      %get3A_1168 = tpu.vector_load %arg10[%get3A_1166, %get3A_1167] {strides = array<i32>} : memref<16x64xf32, #tpu.memory_space<vmem>>, vector<16xf32>,
      %get3A_1169 = arith.constant 5 : i32
      %get3A_1170 = arith.index_cast %get3A_1169 : i32 to index
      %get3A_1171 = arith.constant 32 : index
      %get3A_1172 = tpu.vector_load %arg11[%get3A_1170, %get3A_1171] {strides = array<i32>} : memref<16x64xf32, #tpu.memory_space<vmem>>, vector<16xf32>,
      %mul3A_1173 = arith.mulf %get3A_1168, %get3A_1172 : vector<16xf32>
      %add3A_1174 = arith.addf %add3A_1164, %mul3A_1173 : vector<16xf32>
      %get3A_1175 = arith.constant 5 : i32
      %get3A_1176 = arith.index_cast %get3A_1175 : i32 to index
      %get3A_1177 = arith.constant 48 : index
      %get3A_1178 = tpu.vector_load %arg10[%get3A_1176, %get3A_1177] {strides = array<i32>} : memref<16x64xf32, #tpu.memory_space<vmem>>, vector<16xf32>,
      %get3A_1179 = arith.constant 5 : i32
      %get3A_1180 = arith.index_cast %get3A_1179 : i32 to index
      %get3A_1181 = arith.constant 48 : index
      %get3A_1182 = tpu.vector_load %arg11[%get3A_1180, %get3A_1181] {strides = array<i32>} : memref<16x64xf32, #tpu.memory_space<vmem>>, vector<16xf32>,
      %mul3A_1183 = arith.mulf %get3A_1178, %get3A_1182 : vector<16xf32>
      %add3A_1184 = arith.addf %add3A_1174, %mul3A_1183 : vector<16xf32>
      %eq3A_1185 = arith.constant 5 : i32
      %eq3A_1186 = vector.broadcast %eq3A_1185 : i32 to vector<16xi32>
      %eq3A_1187 = arith.cmpi eq, %iota3A, %eq3A_1186 : vector<16xi32>
      %reduce_sum3A_1188 = arith.constant true
      %reduce_sum3A_1189 = vector.broadcast %reduce_sum3A_1188 : i1 to vector<16xi1>
      %reduce_sum3A_1190 = tpu.scan <sum>, %add3A_1184 masked %reduce_sum3A_1189 : vector<16xf32>, vector<16xi1> -> vector<16xf32>
      %reduce_sum3A_1191 = vector.extract %reduce_sum3A_1190[15] : f32 from vector<16xf32>
      %broadcast_in_dim3A_1192 = vector.broadcast %reduce_sum3A_1191 : f32 to vector<16xf32>
      %select_n3A_1193 = arith.select %eq3A_1187, %broadcast_in_dim3A_1192, %select_n3A_1145 : vector<16xi1>, vector<16xf32>
      %get3A_1194 = arith.constant 6 : i32
      %get3A_1195 = arith.index_cast %get3A_1194 : i32 to index
      %get3A_1196 = arith.constant 0 : index
      %get3A_1197 = tpu.vector_load %arg10[%get3A_1195, %get3A_1196] {strides = array<i32>} : memref<16x64xf32, #tpu.memory_space<vmem>>, vector<16xf32>,
      %get3A_1198 = arith.constant 6 : i32
      %get3A_1199 = arith.index_cast %get3A_1198 : i32 to index
      %get3A_1200 = arith.constant 0 : index
      %get3A_1201 = tpu.vector_load %arg11[%get3A_1199, %get3A_1200] {strides = array<i32>} : memref<16x64xf32, #tpu.memory_space<vmem>>, vector<16xf32>,
      %mul3A_1202 = arith.mulf %get3A_1197, %get3A_1201 : vector<16xf32>
      %get3A_1203 = arith.constant 6 : i32
      %get3A_1204 = arith.index_cast %get3A_1203 : i32 to index
      %get3A_1205 = arith.constant 16 : index
      %get3A_1206 = tpu.vector_load %arg10[%get3A_1204, %get3A_1205] {strides = array<i32>} : memref<16x64xf32, #tpu.memory_space<vmem>>, vector<16xf32>,
      %get3A_1207 = arith.constant 6 : i32
      %get3A_1208 = arith.index_cast %get3A_1207 : i32 to index
      %get3A_1209 = arith.constant 16 : index
      %get3A_1210 = tpu.vector_load %arg11[%get3A_1208, %get3A_1209] {strides = array<i32>} : memref<16x64xf32, #tpu.memory_space<vmem>>, vector<16xf32>,
      %mul3A_1211 = arith.mulf %get3A_1206, %get3A_1210 : vector<16xf32>
      %add3A_1212 = arith.addf %mul3A_1202, %mul3A_1211 : vector<16xf32>
      %get3A_1213 = arith.constant 6 : i32
      %get3A_1214 = arith.index_cast %get3A_1213 : i32 to index
      %get3A_1215 = arith.constant 32 : index
      %get3A_1216 = tpu.vector_load %arg10[%get3A_1214, %get3A_1215] {strides = array<i32>} : memref<16x64xf32, #tpu.memory_space<vmem>>, vector<16xf32>,
      %get3A_1217 = arith.constant 6 : i32
      %get3A_1218 = arith.index_cast %get3A_1217 : i32 to index
      %get3A_1219 = arith.constant 32 : index
      %get3A_1220 = tpu.vector_load %arg11[%get3A_1218, %get3A_1219] {strides = array<i32>} : memref<16x64xf32, #tpu.memory_space<vmem>>, vector<16xf32>,
      %mul3A_1221 = arith.mulf %get3A_1216, %get3A_1220 : vector<16xf32>
      %add3A_1222 = arith.addf %add3A_1212, %mul3A_1221 : vector<16xf32>
      %get3A_1223 = arith.constant 6 : i32
      %get3A_1224 = arith.index_cast %get3A_1223 : i32 to index
      %get3A_1225 = arith.constant 48 : index
      %get3A_1226 = tpu.vector_load %arg10[%get3A_1224, %get3A_1225] {strides = array<i32>} : memref<16x64xf32, #tpu.memory_space<vmem>>, vector<16xf32>,
      %get3A_1227 = arith.constant 6 : i32
      %get3A_1228 = arith.index_cast %get3A_1227 : i32 to index
      %get3A_1229 = arith.constant 48 : index
      %get3A_1230 = tpu.vector_load %arg11[%get3A_1228, %get3A_1229] {strides = array<i32>} : memref<16x64xf32, #tpu.memory_space<vmem>>, vector<16xf32>,
      %mul3A_1231 = arith.mulf %get3A_1226, %get3A_1230 : vector<16xf32>
      %add3A_1232 = arith.addf %add3A_1222, %mul3A_1231 : vector<16xf32>
      %eq3A_1233 = arith.constant 6 : i32
      %eq3A_1234 = vector.broadcast %eq3A_1233 : i32 to vector<16xi32>
      %eq3A_1235 = arith.cmpi eq, %iota3A, %eq3A_1234 : vector<16xi32>
      %reduce_sum3A_1236 = arith.constant true
      %reduce_sum3A_1237 = vector.broadcast %reduce_sum3A_1236 : i1 to vector<16xi1>
      %reduce_sum3A_1238 = tpu.scan <sum>, %add3A_1232 masked %reduce_sum3A_1237 : vector<16xf32>, vector<16xi1> -> vector<16xf32>
      %reduce_sum3A_1239 = vector.extract %reduce_sum3A_1238[15] : f32 from vector<16xf32>
      %broadcast_in_dim3A_1240 = vector.broadcast %reduce_sum3A_1239 : f32 to vector<16xf32>
      %select_n3A_1241 = arith.select %eq3A_1235, %broadcast_in_dim3A_1240, %select_n3A_1193 : vector<16xi1>, vector<16xf32>
      %get3A_1242 = arith.constant 7 : i32
      %get3A_1243 = arith.index_cast %get3A_1242 : i32 to index
      %get3A_1244 = arith.constant 0 : index
      %get3A_1245 = tpu.vector_load %arg10[%get3A_1243, %get3A_1244] {strides = array<i32>} : memref<16x64xf32, #tpu.memory_space<vmem>>, vector<16xf32>,
      %get3A_1246 = arith.constant 7 : i32
      %get3A_1247 = arith.index_cast %get3A_1246 : i32 to index
      %get3A_1248 = arith.constant 0 : index
      %get3A_1249 = tpu.vector_load %arg11[%get3A_1247, %get3A_1248] {strides = array<i32>} : memref<16x64xf32, #tpu.memory_space<vmem>>, vector<16xf32>,
      %mul3A_1250 = arith.mulf %get3A_1245, %get3A_1249 : vector<16xf32>
      %get3A_1251 = arith.constant 7 : i32
      %get3A_1252 = arith.index_cast %get3A_1251 : i32 to index
      %get3A_1253 = arith.constant 16 : index
      %get3A_1254 = tpu.vector_load %arg10[%get3A_1252, %get3A_1253] {strides = array<i32>} : memref<16x64xf32, #tpu.memory_space<vmem>>, vector<16xf32>,
      %get3A_1255 = arith.constant 7 : i32
      %get3A_1256 = arith.index_cast %get3A_1255 : i32 to index
      %get3A_1257 = arith.constant 16 : index
      %get3A_1258 = tpu.vector_load %arg11[%get3A_1256, %get3A_1257] {strides = array<i32>} : memref<16x64xf32, #tpu.memory_space<vmem>>, vector<16xf32>,
      %mul3A_1259 = arith.mulf %get3A_1254, %get3A_1258 : vector<16xf32>
      %add3A_1260 = arith.addf %mul3A_1250, %mul3A_1259 : vector<16xf32>
      %get3A_1261 = arith.constant 7 : i32
      %get3A_1262 = arith.index_cast %get3A_1261 : i32 to index
      %get3A_1263 = arith.constant 32 : index
      %get3A_1264 = tpu.vector_load %arg10[%get3A_1262, %get3A_1263] {strides = array<i32>} : memref<16x64xf32, #tpu.memory_space<vmem>>, vector<16xf32>,
      %get3A_1265 = arith.constant 7 : i32
      %get3A_1266 = arith.index_cast %get3A_1265 : i32 to index
      %get3A_1267 = arith.constant 32 : index
      %get3A_1268 = tpu.vector_load %arg11[%get3A_1266, %get3A_1267] {strides = array<i32>} : memref<16x64xf32, #tpu.memory_space<vmem>>, vector<16xf32>,
      %mul3A_1269 = arith.mulf %get3A_1264, %get3A_1268 : vector<16xf32>
      %add3A_1270 = arith.addf %add3A_1260, %mul3A_1269 : vector<16xf32>
      %get3A_1271 = arith.constant 7 : i32
      %get3A_1272 = arith.index_cast %get3A_1271 : i32 to index
      %get3A_1273 = arith.constant 48 : index
      %get3A_1274 = tpu.vector_load %arg10[%get3A_1272, %get3A_1273] {strides = array<i32>} : memref<16x64xf32, #tpu.memory_space<vmem>>, vector<16xf32>,
      %get3A_1275 = arith.constant 7 : i32
      %get3A_1276 = arith.index_cast %get3A_1275 : i32 to index
      %get3A_1277 = arith.constant 48 : index
      %get3A_1278 = tpu.vector_load %arg11[%get3A_1276, %get3A_1277] {strides = array<i32>} : memref<16x64xf32, #tpu.memory_space<vmem>>, vector<16xf32>,
      %mul3A_1279 = arith.mulf %get3A_1274, %get3A_1278 : vector<16xf32>
      %add3A_1280 = arith.addf %add3A_1270, %mul3A_1279 : vector<16xf32>
      %eq3A_1281 = arith.constant 7 : i32
      %eq3A_1282 = vector.broadcast %eq3A_1281 : i32 to vector<16xi32>
      %eq3A_1283 = arith.cmpi eq, %iota3A, %eq3A_1282 : vector<16xi32>
      %reduce_sum3A_1284 = arith.constant true
      %reduce_sum3A_1285 = vector.broadcast %reduce_sum3A_1284 : i1 to vector<16xi1>
      %reduce_sum3A_1286 = tpu.scan <sum>, %add3A_1280 masked %reduce_sum3A_1285 : vector<16xf32>, vector<16xi1> -> vector<16xf32>
      %reduce_sum3A_1287 = vector.extract %reduce_sum3A_1286[15] : f32 from vector<16xf32>
      %broadcast_in_dim3A_1288 = vector.broadcast %reduce_sum3A_1287 : f32 to vector<16xf32>
      %select_n3A_1289 = arith.select %eq3A_1283, %broadcast_in_dim3A_1288, %select_n3A_1241 : vector<16xi1>, vector<16xf32>
      %get3A_1290 = arith.constant 8 : i32
      %get3A_1291 = arith.index_cast %get3A_1290 : i32 to index
      %get3A_1292 = arith.constant 0 : index
      %get3A_1293 = tpu.vector_load %arg10[%get3A_1291, %get3A_1292] {strides = array<i32>} : memref<16x64xf32, #tpu.memory_space<vmem>>, vector<16xf32>,
      %get3A_1294 = arith.constant 8 : i32
      %get3A_1295 = arith.index_cast %get3A_1294 : i32 to index
      %get3A_1296 = arith.constant 0 : index
      %get3A_1297 = tpu.vector_load %arg11[%get3A_1295, %get3A_1296] {strides = array<i32>} : memref<16x64xf32, #tpu.memory_space<vmem>>, vector<16xf32>,
      %mul3A_1298 = arith.mulf %get3A_1293, %get3A_1297 : vector<16xf32>
      %get3A_1299 = arith.constant 8 : i32
      %get3A_1300 = arith.index_cast %get3A_1299 : i32 to index
      %get3A_1301 = arith.constant 16 : index
      %get3A_1302 = tpu.vector_load %arg10[%get3A_1300, %get3A_1301] {strides = array<i32>} : memref<16x64xf32, #tpu.memory_space<vmem>>, vector<16xf32>,
      %get3A_1303 = arith.constant 8 : i32
      %get3A_1304 = arith.index_cast %get3A_1303 : i32 to index
      %get3A_1305 = arith.constant 16 : index
      %get3A_1306 = tpu.vector_load %arg11[%get3A_1304, %get3A_1305] {strides = array<i32>} : memref<16x64xf32, #tpu.memory_space<vmem>>, vector<16xf32>,
      %mul3A_1307 = arith.mulf %get3A_1302, %get3A_1306 : vector<16xf32>
      %add3A_1308 = arith.addf %mul3A_1298, %mul3A_1307 : vector<16xf32>
      %get3A_1309 = arith.constant 8 : i32
      %get3A_1310 = arith.index_cast %get3A_1309 : i32 to index
      %get3A_1311 = arith.constant 32 : index
      %get3A_1312 = tpu.vector_load %arg10[%get3A_1310, %get3A_1311] {strides = array<i32>} : memref<16x64xf32, #tpu.memory_space<vmem>>, vector<16xf32>,
      %get3A_1313 = arith.constant 8 : i32
      %get3A_1314 = arith.index_cast %get3A_1313 : i32 to index
      %get3A_1315 = arith.constant 32 : index
      %get3A_1316 = tpu.vector_load %arg11[%get3A_1314, %get3A_1315] {strides = array<i32>} : memref<16x64xf32, #tpu.memory_space<vmem>>, vector<16xf32>,
      %mul3A_1317 = arith.mulf %get3A_1312, %get3A_1316 : vector<16xf32>
      %add3A_1318 = arith.addf %add3A_1308, %mul3A_1317 : vector<16xf32>
      %get3A_1319 = arith.constant 8 : i32
      %get3A_1320 = arith.index_cast %get3A_1319 : i32 to index
      %get3A_1321 = arith.constant 48 : index
      %get3A_1322 = tpu.vector_load %arg10[%get3A_1320, %get3A_1321] {strides = array<i32>} : memref<16x64xf32, #tpu.memory_space<vmem>>, vector<16xf32>,
      %get3A_1323 = arith.constant 8 : i32
      %get3A_1324 = arith.index_cast %get3A_1323 : i32 to index
      %get3A_1325 = arith.constant 48 : index
      %get3A_1326 = tpu.vector_load %arg11[%get3A_1324, %get3A_1325] {strides = array<i32>} : memref<16x64xf32, #tpu.memory_space<vmem>>, vector<16xf32>,
      %mul3A_1327 = arith.mulf %get3A_1322, %get3A_1326 : vector<16xf32>
      %add3A_1328 = arith.addf %add3A_1318, %mul3A_1327 : vector<16xf32>
      %eq3A_1329 = arith.constant 8 : i32
      %eq3A_1330 = vector.broadcast %eq3A_1329 : i32 to vector<16xi32>
      %eq3A_1331 = arith.cmpi eq, %iota3A, %eq3A_1330 : vector<16xi32>
      %reduce_sum3A_1332 = arith.constant true
      %reduce_sum3A_1333 = vector.broadcast %reduce_sum3A_1332 : i1 to vector<16xi1>
      %reduce_sum3A_1334 = tpu.scan <sum>, %add3A_1328 masked %reduce_sum3A_1333 : vector<16xf32>, vector<16xi1> -> vector<16xf32>
      %reduce_sum3A_1335 = vector.extract %reduce_sum3A_1334[15] : f32 from vector<16xf32>
      %broadcast_in_dim3A_1336 = vector.broadcast %reduce_sum3A_1335 : f32 to vector<16xf32>
      %select_n3A_1337 = arith.select %eq3A_1331, %broadcast_in_dim3A_1336, %select_n3A_1289 : vector<16xi1>, vector<16xf32>
      %get3A_1338 = arith.constant 9 : i32
      %get3A_1339 = arith.index_cast %get3A_1338 : i32 to index
      %get3A_1340 = arith.constant 0 : index
      %get3A_1341 = tpu.vector_load %arg10[%get3A_1339, %get3A_1340] {strides = array<i32>} : memref<16x64xf32, #tpu.memory_space<vmem>>, vector<16xf32>,
      %get3A_1342 = arith.constant 9 : i32
      %get3A_1343 = arith.index_cast %get3A_1342 : i32 to index
      %get3A_1344 = arith.constant 0 : index
      %get3A_1345 = tpu.vector_load %arg11[%get3A_1343, %get3A_1344] {strides = array<i32>} : memref<16x64xf32, #tpu.memory_space<vmem>>, vector<16xf32>,
      %mul3A_1346 = arith.mulf %get3A_1341, %get3A_1345 : vector<16xf32>
      %get3A_1347 = arith.constant 9 : i32
      %get3A_1348 = arith.index_cast %get3A_1347 : i32 to index
      %get3A_1349 = arith.constant 16 : index
      %get3A_1350 = tpu.vector_load %arg10[%get3A_1348, %get3A_1349] {strides = array<i32>} : memref<16x64xf32, #tpu.memory_space<vmem>>, vector<16xf32>,
      %get3A_1351 = arith.constant 9 : i32
      %get3A_1352 = arith.index_cast %get3A_1351 : i32 to index
      %get3A_1353 = arith.constant 16 : index
      %get3A_1354 = tpu.vector_load %arg11[%get3A_1352, %get3A_1353] {strides = array<i32>} : memref<16x64xf32, #tpu.memory_space<vmem>>, vector<16xf32>,
      %mul3A_1355 = arith.mulf %get3A_1350, %get3A_1354 : vector<16xf32>
      %add3A_1356 = arith.addf %mul3A_1346, %mul3A_1355 : vector<16xf32>
      %get3A_1357 = arith.constant 9 : i32
      %get3A_1358 = arith.index_cast %get3A_1357 : i32 to index
      %get3A_1359 = arith.constant 32 : index
      %get3A_1360 = tpu.vector_load %arg10[%get3A_1358, %get3A_1359] {strides = array<i32>} : memref<16x64xf32, #tpu.memory_space<vmem>>, vector<16xf32>,
      %get3A_1361 = arith.constant 9 : i32
      %get3A_1362 = arith.index_cast %get3A_1361 : i32 to index
      %get3A_1363 = arith.constant 32 : index
      %get3A_1364 = tpu.vector_load %arg11[%get3A_1362, %get3A_1363] {strides = array<i32>} : memref<16x64xf32, #tpu.memory_space<vmem>>, vector<16xf32>,
      %mul3A_1365 = arith.mulf %get3A_1360, %get3A_1364 : vector<16xf32>
      %add3A_1366 = arith.addf %add3A_1356, %mul3A_1365 : vector<16xf32>
      %get3A_1367 = arith.constant 9 : i32
      %get3A_1368 = arith.index_cast %get3A_1367 : i32 to index
      %get3A_1369 = arith.constant 48 : index
      %get3A_1370 = tpu.vector_load %arg10[%get3A_1368, %get3A_1369] {strides = array<i32>} : memref<16x64xf32, #tpu.memory_space<vmem>>, vector<16xf32>,
      %get3A_1371 = arith.constant 9 : i32
      %get3A_1372 = arith.index_cast %get3A_1371 : i32 to index
      %get3A_1373 = arith.constant 48 : index
      %get3A_1374 = tpu.vector_load %arg11[%get3A_1372, %get3A_1373] {strides = array<i32>} : memref<16x64xf32, #tpu.memory_space<vmem>>, vector<16xf32>,
      %mul3A_1375 = arith.mulf %get3A_1370, %get3A_1374 : vector<16xf32>
      %add3A_1376 = arith.addf %add3A_1366, %mul3A_1375 : vector<16xf32>
      %eq3A_1377 = arith.constant 9 : i32
      %eq3A_1378 = vector.broadcast %eq3A_1377 : i32 to vector<16xi32>
      %eq3A_1379 = arith.cmpi eq, %iota3A, %eq3A_1378 : vector<16xi32>
      %reduce_sum3A_1380 = arith.constant true
      %reduce_sum3A_1381 = vector.broadcast %reduce_sum3A_1380 : i1 to vector<16xi1>
      %reduce_sum3A_1382 = tpu.scan <sum>, %add3A_1376 masked %reduce_sum3A_1381 : vector<16xf32>, vector<16xi1> -> vector<16xf32>
      %reduce_sum3A_1383 = vector.extract %reduce_sum3A_1382[15] : f32 from vector<16xf32>
      %broadcast_in_dim3A_1384 = vector.broadcast %reduce_sum3A_1383 : f32 to vector<16xf32>
      %select_n3A_1385 = arith.select %eq3A_1379, %broadcast_in_dim3A_1384, %select_n3A_1337 : vector<16xi1>, vector<16xf32>
      %get3A_1386 = arith.constant 10 : i32
      %get3A_1387 = arith.index_cast %get3A_1386 : i32 to index
      %get3A_1388 = arith.constant 0 : index
      %get3A_1389 = tpu.vector_load %arg10[%get3A_1387, %get3A_1388] {strides = array<i32>} : memref<16x64xf32, #tpu.memory_space<vmem>>, vector<16xf32>,
      %get3A_1390 = arith.constant 10 : i32
      %get3A_1391 = arith.index_cast %get3A_1390 : i32 to index
      %get3A_1392 = arith.constant 0 : index
      %get3A_1393 = tpu.vector_load %arg11[%get3A_1391, %get3A_1392] {strides = array<i32>} : memref<16x64xf32, #tpu.memory_space<vmem>>, vector<16xf32>,
      %mul3A_1394 = arith.mulf %get3A_1389, %get3A_1393 : vector<16xf32>
      %get3A_1395 = arith.constant 10 : i32
      %get3A_1396 = arith.index_cast %get3A_1395 : i32 to index
      %get3A_1397 = arith.constant 16 : index
      %get3A_1398 = tpu.vector_load %arg10[%get3A_1396, %get3A_1397] {strides = array<i32>} : memref<16x64xf32, #tpu.memory_space<vmem>>, vector<16xf32>,
      %get3A_1399 = arith.constant 10 : i32
      %get3A_1400 = arith.index_cast %get3A_1399 : i32 to index
      %get3A_1401 = arith.constant 16 : index
      %get3A_1402 = tpu.vector_load %arg11[%get3A_1400, %get3A_1401] {strides = array<i32>} : memref<16x64xf32, #tpu.memory_space<vmem>>, vector<16xf32>,
      %mul3A_1403 = arith.mulf %get3A_1398, %get3A_1402 : vector<16xf32>
      %add3A_1404 = arith.addf %mul3A_1394, %mul3A_1403 : vector<16xf32>
      %get3A_1405 = arith.constant 10 : i32
      %get3A_1406 = arith.index_cast %get3A_1405 : i32 to index
      %get3A_1407 = arith.constant 32 : index
      %get3A_1408 = tpu.vector_load %arg10[%get3A_1406, %get3A_1407] {strides = array<i32>} : memref<16x64xf32, #tpu.memory_space<vmem>>, vector<16xf32>,
      %get3A_1409 = arith.constant 10 : i32
      %get3A_1410 = arith.index_cast %get3A_1409 : i32 to index
      %get3A_1411 = arith.constant 32 : index
      %get3A_1412 = tpu.vector_load %arg11[%get3A_1410, %get3A_1411] {strides = array<i32>} : memref<16x64xf32, #tpu.memory_space<vmem>>, vector<16xf32>,
      %mul3A_1413 = arith.mulf %get3A_1408, %get3A_1412 : vector<16xf32>
      %add3A_1414 = arith.addf %add3A_1404, %mul3A_1413 : vector<16xf32>
      %get3A_1415 = arith.constant 10 : i32
      %get3A_1416 = arith.index_cast %get3A_1415 : i32 to index
      %get3A_1417 = arith.constant 48 : index
      %get3A_1418 = tpu.vector_load %arg10[%get3A_1416, %get3A_1417] {strides = array<i32>} : memref<16x64xf32, #tpu.memory_space<vmem>>, vector<16xf32>,
      %get3A_1419 = arith.constant 10 : i32
      %get3A_1420 = arith.index_cast %get3A_1419 : i32 to index
      %get3A_1421 = arith.constant 48 : index
      %get3A_1422 = tpu.vector_load %arg11[%get3A_1420, %get3A_1421] {strides = array<i32>} : memref<16x64xf32, #tpu.memory_space<vmem>>, vector<16xf32>,
      %mul3A_1423 = arith.mulf %get3A_1418, %get3A_1422 : vector<16xf32>
      %add3A_1424 = arith.addf %add3A_1414, %mul3A_1423 : vector<16xf32>
      %eq3A_1425 = arith.constant 10 : i32
      %eq3A_1426 = vector.broadcast %eq3A_1425 : i32 to vector<16xi32>
      %eq3A_1427 = arith.cmpi eq, %iota3A, %eq3A_1426 : vector<16xi32>
      %reduce_sum3A_1428 = arith.constant true
      %reduce_sum3A_1429 = vector.broadcast %reduce_sum3A_1428 : i1 to vector<16xi1>
      %reduce_sum3A_1430 = tpu.scan <sum>, %add3A_1424 masked %reduce_sum3A_1429 : vector<16xf32>, vector<16xi1> -> vector<16xf32>
      %reduce_sum3A_1431 = vector.extract %reduce_sum3A_1430[15] : f32 from vector<16xf32>
      %broadcast_in_dim3A_1432 = vector.broadcast %reduce_sum3A_1431 : f32 to vector<16xf32>
      %select_n3A_1433 = arith.select %eq3A_1427, %broadcast_in_dim3A_1432, %select_n3A_1385 : vector<16xi1>, vector<16xf32>
      %get3A_1434 = arith.constant 11 : i32
      %get3A_1435 = arith.index_cast %get3A_1434 : i32 to index
      %get3A_1436 = arith.constant 0 : index
      %get3A_1437 = tpu.vector_load %arg10[%get3A_1435, %get3A_1436] {strides = array<i32>} : memref<16x64xf32, #tpu.memory_space<vmem>>, vector<16xf32>,
      %get3A_1438 = arith.constant 11 : i32
      %get3A_1439 = arith.index_cast %get3A_1438 : i32 to index
      %get3A_1440 = arith.constant 0 : index
      %get3A_1441 = tpu.vector_load %arg11[%get3A_1439, %get3A_1440] {strides = array<i32>} : memref<16x64xf32, #tpu.memory_space<vmem>>, vector<16xf32>,
      %mul3A_1442 = arith.mulf %get3A_1437, %get3A_1441 : vector<16xf32>
      %get3A_1443 = arith.constant 11 : i32
      %get3A_1444 = arith.index_cast %get3A_1443 : i32 to index
      %get3A_1445 = arith.constant 16 : index
      %get3A_1446 = tpu.vector_load %arg10[%get3A_1444, %get3A_1445] {strides = array<i32>} : memref<16x64xf32, #tpu.memory_space<vmem>>, vector<16xf32>,
      %get3A_1447 = arith.constant 11 : i32
      %get3A_1448 = arith.index_cast %get3A_1447 : i32 to index
      %get3A_1449 = arith.constant 16 : index
      %get3A_1450 = tpu.vector_load %arg11[%get3A_1448, %get3A_1449] {strides = array<i32>} : memref<16x64xf32, #tpu.memory_space<vmem>>, vector<16xf32>,
      %mul3A_1451 = arith.mulf %get3A_1446, %get3A_1450 : vector<16xf32>
      %add3A_1452 = arith.addf %mul3A_1442, %mul3A_1451 : vector<16xf32>
      %get3A_1453 = arith.constant 11 : i32
      %get3A_1454 = arith.index_cast %get3A_1453 : i32 to index
      %get3A_1455 = arith.constant 32 : index
      %get3A_1456 = tpu.vector_load %arg10[%get3A_1454, %get3A_1455] {strides = array<i32>} : memref<16x64xf32, #tpu.memory_space<vmem>>, vector<16xf32>,
      %get3A_1457 = arith.constant 11 : i32
      %get3A_1458 = arith.index_cast %get3A_1457 : i32 to index
      %get3A_1459 = arith.constant 32 : index
      %get3A_1460 = tpu.vector_load %arg11[%get3A_1458, %get3A_1459] {strides = array<i32>} : memref<16x64xf32, #tpu.memory_space<vmem>>, vector<16xf32>,
      %mul3A_1461 = arith.mulf %get3A_1456, %get3A_1460 : vector<16xf32>
      %add3A_1462 = arith.addf %add3A_1452, %mul3A_1461 : vector<16xf32>
      %get3A_1463 = arith.constant 11 : i32
      %get3A_1464 = arith.index_cast %get3A_1463 : i32 to index
      %get3A_1465 = arith.constant 48 : index
      %get3A_1466 = tpu.vector_load %arg10[%get3A_1464, %get3A_1465] {strides = array<i32>} : memref<16x64xf32, #tpu.memory_space<vmem>>, vector<16xf32>,
      %get3A_1467 = arith.constant 11 : i32
      %get3A_1468 = arith.index_cast %get3A_1467 : i32 to index
      %get3A_1469 = arith.constant 48 : index
      %get3A_1470 = tpu.vector_load %arg11[%get3A_1468, %get3A_1469] {strides = array<i32>} : memref<16x64xf32, #tpu.memory_space<vmem>>, vector<16xf32>,
      %mul3A_1471 = arith.mulf %get3A_1466, %get3A_1470 : vector<16xf32>
      %add3A_1472 = arith.addf %add3A_1462, %mul3A_1471 : vector<16xf32>
      %eq3A_1473 = arith.constant 11 : i32
      %eq3A_1474 = vector.broadcast %eq3A_1473 : i32 to vector<16xi32>
      %eq3A_1475 = arith.cmpi eq, %iota3A, %eq3A_1474 : vector<16xi32>
      %reduce_sum3A_1476 = arith.constant true
      %reduce_sum3A_1477 = vector.broadcast %reduce_sum3A_1476 : i1 to vector<16xi1>
      %reduce_sum3A_1478 = tpu.scan <sum>, %add3A_1472 masked %reduce_sum3A_1477 : vector<16xf32>, vector<16xi1> -> vector<16xf32>
      %reduce_sum3A_1479 = vector.extract %reduce_sum3A_1478[15] : f32 from vector<16xf32>
      %broadcast_in_dim3A_1480 = vector.broadcast %reduce_sum3A_1479 : f32 to vector<16xf32>
      %select_n3A_1481 = arith.select %eq3A_1475, %broadcast_in_dim3A_1480, %select_n3A_1433 : vector<16xi1>, vector<16xf32>
      %get3A_1482 = arith.constant 12 : i32
      %get3A_1483 = arith.index_cast %get3A_1482 : i32 to index
      %get3A_1484 = arith.constant 0 : index
      %get3A_1485 = tpu.vector_load %arg10[%get3A_1483, %get3A_1484] {strides = array<i32>} : memref<16x64xf32, #tpu.memory_space<vmem>>, vector<16xf32>,
      %get3A_1486 = arith.constant 12 : i32
      %get3A_1487 = arith.index_cast %get3A_1486 : i32 to index
      %get3A_1488 = arith.constant 0 : index
      %get3A_1489 = tpu.vector_load %arg11[%get3A_1487, %get3A_1488] {strides = array<i32>} : memref<16x64xf32, #tpu.memory_space<vmem>>, vector<16xf32>,
      %mul3A_1490 = arith.mulf %get3A_1485, %get3A_1489 : vector<16xf32>
      %get3A_1491 = arith.constant 12 : i32
      %get3A_1492 = arith.index_cast %get3A_1491 : i32 to index
      %get3A_1493 = arith.constant 16 : index
      %get3A_1494 = tpu.vector_load %arg10[%get3A_1492, %get3A_1493] {strides = array<i32>} : memref<16x64xf32, #tpu.memory_space<vmem>>, vector<16xf32>,
      %get3A_1495 = arith.constant 12 : i32
      %get3A_1496 = arith.index_cast %get3A_1495 : i32 to index
      %get3A_1497 = arith.constant 16 : index
      %get3A_1498 = tpu.vector_load %arg11[%get3A_1496, %get3A_1497] {strides = array<i32>} : memref<16x64xf32, #tpu.memory_space<vmem>>, vector<16xf32>,
      %mul3A_1499 = arith.mulf %get3A_1494, %get3A_1498 : vector<16xf32>
      %add3A_1500 = arith.addf %mul3A_1490, %mul3A_1499 : vector<16xf32>
      %get3A_1501 = arith.constant 12 : i32
      %get3A_1502 = arith.index_cast %get3A_1501 : i32 to index
      %get3A_1503 = arith.constant 32 : index
      %get3A_1504 = tpu.vector_load %arg10[%get3A_1502, %get3A_1503] {strides = array<i32>} : memref<16x64xf32, #tpu.memory_space<vmem>>, vector<16xf32>,
      %get3A_1505 = arith.constant 12 : i32
      %get3A_1506 = arith.index_cast %get3A_1505 : i32 to index
      %get3A_1507 = arith.constant 32 : index
      %get3A_1508 = tpu.vector_load %arg11[%get3A_1506, %get3A_1507] {strides = array<i32>} : memref<16x64xf32, #tpu.memory_space<vmem>>, vector<16xf32>,
      %mul3A_1509 = arith.mulf %get3A_1504, %get3A_1508 : vector<16xf32>
      %add3A_1510 = arith.addf %add3A_1500, %mul3A_1509 : vector<16xf32>
      %get3A_1511 = arith.constant 12 : i32
      %get3A_1512 = arith.index_cast %get3A_1511 : i32 to index
      %get3A_1513 = arith.constant 48 : index
      %get3A_1514 = tpu.vector_load %arg10[%get3A_1512, %get3A_1513] {strides = array<i32>} : memref<16x64xf32, #tpu.memory_space<vmem>>, vector<16xf32>,
      %get3A_1515 = arith.constant 12 : i32
      %get3A_1516 = arith.index_cast %get3A_1515 : i32 to index
      %get3A_1517 = arith.constant 48 : index
      %get3A_1518 = tpu.vector_load %arg11[%get3A_1516, %get3A_1517] {strides = array<i32>} : memref<16x64xf32, #tpu.memory_space<vmem>>, vector<16xf32>,
      %mul3A_1519 = arith.mulf %get3A_1514, %get3A_1518 : vector<16xf32>
      %add3A_1520 = arith.addf %add3A_1510, %mul3A_1519 : vector<16xf32>
      %eq3A_1521 = arith.constant 12 : i32
      %eq3A_1522 = vector.broadcast %eq3A_1521 : i32 to vector<16xi32>
      %eq3A_1523 = arith.cmpi eq, %iota3A, %eq3A_1522 : vector<16xi32>
      %reduce_sum3A_1524 = arith.constant true
      %reduce_sum3A_1525 = vector.broadcast %reduce_sum3A_1524 : i1 to vector<16xi1>
      %reduce_sum3A_1526 = tpu.scan <sum>, %add3A_1520 masked %reduce_sum3A_1525 : vector<16xf32>, vector<16xi1> -> vector<16xf32>
      %reduce_sum3A_1527 = vector.extract %reduce_sum3A_1526[15] : f32 from vector<16xf32>
      %broadcast_in_dim3A_1528 = vector.broadcast %reduce_sum3A_1527 : f32 to vector<16xf32>
      %select_n3A_1529 = arith.select %eq3A_1523, %broadcast_in_dim3A_1528, %select_n3A_1481 : vector<16xi1>, vector<16xf32>
      %get3A_1530 = arith.constant 13 : i32
      %get3A_1531 = arith.index_cast %get3A_1530 : i32 to index
      %get3A_1532 = arith.constant 0 : index
      %get3A_1533 = tpu.vector_load %arg10[%get3A_1531, %get3A_1532] {strides = array<i32>} : memref<16x64xf32, #tpu.memory_space<vmem>>, vector<16xf32>,
      %get3A_1534 = arith.constant 13 : i32
      %get3A_1535 = arith.index_cast %get3A_1534 : i32 to index
      %get3A_1536 = arith.constant 0 : index
      %get3A_1537 = tpu.vector_load %arg11[%get3A_1535, %get3A_1536] {strides = array<i32>} : memref<16x64xf32, #tpu.memory_space<vmem>>, vector<16xf32>,
      %mul3A_1538 = arith.mulf %get3A_1533, %get3A_1537 : vector<16xf32>
      %get3A_1539 = arith.constant 13 : i32
      %get3A_1540 = arith.index_cast %get3A_1539 : i32 to index
      %get3A_1541 = arith.constant 16 : index
      %get3A_1542 = tpu.vector_load %arg10[%get3A_1540, %get3A_1541] {strides = array<i32>} : memref<16x64xf32, #tpu.memory_space<vmem>>, vector<16xf32>,
      %get3A_1543 = arith.constant 13 : i32
      %get3A_1544 = arith.index_cast %get3A_1543 : i32 to index
      %get3A_1545 = arith.constant 16 : index
      %get3A_1546 = tpu.vector_load %arg11[%get3A_1544, %get3A_1545] {strides = array<i32>} : memref<16x64xf32, #tpu.memory_space<vmem>>, vector<16xf32>,
      %mul3A_1547 = arith.mulf %get3A_1542, %get3A_1546 : vector<16xf32>
      %add3A_1548 = arith.addf %mul3A_1538, %mul3A_1547 : vector<16xf32>
      %get3A_1549 = arith.constant 13 : i32
      %get3A_1550 = arith.index_cast %get3A_1549 : i32 to index
      %get3A_1551 = arith.constant 32 : index
      %get3A_1552 = tpu.vector_load %arg10[%get3A_1550, %get3A_1551] {strides = array<i32>} : memref<16x64xf32, #tpu.memory_space<vmem>>, vector<16xf32>,
      %get3A_1553 = arith.constant 13 : i32
      %get3A_1554 = arith.index_cast %get3A_1553 : i32 to index
      %get3A_1555 = arith.constant 32 : index
      %get3A_1556 = tpu.vector_load %arg11[%get3A_1554, %get3A_1555] {strides = array<i32>} : memref<16x64xf32, #tpu.memory_space<vmem>>, vector<16xf32>,
      %mul3A_1557 = arith.mulf %get3A_1552, %get3A_1556 : vector<16xf32>
      %add3A_1558 = arith.addf %add3A_1548, %mul3A_1557 : vector<16xf32>
      %get3A_1559 = arith.constant 13 : i32
      %get3A_1560 = arith.index_cast %get3A_1559 : i32 to index
      %get3A_1561 = arith.constant 48 : index
      %get3A_1562 = tpu.vector_load %arg10[%get3A_1560, %get3A_1561] {strides = array<i32>} : memref<16x64xf32, #tpu.memory_space<vmem>>, vector<16xf32>,
      %get3A_1563 = arith.constant 13 : i32
      %get3A_1564 = arith.index_cast %get3A_1563 : i32 to index
      %get3A_1565 = arith.constant 48 : index
      %get3A_1566 = tpu.vector_load %arg11[%get3A_1564, %get3A_1565] {strides = array<i32>} : memref<16x64xf32, #tpu.memory_space<vmem>>, vector<16xf32>,
      %mul3A_1567 = arith.mulf %get3A_1562, %get3A_1566 : vector<16xf32>
      %add3A_1568 = arith.addf %add3A_1558, %mul3A_1567 : vector<16xf32>
      %eq3A_1569 = arith.constant 13 : i32
      %eq3A_1570 = vector.broadcast %eq3A_1569 : i32 to vector<16xi32>
      %eq3A_1571 = arith.cmpi eq, %iota3A, %eq3A_1570 : vector<16xi32>
      %reduce_sum3A_1572 = arith.constant true
      %reduce_sum3A_1573 = vector.broadcast %reduce_sum3A_1572 : i1 to vector<16xi1>
      %reduce_sum3A_1574 = tpu.scan <sum>, %add3A_1568 masked %reduce_sum3A_1573 : vector<16xf32>, vector<16xi1> -> vector<16xf32>
      %reduce_sum3A_1575 = vector.extract %reduce_sum3A_1574[15] : f32 from vector<16xf32>
      %broadcast_in_dim3A_1576 = vector.broadcast %reduce_sum3A_1575 : f32 to vector<16xf32>
      %select_n3A_1577 = arith.select %eq3A_1571, %broadcast_in_dim3A_1576, %select_n3A_1529 : vector<16xi1>, vector<16xf32>
      %get3A_1578 = arith.constant 14 : i32
      %get3A_1579 = arith.index_cast %get3A_1578 : i32 to index
      %get3A_1580 = arith.constant 0 : index
      %get3A_1581 = tpu.vector_load %arg10[%get3A_1579, %get3A_1580] {strides = array<i32>} : memref<16x64xf32, #tpu.memory_space<vmem>>, vector<16xf32>,
      %get3A_1582 = arith.constant 14 : i32
      %get3A_1583 = arith.index_cast %get3A_1582 : i32 to index
      %get3A_1584 = arith.constant 0 : index
      %get3A_1585 = tpu.vector_load %arg11[%get3A_1583, %get3A_1584] {strides = array<i32>} : memref<16x64xf32, #tpu.memory_space<vmem>>, vector<16xf32>,
      %mul3A_1586 = arith.mulf %get3A_1581, %get3A_1585 : vector<16xf32>
      %get3A_1587 = arith.constant 14 : i32
      %get3A_1588 = arith.index_cast %get3A_1587 : i32 to index
      %get3A_1589 = arith.constant 16 : index
      %get3A_1590 = tpu.vector_load %arg10[%get3A_1588, %get3A_1589] {strides = array<i32>} : memref<16x64xf32, #tpu.memory_space<vmem>>, vector<16xf32>,
      %get3A_1591 = arith.constant 14 : i32
      %get3A_1592 = arith.index_cast %get3A_1591 : i32 to index
      %get3A_1593 = arith.constant 16 : index
      %get3A_1594 = tpu.vector_load %arg11[%get3A_1592, %get3A_1593] {strides = array<i32>} : memref<16x64xf32, #tpu.memory_space<vmem>>, vector<16xf32>,
      %mul3A_1595 = arith.mulf %get3A_1590, %get3A_1594 : vector<16xf32>
      %add3A_1596 = arith.addf %mul3A_1586, %mul3A_1595 : vector<16xf32>
      %get3A_1597 = arith.constant 14 : i32
      %get3A_1598 = arith.index_cast %get3A_1597 : i32 to index
      %get3A_1599 = arith.constant 32 : index
      %get3A_1600 = tpu.vector_load %arg10[%get3A_1598, %get3A_1599] {strides = array<i32>} : memref<16x64xf32, #tpu.memory_space<vmem>>, vector<16xf32>,
      %get3A_1601 = arith.constant 14 : i32
      %get3A_1602 = arith.index_cast %get3A_1601 : i32 to index
      %get3A_1603 = arith.constant 32 : index
      %get3A_1604 = tpu.vector_load %arg11[%get3A_1602, %get3A_1603] {strides = array<i32>} : memref<16x64xf32, #tpu.memory_space<vmem>>, vector<16xf32>,
      %mul3A_1605 = arith.mulf %get3A_1600, %get3A_1604 : vector<16xf32>
      %add3A_1606 = arith.addf %add3A_1596, %mul3A_1605 : vector<16xf32>
      %get3A_1607 = arith.constant 14 : i32
      %get3A_1608 = arith.index_cast %get3A_1607 : i32 to index
      %get3A_1609 = arith.constant 48 : index
      %get3A_1610 = tpu.vector_load %arg10[%get3A_1608, %get3A_1609] {strides = array<i32>} : memref<16x64xf32, #tpu.memory_space<vmem>>, vector<16xf32>,
      %get3A_1611 = arith.constant 14 : i32
      %get3A_1612 = arith.index_cast %get3A_1611 : i32 to index
      %get3A_1613 = arith.constant 48 : index
      %get3A_1614 = tpu.vector_load %arg11[%get3A_1612, %get3A_1613] {strides = array<i32>} : memref<16x64xf32, #tpu.memory_space<vmem>>, vector<16xf32>,
      %mul3A_1615 = arith.mulf %get3A_1610, %get3A_1614 : vector<16xf32>
      %add3A_1616 = arith.addf %add3A_1606, %mul3A_1615 : vector<16xf32>
      %eq3A_1617 = arith.constant 14 : i32
      %eq3A_1618 = vector.broadcast %eq3A_1617 : i32 to vector<16xi32>
      %eq3A_1619 = arith.cmpi eq, %iota3A, %eq3A_1618 : vector<16xi32>
      %reduce_sum3A_1620 = arith.constant true
      %reduce_sum3A_1621 = vector.broadcast %reduce_sum3A_1620 : i1 to vector<16xi1>
      %reduce_sum3A_1622 = tpu.scan <sum>, %add3A_1616 masked %reduce_sum3A_1621 : vector<16xf32>, vector<16xi1> -> vector<16xf32>
      %reduce_sum3A_1623 = vector.extract %reduce_sum3A_1622[15] : f32 from vector<16xf32>
      %broadcast_in_dim3A_1624 = vector.broadcast %reduce_sum3A_1623 : f32 to vector<16xf32>
      %select_n3A_1625 = arith.select %eq3A_1619, %broadcast_in_dim3A_1624, %select_n3A_1577 : vector<16xi1>, vector<16xf32>
      %get3A_1626 = arith.constant 15 : i32
      %get3A_1627 = arith.index_cast %get3A_1626 : i32 to index
      %get3A_1628 = arith.constant 0 : index
      %get3A_1629 = tpu.vector_load %arg10[%get3A_1627, %get3A_1628] {strides = array<i32>} : memref<16x64xf32, #tpu.memory_space<vmem>>, vector<16xf32>,
      %get3A_1630 = arith.constant 15 : i32
      %get3A_1631 = arith.index_cast %get3A_1630 : i32 to index
      %get3A_1632 = arith.constant 0 : index
      %get3A_1633 = tpu.vector_load %arg11[%get3A_1631, %get3A_1632] {strides = array<i32>} : memref<16x64xf32, #tpu.memory_space<vmem>>, vector<16xf32>,
      %mul3A_1634 = arith.mulf %get3A_1629, %get3A_1633 : vector<16xf32>
      %get3A_1635 = arith.constant 15 : i32
      %get3A_1636 = arith.index_cast %get3A_1635 : i32 to index
      %get3A_1637 = arith.constant 16 : index
      %get3A_1638 = tpu.vector_load %arg10[%get3A_1636, %get3A_1637] {strides = array<i32>} : memref<16x64xf32, #tpu.memory_space<vmem>>, vector<16xf32>,
      %get3A_1639 = arith.constant 15 : i32
      %get3A_1640 = arith.index_cast %get3A_1639 : i32 to index
      %get3A_1641 = arith.constant 16 : index
      %get3A_1642 = tpu.vector_load %arg11[%get3A_1640, %get3A_1641] {strides = array<i32>} : memref<16x64xf32, #tpu.memory_space<vmem>>, vector<16xf32>,
      %mul3A_1643 = arith.mulf %get3A_1638, %get3A_1642 : vector<16xf32>
      %add3A_1644 = arith.addf %mul3A_1634, %mul3A_1643 : vector<16xf32>
      %get3A_1645 = arith.constant 15 : i32
      %get3A_1646 = arith.index_cast %get3A_1645 : i32 to index
      %get3A_1647 = arith.constant 32 : index
      %get3A_1648 = tpu.vector_load %arg10[%get3A_1646, %get3A_1647] {strides = array<i32>} : memref<16x64xf32, #tpu.memory_space<vmem>>, vector<16xf32>,
      %get3A_1649 = arith.constant 15 : i32
      %get3A_1650 = arith.index_cast %get3A_1649 : i32 to index
      %get3A_1651 = arith.constant 32 : index
      %get3A_1652 = tpu.vector_load %arg11[%get3A_1650, %get3A_1651] {strides = array<i32>} : memref<16x64xf32, #tpu.memory_space<vmem>>, vector<16xf32>,
      %mul3A_1653 = arith.mulf %get3A_1648, %get3A_1652 : vector<16xf32>
      %add3A_1654 = arith.addf %add3A_1644, %mul3A_1653 : vector<16xf32>
      %get3A_1655 = arith.constant 15 : i32
      %get3A_1656 = arith.index_cast %get3A_1655 : i32 to index
      %get3A_1657 = arith.constant 48 : index
      %get3A_1658 = tpu.vector_load %arg10[%get3A_1656, %get3A_1657] {strides = array<i32>} : memref<16x64xf32, #tpu.memory_space<vmem>>, vector<16xf32>,
      %get3A_1659 = arith.constant 15 : i32
      %get3A_1660 = arith.index_cast %get3A_1659 : i32 to index
      %get3A_1661 = arith.constant 48 : index
      %get3A_1662 = tpu.vector_load %arg11[%get3A_1660, %get3A_1661] {strides = array<i32>} : memref<16x64xf32, #tpu.memory_space<vmem>>, vector<16xf32>,
      %mul3A_1663 = arith.mulf %get3A_1658, %get3A_1662 : vector<16xf32>
      %add3A_1664 = arith.addf %add3A_1654, %mul3A_1663 : vector<16xf32>
      %eq3A_1665 = arith.constant 15 : i32
      %eq3A_1666 = vector.broadcast %eq3A_1665 : i32 to vector<16xi32>
      %eq3A_1667 = arith.cmpi eq, %iota3A, %eq3A_1666 : vector<16xi32>
      %reduce_sum3A_1668 = arith.constant true
      %reduce_sum3A_1669 = vector.broadcast %reduce_sum3A_1668 : i1 to vector<16xi1>
      %reduce_sum3A_1670 = tpu.scan <sum>, %add3A_1664 masked %reduce_sum3A_1669 : vector<16xf32>, vector<16xi1> -> vector<16xf32>
      %reduce_sum3A_1671 = vector.extract %reduce_sum3A_1670[15] : f32 from vector<16xf32>
      %broadcast_in_dim3A_1672 = vector.broadcast %reduce_sum3A_1671 : f32 to vector<16xf32>
      %select_n3A_1673 = arith.select %eq3A_1667, %broadcast_in_dim3A_1672, %select_n3A_1625 : vector<16xi1>, vector<16xf32>
      %mul3A_1674 = arith.constant 16 : i32
      %mul3A_1675 = arith.muli %scan3A_8, %mul3A_1674 : i32
      %get3A_1676 = arith.index_cast %mul3A_1675 : i32 to index
      %get3A_1677 = tpu.vector_load %arg12[%get3A_1676] {strides = array<i32>} : memref<512xf32, #tpu.memory_space<vmem>>, vector<16xf32>,
      %add3A_1678 = arith.addf %select_n3A_1673, %get3A_1677 : vector<16xf32>
      %neg3A = arith.constant 0.000000e+00 : f32
      %neg3A_1679 = vector.broadcast %neg3A : f32 to vector<16xf32>
      %neg3A_1680 = arith.subf %neg3A_1679, %add3A_1678 : vector<16xf32>
      %exp3A = math.exp %neg3A_1680 : vector<16xf32>
      %add3A_1681 = arith.constant 1.000000e+00 : f32
      %add3A_1682 = vector.broadcast %add3A_1681 : f32 to vector<16xf32>
      %add3A_1683 = arith.addf %add3A_1682, %exp3A : vector<16xf32>
      %div3A = arith.constant 5.000000e+00 : f32
      %div3A_1684 = vector.broadcast %div3A : f32 to vector<16xf32>
      %div3A_1685 = arith.divf %div3A_1684, %add3A_1683 : vector<16xf32>
      %mul3A_1686 = arith.constant 16 : i32
      %mul3A_1687 = arith.muli %scan3A_8, %mul3A_1686 : i32
      %swap3A = arith.index_cast %mul3A_1687 : i32 to index
      %swap3A_1688 = tpu.vector_load %arg13[%swap3A] {strides = array<i32>} : memref<512xf32, #tpu.memory_space<vmem>>, vector<16xf32>,
      tpu.vector_store %arg13[%swap3A], %div3A_1685 {strides = array<i32>} : memref<512xf32, #tpu.memory_space<vmem>>, vector<16xf32>,
    }
    %scan3A_7 = arith.constant 32 : i32
    "tpu.region"() ({
      %run_scoped3A = tpu.sem_alloc : memref<!tpu.dma_semaphore, #tpu.memory_space<semaphore_mem>>
      %dma_start3A = tpu.memref_slice %arg7[%mul3A_2] : memref<16384xf32, #tpu.memory_space<hbm>> -> memref<512xf32, #tpu.memory_space<hbm>>
      %dma_start3A_8 = tpu.memref_slice %arg7[%mul3A_2] : memref<16384xf32, #tpu.memory_space<hbm>> -> memref<512xf32, #tpu.memory_space<hbm>>
      tpu.enqueue_dma source(%arg13 : memref<512xf32, #tpu.memory_space<vmem>>) target(%dma_start3A_8 : memref<512xf32, #tpu.memory_space<hbm>>) target_semaphore(%run_scoped3A : memref<!tpu.dma_semaphore, #tpu.memory_space<semaphore_mem>>)
      %dma_wait3A = tpu.memref_slice %arg7[%mul3A_2] : memref<16384xf32, #tpu.memory_space<hbm>> -> memref<512xf32, #tpu.memory_space<hbm>>
      %dma_wait3A_9 = tpu.memref_slice %arg7[%mul3A_2] : memref<16384xf32, #tpu.memory_space<hbm>> -> memref<512xf32, #tpu.memory_space<hbm>>
      tpu.wait_dma2 semaphore(%run_scoped3A : memref<!tpu.dma_semaphore, #tpu.memory_space<semaphore_mem>>) src(%arg13 : memref<512xf32, #tpu.memory_space<vmem>>) dst(%dma_wait3A_9 : memref<512xf32, #tpu.memory_space<hbm>>)
      tpu.yield
    }) : () -> ()
    return
  }
}

</mosaic_0001>

<sc_bundles>
// kernel: _run.4.cloned.1.call-start
scs
__scs_entry_jumppad:
0x0: {  	(pc) =	sbr.rel $0x88, $3  }
0x1: {  	(tag) =	ssettag $0x0;
	lr =	simm.s32 $0x1  }
0x2: {  	[smem:$0x3F9B] =	sst lr;
	_ =	strace $0xD0000000  }
0x3: {  	_ = 	snop  }
0x4: {  	_ = 	snop  }
0x5: {  	_ = 	snop  }
0x6: {  	_ = 	snop  }
0x7: {  	_ = 	snop  }
__scs_overlays_trampoline_lowered:
0x8: {  	[smem:$0x3FAA] =	sst s0  }
0x9: {  	[smem:$0x3FAB] =	sst s1  }
0xa: {  	[smem:$0x3FAC] =	sst s2  }
0xb: {  	[smem:$0x3FAD] =	sst s3  }
0xc: {  	[smem:$0x3FAE] =	sst s4  }
0xd: {  	[smem:$0x3FAF] =	sst s5  }
0xe: {  	[smem:$0x3FB0] =	sst s6  }
0xf: {  	[smem:$0x3FB1] =	sst s7  }
0x10: {  	[smem:$0x3FB2] =	sst s8  }
0x11: {  	[smem:$0x3FB3] =	sst s9;
	s0 =	simm.s32 @!p0 $0x0  }
0x12: {  	s1 =	sld [smem:$0x3F99];
	s0 =	simm.s32 @p0 $0x1  }
0x13: {  	[smem:$0x3FB4] =	sst s0;
	s0 =	simm.s32 @!p1 $0x0  }
0x14: {  	s2 =	sld [smem:$0x3F98];
	s0 =	simm.s32 @p1 $0x1  }
0x15: {  	[smem:$0x3FB5] =	sst s0;
	s0 =	simm.s32 @!p2 $0x0  }
0x16: {  	s3 =	sld [smem:$0x3FDB];
	s0 =	simm.s32 @p2 $0x1  }
0x17: {  	s4 =	simm.s32 $0x1BF5;
	[smem:$0x3FB7] =	sst s0  }
0x18: {  	s0 =	sld [smem:$0x3F9A];
	_ =	swait.ge [sflag:s4], $0x0  }
0x19: {  	s7 =	sld [smem:$0x3F9B]  }
0x1a: {  	s8 =	sadd.s32 $0xFFFFE003, lr  }
0x1b: {  	s9 =	sadd.s32 $0xFFFFFEF7, lr;
	s5 =	simm.s32 $0xFFFFFFFF;
	p2 =	slt.u32 s8, $0xFFFFF086  }
0x1c: {  	p1 =	slt.u32 s9, $0xF7A;
	s5 =	simm.s32 @!p2 $0x0  }
0x1d: {  	s5 =	simm.s32 @p1 $0x1;
	p0 =	seq.s32 s7, s2  }
0x1e: {  	s7 =	smul.u32 @!p0 $0xF7A, s2;
	p2 =	seq.s32 @!p0 s5, $0x0  }
0x1f: {  	s9 =	smul.u32 $0xF7A, s1;
	s8 =	simm.s32 @!p0 $0x1BF5;
	p2 =	por !p2, p0  }
0x20: {  	[sflag:s8] =	ssyncset.s32 @!p0 $0xFFFFF086;
	s6 =	sadd.s32 @!p0 s3, s7;
	s7 =	simm.s32 @!p0 $0x108  }
0x21: {  	s3 =	sadd.s32 s3, s9;
	s6 =	sadd.s32 @!p0 $0x88, s6;
	s7 =	simm.s32 @p2 $0x1082  }
0x22: {  	[simem:s7], [sflag:s8] =	dma.local @!p0 [hbm:s6], $0xF7A  }
0x23: {  	s9 =	sor.u32 $0xD0000000, s2;
	s6 =	simm.s32 $0x108;
	_ =	swait.ge @!p0 [sflag:s8], $0x0  }
0x24: {  	s3 =	sadd.s32 $0x88, s3;
	s6 =	simm.s32 @!p1 $0x1082;
	[sflag:s4] =	ssyncset.s32 $0xFFFFF086  }
0x25: {  	[simem:s6], [sflag:s4] =	dma.local [hbm:s3], $0xF7A  }
0x26: {  	[smem:$0x3F9B] =	sst s1;
	(tag) =	ssettag s2;
	_ =	strace s9  }
0x27: {  	s1 =	sld [smem:$0x3FAB]  }
0x28: {  	s2 =	sld [smem:$0x3FAC]  }
0x29: {  	s4 =	sld [smem:$0x3FAE]  }
0x2a: {  	p0 =	seq.s32 s5, $0x0;
	s5 =	sld [smem:$0x3FAF]  }
0x2b: {  	s6 =	sld [smem:$0x3FB0]  }
0x2c: {  	s7 =	sld [smem:$0x3FB1]  }
0x2d: {  	s3 =	simm.s32 $0x108;
	s8 =	sld [smem:$0x3FB2]  }
0x2e: {  	s3 =	simm.s32 @!p0 $0x1082;
	s9 =	sld [smem:$0x3FB3]  }
0x2f: {  	lr =	sadd.s32 s0, s3;
	s0 =	sld [smem:$0x3FAA]  }
0x30: {  	s3 =	sld [smem:$0x3FAD]  }
0x31: {  	[smem:$0x3FB6] =	sst s10  }
0x32: {  	s10 =	sld [smem:$0x3FB4];
	_ =	sdelay $0x3  }
0x33: {  	p0 =	seq.s32 s10, $0x1;
	s10 =	sld [smem:$0x3FB6];
	_ =	sdelay $0x3  }
0x34: {  	[smem:$0x3FB6] =	sst s10  }
0x35: {  	s10 =	sld [smem:$0x3FB5];
	_ =	sdelay $0x3  }
0x36: {  	p1 =	seq.s32 s10, $0x1;
	s10 =	sld [smem:$0x3FB6];
	_ =	sdelay $0x3  }
0x37: {  	[smem:$0x3FB6] =	sst s10  }
0x38: {  	s10 =	sld [smem:$0x3FB7]  }
0x39: {  	_ = 	snop;
	(pc) =	sbr.ind lr, $3  }
0x3a: {  	_ = 	snop  }
0x3b: {  	_ = 	snop  }
0x3c: {  	p2 =	seq.s32 s10, $0x1;
	s10 =	sld [smem:$0x3FB6]  }
0x3d: {  	_ =	shalt  }
0x3e: {  	_ =	shalt  }
0x3f: {  	_ =	shalt  }
0x40: {  	_ =	shalt  }
0x41: {  	_ =	shalt  }
0x42: {  	_ =	shalt  }
0x43: {  	_ =	shalt  }
0x44: {  	_ =	shalt  }
0x45: {  	_ =	shalt  }
0x46: {  	_ =	shalt  }
0x47: {  	_ =	shalt  }
0x48: {  	_ =	shalt  }
0x49: {  	_ =	shalt  }
0x4a: {  	_ =	shalt  }
0x4b: {  	_ =	shalt  }
0x4c: {  	_ =	shalt  }
0x4d: {  	_ =	shalt  }
0x4e: {  	_ =	shalt  }
0x4f: {  	_ =	shalt  }
0x50: {  	_ =	shalt  }
0x51: {  	_ =	shalt  }
0x52: {  	_ =	shalt  }
0x53: {  	_ =	shalt  }
0x54: {  	_ =	shalt  }
0x55: {  	_ =	shalt  }
0x56: {  	_ =	shalt  }
0x57: {  	_ =	shalt  }
0x58: {  	_ =	shalt  }
0x59: {  	_ =	shalt  }
0x5a: {  	_ =	shalt  }
0x5b: {  	_ =	shalt  }
0x5c: {  	_ =	shalt  }
0x5d: {  	_ =	shalt  }
0x5e: {  	_ =	shalt  }
0x5f: {  	_ =	shalt  }
0x60: {  	_ =	shalt  }
0x61: {  	_ =	shalt  }
0x62: {  	_ =	shalt  }
0x63: {  	_ =	shalt  }
0x64: {  	_ =	shalt  }
0x65: {  	_ =	shalt  }
0x66: {  	_ =	shalt  }
0x67: {  	_ =	shalt  }
0x68: {  	_ =	shalt  }
0x69: {  	_ =	shalt  }
0x6a: {  	_ =	shalt  }
0x6b: {  	_ =	shalt  }
0x6c: {  	_ =	shalt  }
0x6d: {  	_ =	shalt  }
0x6e: {  	_ =	shalt  }
0x6f: {  	_ =	shalt  }
0x70: {  	_ =	shalt  }
0x71: {  	_ =	shalt  }
0x72: {  	_ =	shalt  }
0x73: {  	_ =	shalt  }
0x74: {  	_ =	shalt  }
0x75: {  	_ =	shalt  }
0x76: {  	_ =	shalt  }
0x77: {  	_ =	shalt  }
0x78: {  	_ =	shalt  }
0x79: {  	_ =	shalt  }
0x7a: {  	_ =	shalt  }
0x7b: {  	_ =	shalt  }
0x7c: {  	_ =	shalt  }
0x7d: {  	_ =	shalt  }
0x7e: {  	_ =	shalt  }
0x7f: {  	_ =	shalt  }
0x80: {  	_ =	shalt  }
0x81: {  	_ =	shalt  }
0x82: {  	_ =	shalt  }
0x83: {  	_ =	shalt  }
0x84: {  	_ =	shalt  }
0x85: {  	_ =	shalt  }
0x86: {  	_ =	shalt  }
0x87: {  	_ =	shalt  }
.Lfunc_end0:
.L_simem_size_0:
called_computation_lowered:
.L_overlay_start_0:
0x88: {  	s2 =	sld [smem:$0x3FD9]  }
0x89: {  	s3 =	sld [smem:$0x3FFE];
	_ =	sdelay $0x1  }
0x8a: {  	s1 =	srdreg.scid  }
0x8b: {  	s0 =	sand.u32 $0x1, s1  }
0x8c: {  	s17 =	sshll.u32 s0, $0xA;
	s2 =	sadd.s32 s3, s2  }
0x8d: {  	s2 =	sadd.s32 s2, s17  }
0x8e: {  	[smem:$0x3FC2] =	sst s2  }
0x8f: {  	_ = 	snop  }
0x90: {  	s2 =	sld [smem:$0x3FC9]  }
0x91: {  	s18 =	sld [smem:$0x3FC8];
	(tm) =	ssettm $0x1  }
0x92: {  	s4 =	sld [smem:$0x3FFB];
	_ =	sdelay $0x3  }
0x93: {  	_ =	strace s4  }
0x94: {  	s4 =	sld [smem:$0x3FFC];
	_ =	sdelay $0x3  }
0x95: {  	_ =	strace s4  }
0x96: {  	s4 =	sld [smem:$0x3FFD];
	_ =	sdelay $0x3  }
0x97: {  	_ =	strace s4  }
0x98: {  	_ =	strace $0x8FFFFFFF  }
0x99: {  	s19 =	sld [smem:$0x3FDB];
	_ =	sdelay $0x1  }
0x9a: {  	s5 =	simm.s32 $_scs_section_size  }
0x9b: {  	s6 =	simm.s32 $_size__tile_overlayer_lowered;
	s7 =	simm.s32 $_tile_overlayer_lowered  }
0x9c: {  	s22 =	simm.s32 $0x1BFF;
	s21 =	sshll.u32 s7, $0x1;
	s4 =	sadd.s32 s5, s19  }
0x9d: {  	s8 =	simm.s32 $0x0;
	s20 =	sshll.u32 s6, $0x1;
	s6 =	sadd.s32 s21, s4  }
0x9e: {  	[timem:s8], [sflag:s22] =	dma.local [hbm:s6], s20  }
0x9f: {  	_ =	swait.ge [sflag:s22], s20  }
0xa0: {  	s5 =	ssub.s32 $0x0, s20;
	[sflag:s22] =	ssyncset.done $0x0  }
0xa1: {  	[sflag:s22] =	ssyncadd.s32 s5;
	_ =	sdelay $0x1  }
0xa2: {  	s23 =	simm.s32 $0x1B8B  }
0xa3: {  	_ =	swait.ge [sflag:s23], $0x1  }
0xa4: {  	[sflag:s23] =	ssyncset.done $0x0  }
0xa5: {  	s25 =	simm.s32 $0x1B8E;
	s24 =	sld [smem:$0x3FFE];
	[sflag:s23] =	ssyncadd.s32 $0xFFFFFFFF  }
0xa6: {  	s26 =	simm.s32 $execute0_lowered;
	[smem:$0x3FD2] =	sst s25  }
0xa7: {  	s6 =	sshll.u32 s26, $0x1;
	_ =	strace $0x80000046;
	[dreg:$0x1] =	wrdreg $0xFFFFFFFF  }
0xa8: {  	s28 =	simm.s32 $_size_execute0_lowered;
	s4 =	sadd.s32 s4, s6;
	[dreg:$0x0] =	wrdreg $0x0  }
0xa9: {  	s6 =	sshll.u32 s28, $0x1;
	[dreg:$0x2] =	wrdreg s4  }
0xaa: {  	[dreg:$0x3] =	wrdreg s6  }
0xab: {  	[dreg:$0x4] =	wrdreg $0xC0  }
0xac: {  	_ =	task [dreg:s8], $0x5FFFF  }
0xad: {  	[dreg:$0x1] =	wrdreg $0xFFFFFFFF  }
0xae: {  	[dreg:$0x0] =	wrdreg $0x60  }
0xaf: {  	[dreg:$0x2] =	wrdreg s24  }
0xb0: {  	[dreg:$0x3] =	wrdreg s2  }
0xb1: {  	[dreg:$0x4] =	wrdreg s18  }
0xb2: {  	[dreg:$0x5] =	wrdreg $0x9  }
0xb3: {  	_ =	task.clear_ibuf [dreg:s8], $0x6FFFF;
	_ =	strace $0x90000046  }
0xb4: {  	s29 =	simm.s32 $0x9;
	_ =	strace $0x80000048  }
0xb5: {  	_ =	swait.ge [sflag:s29], $0x1  }
0xb6: {  	[sflag:s29] =	ssyncadd.s32 $0xFFFFFFFF  }
0xb7: {  	_ =	strace $0x90000048  }
0xb8: {  	_ =	sfence  }
0xb9: {  	s30 =	sld [smem:$0x0];
	_ =	sdelay $0x2  }
0xba: {  	s31 =	sshll.u32 s1, $0xD;
	s1 =	sshrl.u32 s1, $0x2  }
0xbb: {  	s3 =	sand.u32 $0x4000, s31;
	s1 =	sadd.s32 s1, s30  }
0xbc: {  	s0 =	sor.u32 s3, s0;
	s1 =	sshll.u32 s1, $0x11  }
0xbd: {  	s0 =	sor.u32 s1, s0  }
0xbe: {  	s0 =	sadd.s32 $0x8F2B, s0  }
0xbf: {  	[sflag:s0] =	ssyncadd.remote.s32 $0x1  }
0xc0: {  	_ =	sfence.sel $0xFFFF  }
0xc1: {  	[dreg:$0x0] =	wrdreg $0xFFFFFFFF;
	(pc) =	sbr.abs _section_cstart, $3  }
0xc2: {  	[dreg:$0x1] =	wrdreg $0xFFFFFFFF  }
0xc3: {  	_ =	task.clear_ibuf [dreg:s8], $0x2FFFF;
	_ =	strace $0x9FFFFFFF  }
0xc4: {  	(tm) =	ssettm $0x7FFFFFFF  }
0xc5: {  	_ =	shalt  }
tec
execute0_lowered:
.L_overlay_start_1:
0x0: {  	(tag) =	ssettag $0x1  }
0x1: {  	s1 =	rddreg [dreg:$0x0]  }
0x2: {  	s5 =	rddreg [dreg:$0x1]  }
0x3: {  	s6 =	rddreg [dreg:$0x2]  }
0x4: {  	s0 =	rddreg [dreg:$0x3];
	s3 =	simm.s32 $0x0;
	s4 =	srdreg.scid  }
0x5: {  	s2 =	stileid.u32;
	s11 =	simm.s32 $0x400;
	s12 =	simm.s32 $0x600  }
0x6: {  	s13 =	simm.s32 $0x1;
	s14 =	simm.s32 $0x2;
	s15 =	simm.s32 $0x800  }
0x7: {  	s16 =	simm.s32 $0x0;
	[smem:$0x7FF] =	sst s3;
	s4 =	sand.u32 $0x1, s4  }
0x8: {  	s7 =	sshll.u32 s2, $0x7;
	s8 =	sshll.u32 s4, $0x6;
	s9 =	ssub.s32 $0x2, s4  }
0x9: {  	_ =	strace $0x80000047;
	s7 =	sor.u32 s8, s7;
	s31 =	sshrl.u32 s9, $0x1  }
0xa: {  	s4 =	sadd.s32 $0x3200, s1;
	s10 =	sadd.s32 s7, s1;
	s8 =	ssub.s32 s9, s31  }
0xb: {  	s5 =	sadd.s32 s5, s7;
	s6 =	sadd.s32 s6, s7;
	s9 =	simm.s32 $0x3  }
0xc: {  	s7 =	sadd.s32 $0x21C00, s10;
	s8 =	smax.u32 s8, $0x1;
	s10 =	simm.s32 $0x200  }
.LBB2_1:
0xd: {  	[tilespmem:s3], [sflag:$0x3] =	stream.linear.gather [hbm4b:s5+s3], $0x200, $0x38;
	[tilespmem:$0xA00] =	vst v63  }
0xe: {  	_ =	swait.ge [sflag:s9], $0x200  }
0xf: {  	[sflag:s9] =	ssyncset.done $0x0  }
0x10: {  	[sflag:s9] =	ssyncadd.s32 $0xFFFFFE00  }
0x11: {  	[tilespmem:s10], [sflag:$0x3] =	stream.linear.gather [hbm4b:s6+s3], $0x200, $0x38;
	[tilespmem:$0xA00] =	vst v63  }
0x12: {  	_ =	swait.ge [sflag:s9], $0x200  }
0x13: {  	[sflag:s9] =	ssyncset.done $0x0  }
0x14: {  	[sflag:s9] =	ssyncadd.s32 $0xFFFFFE00  }
0x15: {  	[tilespmem:s11], [sflag:$0x1] =	stream.indirect.gather [hbm4b:s4+s10], $0x1, s3, s10, $0xb8;
	[tilespmem:$0xA00] =	vst v63  }
0x16: {  	_ = 	snop  }
0x17: {  	[tilespmem:s12], [sflag:$0x2] =	stream.indirect.gather [hbm4b:s1+s10], $0x1, s10, s10, $0xb8;
	[tilespmem:$0xA00] =	vst v63  }
0x18: {  	_ =	swait.ge [sflag:s13], $0x200  }
0x19: {  	[sflag:s13] =	ssyncset.done $0x0  }
0x1a: {  	[sflag:s13] =	ssyncadd.s32 $0xFFFFFE00  }
0x1b: {  	_ =	swait.ge [sflag:s14], $0x200  }
0x1c: {  	[sflag:s14] =	ssyncset.done $0x0  }
0x1d: {  	s17 =	simm.s32 $0x0;
	[sflag:s14] =	ssyncadd.s32 $0xFFFFFE00  }
0x1e: {  	v0 =	vld [tilespmem:s17+$0x400]  }
0x1f: {  	s18 =	simm.s32 $0x40;
	v1 =	vld [tilespmem:s17+$0x600]  }
.LBB2_2:
0x20: {  	_ = 	snop  }
0x21: {  	p0 =	sne.s32 s18, $0x7C0  }
.Ltmp0:
0x22: {  	_ = 	snop;
	(pc) =	sbr.rel @p0 .LBB2_2-.Ltmp0, $4  }
0x23: {  	_ = 	snop  }
0x24: {  	s19 =	sshra.s32 s18, $0x2;
	v2 =	vadd.f32 v1, v0  }
0x25: {  	v0 =	vld [tilespmem:s19+$0x400]  }
0x26: {  	s18 =	sadd.s32 $0x40, s18;
	v1 =	vld [tilespmem:s19+$0x600];
	[tilespmem:s17+$0x800] =	vst v2;
	s17 =	smov.u32 s19  }
0x27: {  	_ =	sdelay $0x3  }
0x28: {  	s16 =	sadd.s32 $0x1, s16;
	v0 =	vadd.f32 v1, v0  }
0x29: {  	p0 =	sne.s32 s16, s8  }
.Ltmp1:
0x2a: {  	[tilespmem:s17+$0x800] =	vst v0;
	(pc) =	sbr.rel @p0 .LBB2_1-.Ltmp1, $4  }
0x2b: {  	[hbm4b:s7+s3] =	stream.linear.scatter [tilespmem:s15], [sflag:$0x3], $0x200, $0x38;
	[tilespmem:$0xA00] =	vst v63  }
0x2c: {  	_ =	swait.ge [sflag:s9], $0x200  }
0x2d: {  	[sflag:s9] =	ssyncset.done $0x0  }
0x2e: {  	[sflag:s9] =	ssyncadd.s32 $0xFFFFFE00  }
0x2f: {  	_ =	sfence.sel $0x180000  }
0x30: {  	[bflag:$0x0] =	sbarrier.arrive $0xFFFF  }
0x31: {  	p0 =	sne.s32 s2, $0x0;
	_ =	strace $0x90000047  }
0x32: {  	s0 =	sadd.s32 @!p0 $0x100000, s0;
	[bflag:$0x2] =	sbarrier.arrive $0xFFFF  }
0x33: {  	[sflag:s0] =	ssyncadd.tile.s32 @!p0 $0x1;
	_ =	shalt  }
.Lfunc_end2:
_tile_overlayer_lowered:
.L_overlay_start_2:
0x34: {  	(tag) =	ssettag $0x2  }
0x35: {  	s0 =	rddreg [dreg:$0x0];
	s2 =	stileid.u32  }
0x36: {  	s1 =	rddreg [dreg:$0x1];
	p0 =	sne.s32 s2, $0x0  }
0x37: {  	s3 =	rddreg [dreg:$0x2];
	[bflag:$0x3] =	sbarrier.arrive $0xFFFF;
	s2 =	simm.s32 @!p0 $0x1C03  }
0x38: {  	[timem:s3], [sflag:s2] =	dma.local @!p0 [hbm:s0], s1  }
0x39: {  	s0 =	simm.s32 @!p0 $0x3  }
0x3a: {  	_ =	swait.ge @!p0 [sflag:s0], s1  }
0x3b: {  	s1 =	ssub.s32 @!p0 $0x0, s1;
	[sflag:s0] =	ssyncset.done @!p0 $0x0  }
0x3c: {  	[sflag:s0] =	ssyncadd.s32 @!p0 s1  }
0x3d: {  	[bflag:$0x3] =	sbarrier.arrive $0xFFFF  }
0x3e: {  	_ =	shalt  }

// kernel: _run.7.cloned.1.call-start
scs
__scs_entry_jumppad:
0x0: {  	(pc) =	sbr.rel $0x88, $3  }
0x1: {  	(tag) =	ssettag $0x0;
	lr =	simm.s32 $0x1  }
0x2: {  	[smem:$0x3F9B] =	sst lr;
	_ =	strace $0xD0000000  }
0x3: {  	_ = 	snop  }
0x4: {  	_ = 	snop  }
0x5: {  	_ = 	snop  }
0x6: {  	_ = 	snop  }
0x7: {  	_ = 	snop  }
__scs_overlays_trampoline_lowered:
0x8: {  	[smem:$0x3FAA] =	sst s0  }
0x9: {  	[smem:$0x3FAB] =	sst s1  }
0xa: {  	[smem:$0x3FAC] =	sst s2  }
0xb: {  	[smem:$0x3FAD] =	sst s3  }
0xc: {  	[smem:$0x3FAE] =	sst s4  }
0xd: {  	[smem:$0x3FAF] =	sst s5  }
0xe: {  	[smem:$0x3FB0] =	sst s6  }
0xf: {  	[smem:$0x3FB1] =	sst s7  }
0x10: {  	[smem:$0x3FB2] =	sst s8  }
0x11: {  	[smem:$0x3FB3] =	sst s9;
	s0 =	simm.s32 @!p0 $0x0  }
0x12: {  	s1 =	sld [smem:$0x3F99];
	s0 =	simm.s32 @p0 $0x1  }
0x13: {  	[smem:$0x3FB4] =	sst s0;
	s0 =	simm.s32 @!p1 $0x0  }
0x14: {  	s2 =	sld [smem:$0x3F98];
	s0 =	simm.s32 @p1 $0x1  }
0x15: {  	[smem:$0x3FB5] =	sst s0;
	s0 =	simm.s32 @!p2 $0x0  }
0x16: {  	s3 =	sld [smem:$0x3FDB];
	s0 =	simm.s32 @p2 $0x1  }
0x17: {  	s4 =	simm.s32 $0x1BF5;
	[smem:$0x3FB7] =	sst s0  }
0x18: {  	s0 =	sld [smem:$0x3F9A];
	_ =	swait.ge [sflag:s4], $0x0  }
0x19: {  	s7 =	sld [smem:$0x3F9B]  }
0x1a: {  	s8 =	sadd.s32 $0xFFFFE003, lr  }
0x1b: {  	s9 =	sadd.s32 $0xFFFFFEF7, lr;
	s5 =	simm.s32 $0xFFFFFFFF;
	p2 =	slt.u32 s8, $0xFFFFF086  }
0x1c: {  	p1 =	slt.u32 s9, $0xF7A;
	s5 =	simm.s32 @!p2 $0x0  }
0x1d: {  	s5 =	simm.s32 @p1 $0x1;
	p0 =	seq.s32 s7, s2  }
0x1e: {  	s7 =	smul.u32 @!p0 $0xF7A, s2;
	p2 =	seq.s32 @!p0 s5, $0x0  }
0x1f: {  	s9 =	smul.u32 $0xF7A, s1;
	s8 =	simm.s32 @!p0 $0x1BF5;
	p2 =	por !p2, p0  }
0x20: {  	[sflag:s8] =	ssyncset.s32 @!p0 $0xFFFFF086;
	s6 =	sadd.s32 @!p0 s3, s7;
	s7 =	simm.s32 @!p0 $0x108  }
0x21: {  	s3 =	sadd.s32 s3, s9;
	s6 =	sadd.s32 @!p0 $0x88, s6;
	s7 =	simm.s32 @p2 $0x1082  }
0x22: {  	[simem:s7], [sflag:s8] =	dma.local @!p0 [hbm:s6], $0xF7A  }
0x23: {  	s9 =	sor.u32 $0xD0000000, s2;
	s6 =	simm.s32 $0x108;
	_ =	swait.ge @!p0 [sflag:s8], $0x0  }
0x24: {  	s3 =	sadd.s32 $0x88, s3;
	s6 =	simm.s32 @!p1 $0x1082;
	[sflag:s4] =	ssyncset.s32 $0xFFFFF086  }
0x25: {  	[simem:s6], [sflag:s4] =	dma.local [hbm:s3], $0xF7A  }
0x26: {  	[smem:$0x3F9B] =	sst s1;
	(tag) =	ssettag s2;
	_ =	strace s9  }
0x27: {  	s1 =	sld [smem:$0x3FAB]  }
0x28: {  	s2 =	sld [smem:$0x3FAC]  }
0x29: {  	s4 =	sld [smem:$0x3FAE]  }
0x2a: {  	p0 =	seq.s32 s5, $0x0;
	s5 =	sld [smem:$0x3FAF]  }
0x2b: {  	s6 =	sld [smem:$0x3FB0]  }
0x2c: {  	s7 =	sld [smem:$0x3FB1]  }
0x2d: {  	s3 =	simm.s32 $0x108;
	s8 =	sld [smem:$0x3FB2]  }
0x2e: {  	s3 =	simm.s32 @!p0 $0x1082;
	s9 =	sld [smem:$0x3FB3]  }
0x2f: {  	lr =	sadd.s32 s0, s3;
	s0 =	sld [smem:$0x3FAA]  }
0x30: {  	s3 =	sld [smem:$0x3FAD]  }
0x31: {  	[smem:$0x3FB6] =	sst s10  }
0x32: {  	s10 =	sld [smem:$0x3FB4];
	_ =	sdelay $0x3  }
0x33: {  	p0 =	seq.s32 s10, $0x1;
	s10 =	sld [smem:$0x3FB6];
	_ =	sdelay $0x3  }
0x34: {  	[smem:$0x3FB6] =	sst s10  }
0x35: {  	s10 =	sld [smem:$0x3FB5];
	_ =	sdelay $0x3  }
0x36: {  	p1 =	seq.s32 s10, $0x1;
	s10 =	sld [smem:$0x3FB6];
	_ =	sdelay $0x3  }
0x37: {  	[smem:$0x3FB6] =	sst s10  }
0x38: {  	s10 =	sld [smem:$0x3FB7]  }
0x39: {  	_ = 	snop;
	(pc) =	sbr.ind lr, $3  }
0x3a: {  	_ = 	snop  }
0x3b: {  	_ = 	snop  }
0x3c: {  	p2 =	seq.s32 s10, $0x1;
	s10 =	sld [smem:$0x3FB6]  }
0x3d: {  	_ =	shalt  }
0x3e: {  	_ =	shalt  }
0x3f: {  	_ =	shalt  }
0x40: {  	_ =	shalt  }
0x41: {  	_ =	shalt  }
0x42: {  	_ =	shalt  }
0x43: {  	_ =	shalt  }
0x44: {  	_ =	shalt  }
0x45: {  	_ =	shalt  }
0x46: {  	_ =	shalt  }
0x47: {  	_ =	shalt  }
0x48: {  	_ =	shalt  }
0x49: {  	_ =	shalt  }
0x4a: {  	_ =	shalt  }
0x4b: {  	_ =	shalt  }
0x4c: {  	_ =	shalt  }
0x4d: {  	_ =	shalt  }
0x4e: {  	_ =	shalt  }
0x4f: {  	_ =	shalt  }
0x50: {  	_ =	shalt  }
0x51: {  	_ =	shalt  }
0x52: {  	_ =	shalt  }
0x53: {  	_ =	shalt  }
0x54: {  	_ =	shalt  }
0x55: {  	_ =	shalt  }
0x56: {  	_ =	shalt  }
0x57: {  	_ =	shalt  }
0x58: {  	_ =	shalt  }
0x59: {  	_ =	shalt  }
0x5a: {  	_ =	shalt  }
0x5b: {  	_ =	shalt  }
0x5c: {  	_ =	shalt  }
0x5d: {  	_ =	shalt  }
0x5e: {  	_ =	shalt  }
0x5f: {  	_ =	shalt  }
0x60: {  	_ =	shalt  }
0x61: {  	_ =	shalt  }
0x62: {  	_ =	shalt  }
0x63: {  	_ =	shalt  }
0x64: {  	_ =	shalt  }
0x65: {  	_ =	shalt  }
0x66: {  	_ =	shalt  }
0x67: {  	_ =	shalt  }
0x68: {  	_ =	shalt  }
0x69: {  	_ =	shalt  }
0x6a: {  	_ =	shalt  }
0x6b: {  	_ =	shalt  }
0x6c: {  	_ =	shalt  }
0x6d: {  	_ =	shalt  }
0x6e: {  	_ =	shalt  }
0x6f: {  	_ =	shalt  }
0x70: {  	_ =	shalt  }
0x71: {  	_ =	shalt  }
0x72: {  	_ =	shalt  }
0x73: {  	_ =	shalt  }
0x74: {  	_ =	shalt  }
0x75: {  	_ =	shalt  }
0x76: {  	_ =	shalt  }
0x77: {  	_ =	shalt  }
0x78: {  	_ =	shalt  }
0x79: {  	_ =	shalt  }
0x7a: {  	_ =	shalt  }
0x7b: {  	_ =	shalt  }
0x7c: {  	_ =	shalt  }
0x7d: {  	_ =	shalt  }
0x7e: {  	_ =	shalt  }
0x7f: {  	_ =	shalt  }
0x80: {  	_ =	shalt  }
0x81: {  	_ =	shalt  }
0x82: {  	_ =	shalt  }
0x83: {  	_ =	shalt  }
0x84: {  	_ =	shalt  }
0x85: {  	_ =	shalt  }
0x86: {  	_ =	shalt  }
0x87: {  	_ =	shalt  }
.Lfunc_end0:
.L_simem_size_0:
called_computation.1_lowered:
.L_overlay_start_0:
0x88: {  	s2 =	sld [smem:$0x3FD9]  }
0x89: {  	s3 =	sld [smem:$0x3FFE];
	_ =	sdelay $0x1  }
0x8a: {  	s1 =	srdreg.scid  }
0x8b: {  	s0 =	sand.u32 $0x1, s1  }
0x8c: {  	s17 =	sshll.u32 s0, $0xA;
	s2 =	sadd.s32 s3, s2  }
0x8d: {  	s2 =	sadd.s32 s2, s17  }
0x8e: {  	[smem:$0x3FC2] =	sst s2  }
0x8f: {  	_ = 	snop  }
0x90: {  	s2 =	sld [smem:$0x3FC9]  }
0x91: {  	s18 =	sld [smem:$0x3FC8]  }
0x92: {  	s4 =	sld [smem:$0x3FD0];
	(tm) =	ssettm $0x1  }
0x93: {  	s5 =	sld [smem:$0x3FFB];
	_ =	sdelay $0x3  }
0x94: {  	_ =	strace s5  }
0x95: {  	s5 =	sld [smem:$0x3FFC];
	_ =	sdelay $0x3  }
0x96: {  	_ =	strace s5  }
0x97: {  	s5 =	sld [smem:$0x3FFD];
	_ =	sdelay $0x3  }
0x98: {  	_ =	strace s5  }
0x99: {  	_ =	strace $0x8FFFFFFF  }
0x9a: {  	s19 =	sld [smem:$0x3FDB];
	_ =	sdelay $0x1  }
0x9b: {  	s6 =	simm.s32 $_scs_section_size  }
0x9c: {  	s7 =	simm.s32 $_size__tile_overlayer_lowered;
	s8 =	simm.s32 $_tile_overlayer_lowered  }
0x9d: {  	s22 =	simm.s32 $0x1BFF;
	s21 =	sshll.u32 s8, $0x1;
	s5 =	sadd.s32 s6, s19  }
0x9e: {  	s9 =	simm.s32 $0x0;
	s20 =	sshll.u32 s7, $0x1;
	s7 =	sadd.s32 s21, s5  }
0x9f: {  	[timem:s9], [sflag:s22] =	dma.local [hbm:s7], s20  }
0xa0: {  	_ =	swait.ge [sflag:s22], s20  }
0xa1: {  	s6 =	ssub.s32 $0x0, s20;
	[sflag:s22] =	ssyncset.done $0x0  }
0xa2: {  	[sflag:s22] =	ssyncadd.s32 s6;
	_ =	sdelay $0x1  }
0xa3: {  	s23 =	simm.s32 $0x1B8B  }
0xa4: {  	_ =	swait.ge [sflag:s23], $0x1  }
0xa5: {  	[sflag:s23] =	ssyncset.done $0x0  }
0xa6: {  	s25 =	simm.s32 $0x1B8E;
	s24 =	sld [smem:$0x3FFE];
	[sflag:s23] =	ssyncadd.s32 $0xFFFFFFFF  }
0xa7: {  	s26 =	simm.s32 $execute0_lowered;
	[smem:$0x3FD2] =	sst s25  }
0xa8: {  	s7 =	sshll.u32 s26, $0x1;
	_ =	strace $0x80000049;
	[dreg:$0x1] =	wrdreg $0xFFFFFFFF  }
0xa9: {  	s28 =	simm.s32 $_size_execute0_lowered;
	s5 =	sadd.s32 s5, s7;
	[dreg:$0x0] =	wrdreg $0x0  }
0xaa: {  	s7 =	sshll.u32 s28, $0x1;
	[dreg:$0x2] =	wrdreg s5  }
0xab: {  	[dreg:$0x3] =	wrdreg s7  }
0xac: {  	[dreg:$0x4] =	wrdreg $0xC0  }
0xad: {  	_ =	task [dreg:s9], $0x5FFFF  }
0xae: {  	[dreg:$0x1] =	wrdreg $0xFFFFFFFF  }
0xaf: {  	[dreg:$0x0] =	wrdreg $0x60  }
0xb0: {  	[dreg:$0x2] =	wrdreg s24  }
0xb1: {  	[dreg:$0x3] =	wrdreg s2  }
0xb2: {  	[dreg:$0x4] =	wrdreg s18  }
0xb3: {  	[dreg:$0x5] =	wrdreg s4  }
0xb4: {  	[dreg:$0x6] =	wrdreg $0x9  }
0xb5: {  	_ =	task.clear_ibuf [dreg:s9], $0x7FFFF;
	_ =	strace $0x90000049  }
0xb6: {  	s29 =	simm.s32 $0x9;
	_ =	strace $0x8000004B  }
0xb7: {  	_ =	swait.ge [sflag:s29], $0x1  }
0xb8: {  	[sflag:s29] =	ssyncadd.s32 $0xFFFFFFFF  }
0xb9: {  	_ =	strace $0x9000004B  }
0xba: {  	_ =	sfence  }
0xbb: {  	s30 =	sld [smem:$0x0];
	_ =	sdelay $0x2  }
0xbc: {  	s31 =	sshll.u32 s1, $0xD;
	s1 =	sshrl.u32 s1, $0x2  }
0xbd: {  	s3 =	sand.u32 $0x4000, s31;
	s1 =	sadd.s32 s1, s30  }
0xbe: {  	s0 =	sor.u32 s3, s0;
	s1 =	sshll.u32 s1, $0x11  }
0xbf: {  	s0 =	sor.u32 s1, s0  }
0xc0: {  	s0 =	sadd.s32 $0x8F2B, s0  }
0xc1: {  	[sflag:s0] =	ssyncadd.remote.s32 $0x1  }
0xc2: {  	_ =	sfence.sel $0xFFFF  }
0xc3: {  	[dreg:$0x0] =	wrdreg $0xFFFFFFFF;
	(pc) =	sbr.abs _section_cstart, $3  }
0xc4: {  	[dreg:$0x1] =	wrdreg $0xFFFFFFFF  }
0xc5: {  	_ =	task.clear_ibuf [dreg:s9], $0x2FFFF;
	_ =	strace $0x9FFFFFFF  }
0xc6: {  	(tm) =	ssettm $0x7FFFFFFF  }
0xc7: {  	_ =	shalt  }
tec
execute0_lowered:
.L_overlay_start_1:
0x0: {  	(tag) =	ssettag $0x1  }
0x1: {  	s7 =	rddreg [dreg:$0x0]  }
0x2: {  	s5 =	rddreg [dreg:$0x1]  }
0x3: {  	s6 =	rddreg [dreg:$0x2]  }
0x4: {  	s8 =	rddreg [dreg:$0x3]  }
0x5: {  	s0 =	rddreg [dreg:$0x4];
	s1 =	simm.s32 $0x0  }
0x6: {  	s2 =	simm.s32 $0x400;
	[smem:$0x7FF] =	sst s1  }
0x7: {  	s28 =	simm.s32 $0xC00;
	_ =	strace $0x8000004A;
	[dreg:$0x5] =	wrdreg s2  }
0x8: {  	s29 =	simm.s32 $0x480;
	[dreg:$0x6] =	wrdreg s28  }
0x9: {  	s30 =	simm.s32 $0xC80;
	[dreg:$0x7] =	wrdreg s29  }
0xa: {  	s31 =	simm.s32 $0x500;
	[dreg:$0x8] =	wrdreg s30  }
0xb: {  	s3 =	simm.s32 $0xD00;
	[dreg:$0x9] =	wrdreg s31  }
0xc: {  	s4 =	simm.s32 $0x580;
	[dreg:$0xa] =	wrdreg s3  }
0xd: {  	s9 =	simm.s32 $0xD80;
	[dreg:$0xb] =	wrdreg s4  }
0xe: {  	s10 =	simm.s32 $0x600;
	[dreg:$0xc] =	wrdreg s9  }
0xf: {  	s11 =	simm.s32 $0xE00;
	[dreg:$0xd] =	wrdreg s10  }
0x10: {  	s12 =	simm.s32 $0x680;
	[dreg:$0xe] =	wrdreg s11  }
0x11: {  	s13 =	simm.s32 $0xE80;
	[dreg:$0xf] =	wrdreg s12  }
0x12: {  	s14 =	simm.s32 $0x780;
	[dreg:$0x10] =	wrdreg s13  }
0x13: {  	s15 =	simm.s32 $0x800;
	[dreg:$0x13] =	wrdreg s14  }
0x14: {  	s16 =	simm.s32 $0x1000;
	[dreg:$0x15] =	wrdreg s15  }
0x15: {  	s17 =	simm.s32 $0x880;
	[dreg:$0x16] =	wrdreg s16  }
0x16: {  	s18 =	simm.s32 $0x1080;
	[dreg:$0x17] =	wrdreg s17  }
0x17: {  	s19 =	simm.s32 $0x900;
	[dreg:$0x18] =	wrdreg s18  }
0x18: {  	s20 =	simm.s32 $0x1100;
	[dreg:$0x19] =	wrdreg s19  }
0x19: {  	s21 =	simm.s32 $0x980;
	[dreg:$0x1a] =	wrdreg s20  }
0x1a: {  	s23 =	simm.s32 $0x1180;
	[dreg:$0x1b] =	wrdreg s21  }
0x1b: {  	s24 =	simm.s32 $0xA00;
	[dreg:$0x1c] =	wrdreg s23  }
0x1c: {  	s25 =	simm.s32 $0x1200;
	[dreg:$0x1d] =	wrdreg s24  }
0x1d: {  	s26 =	simm.s32 $0xA80;
	[dreg:$0x1e] =	wrdreg s25  }
0x1e: {  	s3 =	simm.s32 $0x700;
	[dreg:$0x1f] =	wrdreg s26  }
0x1f: {  	s2 =	sadd.s32 $0x1A8E00, s7;
	s4 =	simm.s32 $0xF00;
	[dreg:$0x11] =	wrdreg s3  }
0x20: {  	s9 =	srdreg.scid;
	s10 =	simm.s32 $0xF80;
	[dreg:$0x12] =	wrdreg s4  }
0x21: {  	s28 =	simm.s32 $0x1280;
	s29 =	simm.s32 $0xB00;
	[dreg:$0x14] =	wrdreg s10  }
0x22: {  	s30 =	simm.s32 $0x1300;
	s31 =	simm.s32 $0xB80;
	[smem:$0x7F9] =	sst s28  }
0x23: {  	s13 =	simm.s32 $0x1380;
	s14 =	simm.s32 $0x2;
	[smem:$0x7FA] =	sst s29  }
0x24: {  	s15 =	simm.s32 $0x1600;
	s16 =	simm.s32 $0x0;
	[smem:$0x7FB] =	sst s30  }
0x25: {  	s3 =	sadd.s32 $0x22400, s7;
	s4 =	stileid.u32;
	[smem:$0x7FC] =	sst s31  }
0x26: {  	s9 =	sand.u32 $0x1, s9;
	s10 =	simm.s32 $0x3;
	[smem:$0x7FD] =	sst s13  }
0x27: {  	vm0 =	vmmov $0x1;
	vm1 =	vmmov $0x3;
	vm2 =	vmmov $0x7;
	s11 =	sshll.u32 s4, $0x7;
	s12 =	sshll.u32 s9, $0x6;
	s9 =	ssub.s32 $0x2, s9  }
0x28: {  	vm3 =	vmmov $0xf;
	vm4 =	vmmov $0x1f;
	vm5 =	vmmov $0x3f;
	s13 =	simm.s32 $0x1;
	s11 =	sor.u32 s12, s11;
	s22 =	sshrl.u32 s9, $0x1  }
0x29: {  	vm6 =	vmmov $0x7f;
	vm7 =	vmmov $0xff;
	vm8 =	vmmov $0x1ff;
	s12 =	simm.s32 $0x1400;
	s7 =	sadd.s32 s11, s7;
	s9 =	ssub.s32 s9, s22  }
0x2a: {  	vm9 =	vmmov $0x3ff;
	vm10 =	vmmov $0x7ff;
	vm11 =	vmmov $0xfff;
	s5 =	sadd.s32 s5, s11;
	s6 =	sadd.s32 s6, s11;
	s8 =	sadd.s32 s8, s11  }
0x2b: {  	vm12 =	vmmov $0x1fff;
	vm13 =	vmmov $0x3fff;
	vm14 =	vmmov $0x7fff;
	s11 =	simm.s32 $0x200;
	s7 =	sadd.s32 $0x21C00, s7;
	s9 =	smax.u32 s9, $0x1  }
.LBB2_1:
0x2c: {  	[tilespmem:s1], [sflag:$0x3] =	stream.linear.gather [hbm4b:s5+s1], $0x200, $0x38;
	[tilespmem:$0x1800] =	vst v63  }
0x2d: {  	_ =	swait.ge [sflag:s10], $0x200  }
0x2e: {  	[sflag:s10] =	ssyncset.done $0x0  }
0x2f: {  	[sflag:s10] =	ssyncadd.s32 $0xFFFFFE00  }
0x30: {  	[tilespmem:s11], [sflag:$0x3] =	stream.linear.gather [hbm4b:s6+s1], $0x200, $0x38;
	[tilespmem:$0x1800] =	vst v63  }
0x31: {  	_ =	swait.ge [sflag:s10], $0x200  }
0x32: {  	[sflag:s10] =	ssyncset.done $0x0  }
0x33: {  	[sflag:s10] =	ssyncadd.s32 $0xFFFFFE00  }
0x34: {  	[tilespmem:s12], [sflag:$0x3] =	stream.linear.gather [hbm4b:s7+s1], $0x200, $0x38;
	[tilespmem:$0x1800] =	vst v63  }
0x35: {  	_ =	swait.ge [sflag:s10], $0x200  }
0x36: {  	[sflag:s10] =	ssyncset.done $0x0  }
0x37: {  	s17 =	simm.s32 $0x0;
	[sflag:s10] =	ssyncadd.s32 $0xFFFFFE00  }
.LBB2_2:
0x38: {  	s18 =	sshra.s32 s17, $0x2  }
0x39: {  	v0 =	vld [tilespmem:s18+$0x0];
	_ =	sdelay $0x1  }
0x3a: {  	v2 =	vld [tilespmem:s18+$0x200];
	_ =	sdelay $0x2  }
0x3b: {  	v1 =	vshll.u32 v0, $0x4  }
0x3c: {  	(v2sf) =	vpush v1, $0x0  }
0x3d: {  	v52 =	vshll.u32 v2, $0x4  }
0x3e: {  	(v2sf) =	vpush v52, $0x0;
	_ =	sdelay $0x1  }
0x3f: {  	(v2sf) =	vpush v1, $0x1;
	_ =	sdelay $0x2  }
0x40: {  	(v2sf) =	vpush v52, $0x1;
	_ =	sdelay $0x7  }
0x41: {  	s19 =	spop (v2sf);
	(v2sf) =	vpush v1, $0x2;
	_ =	sdelay $0x1  }
0x42: {  	s30 =	spop (v2sf);
	(v2sf) =	vpush v52, $0x2;
	_ =	sdelay $0x1  }
0x43: {  	s21 =	spop (v2sf);
	(v2sf) =	vpush v1, $0x3;
	_ =	sdelay $0x2  }
0x44: {  	s23 =	spop (v2sf);
	(v2sf) =	vpush v52, $0x3;
	_ =	sdelay $0x4  }
0x45: {  	s19 =	sand.u32 $0x1FFFFFF0, s19  }
0x46: {  	s20 =	rddreg [dreg:$0x5];
	s19 =	sadd.s32 s2, s19  }
0x47: {  	[tilespmem:s20], [sflag:$0x1] =	stream.linear.gather [hbm4b:s19+s1], $0x80, $0x38;
	[tilespmem:$0x1800] =	vst v63  }
0x48: {  	s25 =	spop (v2sf);
	(v2sf) =	vpush v1, $0x4  }
0x49: {  	s19 =	sand.u32 $0x1FFFFFF0, s30  }
0x4a: {  	s31 =	rddreg [dreg:$0x6];
	s19 =	sadd.s32 s3, s19;
	s28 =	spop (v2sf);
	(v2sf) =	vpush v52, $0x4  }
0x4b: {  	[tilespmem:s31], [sflag:$0x2] =	stream.linear.gather [hbm4b:s19+s1], $0x80, $0x38;
	[tilespmem:$0x1800] =	vst v63  }
0x4c: {  	s19 =	sand.u32 $0x1FFFFFF0, s21;
	s30 =	spop (v2sf);
	(v2sf) =	vpush v1, $0x5  }
0x4d: {  	s22 =	rddreg [dreg:$0x7];
	s19 =	sadd.s32 s2, s19  }
0x4e: {  	[tilespmem:s22], [sflag:$0x1] =	stream.linear.gather [hbm4b:s19+s1], $0x80, $0x38;
	[tilespmem:$0x1800] =	vst v63  }
0x4f: {  	s21 =	spop (v2sf);
	(v2sf) =	vpush v52, $0x5  }
0x50: {  	s19 =	sand.u32 $0x1FFFFFF0, s23  }
0x51: {  	s24 =	rddreg [dreg:$0x8];
	s19 =	sadd.s32 s3, s19  }
0x52: {  	[tilespmem:s24], [sflag:$0x2] =	stream.linear.gather [hbm4b:s19+s1], $0x80, $0x38;
	[tilespmem:$0x1800] =	vst v63  }
0x53: {  	s19 =	sand.u32 $0x1FFFFFF0, s25  }
0x54: {  	s26 =	rddreg [dreg:$0x9];
	s19 =	sadd.s32 s2, s19  }
0x55: {  	[tilespmem:s26], [sflag:$0x1] =	stream.linear.gather [hbm4b:s19+s1], $0x80, $0x38;
	[tilespmem:$0x1800] =	vst v63  }
0x56: {  	s19 =	sand.u32 $0x1FFFFFF0, s28  }
0x57: {  	s29 =	rddreg [dreg:$0xa];
	s19 =	sadd.s32 s3, s19;
	s23 =	spop (v2sf);
	(v2sf) =	vpush v1, $0x6  }
0x58: {  	[tilespmem:s29], [sflag:$0x2] =	stream.linear.gather [hbm4b:s19+s1], $0x80, $0x38;
	[tilespmem:$0x1800] =	vst v63  }
0x59: {  	s25 =	spop (v2sf);
	(v2sf) =	vpush v52, $0x6  }
0x5a: {  	s19 =	sand.u32 $0x1FFFFFF0, s30  }
0x5b: {  	s31 =	rddreg [dreg:$0xb];
	s19 =	sadd.s32 s2, s19;
	s28 =	spop (v2sf);
	(v2sf) =	vpush v1, $0x7  }
0x5c: {  	[tilespmem:s31], [sflag:$0x1] =	stream.linear.gather [hbm4b:s19+s1], $0x80, $0x38;
	[tilespmem:$0x1800] =	vst v63  }
0x5d: {  	s19 =	sand.u32 $0x1FFFFFF0, s21  }
0x5e: {  	s22 =	rddreg [dreg:$0xc];
	s19 =	sadd.s32 s3, s19;
	s30 =	spop (v2sf);
	(v2sf) =	vpush v52, $0x7  }
0x5f: {  	[tilespmem:s22], [sflag:$0x2] =	stream.linear.gather [hbm4b:s19+s1], $0x80, $0x38;
	[tilespmem:$0x1800] =	vst v63  }
0x60: {  	s19 =	sand.u32 $0x1FFFFFF0, s23  }
0x61: {  	s24 =	rddreg [dreg:$0xd];
	s19 =	sadd.s32 s2, s19  }
0x62: {  	[tilespmem:s24], [sflag:$0x1] =	stream.linear.gather [hbm4b:s19+s1], $0x80, $0x38;
	[tilespmem:$0x1800] =	vst v63  }
0x63: {  	s19 =	sand.u32 $0x1FFFFFF0, s25  }
0x64: {  	s26 =	rddreg [dreg:$0xe];
	s19 =	sadd.s32 s3, s19  }
0x65: {  	[tilespmem:s26], [sflag:$0x2] =	stream.linear.gather [hbm4b:s19+s1], $0x80, $0x38;
	[tilespmem:$0x1800] =	vst v63  }
0x66: {  	s21 =	spop (v2sf);
	(v2sf) =	vpush v1, $0x8  }
0x67: {  	s19 =	sand.u32 $0x1FFFFFF0, s28  }
0x68: {  	s29 =	rddreg [dreg:$0xf];
	s19 =	sadd.s32 s2, s19;
	s23 =	spop (v2sf);
	(v2sf) =	vpush v52, $0x8  }
0x69: {  	[tilespmem:s29], [sflag:$0x1] =	stream.linear.gather [hbm4b:s19+s1], $0x80, $0x38;
	[tilespmem:$0x1800] =	vst v63  }
0x6a: {  	s19 =	sand.u32 $0x1FFFFFF0, s30;
	s25 =	spop (v2sf);
	(v2sf) =	vpush v1, $0x9  }
0x6b: {  	s31 =	rddreg [dreg:$0x10];
	s19 =	sadd.s32 s3, s19  }
0x6c: {  	[tilespmem:s31], [sflag:$0x2] =	stream.linear.gather [hbm4b:s19+s1], $0x80, $0x38;
	[tilespmem:$0x1800] =	vst v63  }
0x6d: {  	s28 =	spop (v2sf);
	(v2sf) =	vpush v52, $0x9  }
0x6e: {  	s19 =	sand.u32 $0x1FFFFFF0, s21  }
0x6f: {  	s22 =	rddreg [dreg:$0x11];
	s19 =	sadd.s32 s2, s19  }
0x70: {  	[tilespmem:s22], [sflag:$0x1] =	stream.linear.gather [hbm4b:s19+s1], $0x80, $0x38;
	[tilespmem:$0x1800] =	vst v63  }
0x71: {  	s19 =	sand.u32 $0x1FFFFFF0, s23  }
0x72: {  	s24 =	rddreg [dreg:$0x12];
	s19 =	sadd.s32 s3, s19  }
0x73: {  	[tilespmem:s24], [sflag:$0x2] =	stream.linear.gather [hbm4b:s19+s1], $0x80, $0x38;
	[tilespmem:$0x1800] =	vst v63  }
0x74: {  	s19 =	sand.u32 $0x1FFFFFF0, s25  }
0x75: {  	s26 =	rddreg [dreg:$0x13];
	s19 =	sadd.s32 s2, s19;
	s30 =	spop (v2sf);
	(v2sf) =	vpush v1, $0xA  }
0x76: {  	[tilespmem:s26], [sflag:$0x1] =	stream.linear.gather [hbm4b:s19+s1], $0x80, $0x38;
	[tilespmem:$0x1800] =	vst v63  }
0x77: {  	s21 =	spop (v2sf);
	(v2sf) =	vpush v52, $0xA  }
0x78: {  	s19 =	sand.u32 $0x1FFFFFF0, s28  }
0x79: {  	s29 =	rddreg [dreg:$0x14];
	s19 =	sadd.s32 s3, s19;
	s23 =	spop (v2sf);
	(v2sf) =	vpush v1, $0xB  }
0x7a: {  	[tilespmem:s29], [sflag:$0x2] =	stream.linear.gather [hbm4b:s19+s1], $0x80, $0x38;
	[tilespmem:$0x1800] =	vst v63  }
0x7b: {  	s19 =	sand.u32 $0x1FFFFFF0, s30  }
0x7c: {  	s31 =	rddreg [dreg:$0x15];
	s19 =	sadd.s32 s2, s19;
	s25 =	spop (v2sf);
	(v2sf) =	vpush v52, $0xB  }
0x7d: {  	[tilespmem:s31], [sflag:$0x1] =	stream.linear.gather [hbm4b:s19+s1], $0x80, $0x38;
	[tilespmem:$0x1800] =	vst v63  }
0x7e: {  	s19 =	sand.u32 $0x1FFFFFF0, s21  }
0x7f: {  	s22 =	rddreg [dreg:$0x16];
	s19 =	sadd.s32 s3, s19  }
0x80: {  	[tilespmem:s22], [sflag:$0x2] =	stream.linear.gather [hbm4b:s19+s1], $0x80, $0x38;
	[tilespmem:$0x1800] =	vst v63  }
0x81: {  	s19 =	sand.u32 $0x1FFFFFF0, s23  }
0x82: {  	s24 =	rddreg [dreg:$0x17];
	s19 =	sadd.s32 s2, s19  }
0x83: {  	[tilespmem:s24], [sflag:$0x1] =	stream.linear.gather [hbm4b:s19+s1], $0x80, $0x38;
	[tilespmem:$0x1800] =	vst v63  }
0x84: {  	s28 =	spop (v2sf);
	(v2sf) =	vpush v1, $0xC  }
0x85: {  	s19 =	sand.u32 $0x1FFFFFF0, s25  }
0x86: {  	s26 =	rddreg [dreg:$0x18];
	s19 =	sadd.s32 s3, s19;
	s30 =	spop (v2sf);
	(v2sf) =	vpush v52, $0xC  }
0x87: {  	[tilespmem:s26], [sflag:$0x2] =	stream.linear.gather [hbm4b:s19+s1], $0x80, $0x38;
	[tilespmem:$0x1800] =	vst v63  }
0x88: {  	s19 =	sand.u32 $0x1FFFFFF0, s28;
	s21 =	spop (v2sf);
	(v2sf) =	vpush v1, $0xD  }
0x89: {  	s29 =	rddreg [dreg:$0x19];
	s19 =	sadd.s32 s2, s19  }
0x8a: {  	[tilespmem:s29], [sflag:$0x1] =	stream.linear.gather [hbm4b:s19+s1], $0x80, $0x38;
	[tilespmem:$0x1800] =	vst v63  }
0x8b: {  	s23 =	spop (v2sf);
	(v2sf) =	vpush v52, $0xD  }
0x8c: {  	s19 =	sand.u32 $0x1FFFFFF0, s30  }
0x8d: {  	s31 =	rddreg [dreg:$0x1a];
	s19 =	sadd.s32 s3, s19  }
0x8e: {  	[tilespmem:s31], [sflag:$0x2] =	stream.linear.gather [hbm4b:s19+s1], $0x80, $0x38;
	[tilespmem:$0x1800] =	vst v63  }
0x8f: {  	s19 =	sand.u32 $0x1FFFFFF0, s21  }
0x90: {  	s22 =	rddreg [dreg:$0x1b];
	s19 =	sadd.s32 s2, s19  }
0x91: {  	[tilespmem:s22], [sflag:$0x1] =	stream.linear.gather [hbm4b:s19+s1], $0x80, $0x38;
	[tilespmem:$0x1800] =	vst v63  }
0x92: {  	s19 =	sand.u32 $0x1FFFFFF0, s23  }
0x93: {  	s24 =	rddreg [dreg:$0x1c];
	s19 =	sadd.s32 s3, s19;
	s25 =	spop (v2sf);
	(v2sf) =	vpush v1, $0xE  }
0x94: {  	[tilespmem:s24], [sflag:$0x2] =	stream.linear.gather [hbm4b:s19+s1], $0x80, $0x38;
	[tilespmem:$0x1800] =	vst v63  }
0x95: {  	s28 =	spop (v2sf);
	(v2sf) =	vpush v52, $0xE  }
0x96: {  	s19 =	sand.u32 $0x1FFFFFF0, s25  }
0x97: {  	s26 =	rddreg [dreg:$0x1d];
	s19 =	sadd.s32 s2, s19;
	s30 =	spop (v2sf)  }
0x98: {  	(v2sf) =	vpush v1, $0xF;
	[tilespmem:s26], [sflag:$0x1] =	stream.linear.gather [hbm4b:s19+s1], $0x80, $0x38;
	[tilespmem:$0x1800] =	vst v63  }
0x99: {  	s19 =	sand.u32 $0x1FFFFFF0, s28  }
0x9a: {  	s29 =	rddreg [dreg:$0x1e];
	s21 =	spop (v2sf);
	s19 =	sadd.s32 s3, s19  }
0x9b: {  	(v2sf) =	vpush v52, $0xF;
	[tilespmem:s29], [sflag:$0x2] =	stream.linear.gather [hbm4b:s19+s1], $0x80, $0x38;
	[tilespmem:$0x1800] =	vst v63  }
0x9c: {  	s31 =	rddreg [dreg:$0x1f];
	s19 =	sand.u32 $0x1FFFFFF0, s30  }
0x9d: {  	s22 =	sld [smem:$0x7F9];
	s19 =	sadd.s32 s2, s19  }
0x9e: {  	[tilespmem:s31], [sflag:$0x1] =	stream.linear.gather [hbm4b:s19+s1], $0x80, $0x38;
	[tilespmem:$0x1800] =	vst v63  }
0x9f: {  	s19 =	sand.u32 $0x1FFFFFF0, s21  }
0xa0: {  	s19 =	sadd.s32 s3, s19  }
0xa1: {  	[tilespmem:s22], [sflag:$0x2] =	stream.linear.gather [hbm4b:s19+s1], $0x80, $0x38;
	[tilespmem:$0x1800] =	vst v63  }
0xa2: {  	s24 =	sld [smem:$0x7FA];
	s23 =	spop (v2sf)  }
0xa3: {  	s19 =	sand.u32 $0x1FFFFFF0, s23  }
0xa4: {  	s26 =	sld [smem:$0x7FB];
	s25 =	spop (v2sf);
	s19 =	sadd.s32 s2, s19  }
0xa5: {  	[tilespmem:s24], [sflag:$0x1] =	stream.linear.gather [hbm4b:s19+s1], $0x80, $0x38;
	[tilespmem:$0x1800] =	vst v63  }
0xa6: {  	s19 =	sand.u32 $0x1FFFFFF0, s25  }
0xa7: {  	s29 =	sld [smem:$0x7FC];
	s28 =	spop (v2sf);
	s19 =	sadd.s32 s3, s19  }
0xa8: {  	[tilespmem:s26], [sflag:$0x2] =	stream.linear.gather [hbm4b:s19+s1], $0x80, $0x38;
	[tilespmem:$0x1800] =	vst v63  }
0xa9: {  	s19 =	sand.u32 $0x1FFFFFF0, s28  }
0xaa: {  	s31 =	sld [smem:$0x7FD];
	s30 =	spop (v2sf);
	s19 =	sadd.s32 s2, s19  }
0xab: {  	[tilespmem:s29], [sflag:$0x1] =	stream.linear.gather [hbm4b:s19+s1], $0x80, $0x38;
	[tilespmem:$0x1800] =	vst v63  }
0xac: {  	s19 =	sand.u32 $0x1FFFFFF0, s30  }
0xad: {  	s19 =	sadd.s32 s3, s19  }
0xae: {  	[tilespmem:s31], [sflag:$0x2] =	stream.linear.gather [hbm4b:s19+s1], $0x80, $0x38;
	[tilespmem:$0x1800] =	vst v63  }
0xaf: {  	_ =	swait.ge [sflag:s13], $0x80  }
0xb0: {  	[sflag:s13] =	ssyncset.done $0x0  }
0xb1: {  	[sflag:s13] =	ssyncadd.s32 $0xFFFFFF80  }
0xb2: {  	_ =	swait.ge [sflag:s14], $0x80  }
0xb3: {  	[sflag:s14] =	ssyncset.done $0x0  }
0xb4: {  	[sflag:s14] =	ssyncadd.s32 $0xFFFFFF80  }
0xb5: {  	_ =	swait.ge [sflag:s13], $0x80  }
0xb6: {  	[sflag:s13] =	ssyncset.done $0x0  }
0xb7: {  	[sflag:s13] =	ssyncadd.s32 $0xFFFFFF80  }
0xb8: {  	_ =	swait.ge [sflag:s14], $0x80  }
0xb9: {  	[sflag:s14] =	ssyncset.done $0x0  }
0xba: {  	[sflag:s14] =	ssyncadd.s32 $0xFFFFFF80  }
0xbb: {  	_ =	swait.ge [sflag:s13], $0x80  }
0xbc: {  	[sflag:s13] =	ssyncset.done $0x0  }
0xbd: {  	[sflag:s13] =	ssyncadd.s32 $0xFFFFFF80  }
0xbe: {  	_ =	swait.ge [sflag:s14], $0x80  }
0xbf: {  	[sflag:s14] =	ssyncset.done $0x0  }
0xc0: {  	[sflag:s14] =	ssyncadd.s32 $0xFFFFFF80  }
0xc1: {  	_ =	swait.ge [sflag:s13], $0x80  }
0xc2: {  	[sflag:s13] =	ssyncset.done $0x0  }
0xc3: {  	[sflag:s13] =	ssyncadd.s32 $0xFFFFFF80  }
0xc4: {  	_ =	swait.ge [sflag:s14], $0x80  }
0xc5: {  	[sflag:s14] =	ssyncset.done $0x0  }
0xc6: {  	[sflag:s14] =	ssyncadd.s32 $0xFFFFFF80  }
0xc7: {  	_ =	swait.ge [sflag:s13], $0x80  }
0xc8: {  	[sflag:s13] =	ssyncset.done $0x0  }
0xc9: {  	[sflag:s13] =	ssyncadd.s32 $0xFFFFFF80  }
0xca: {  	_ =	swait.ge [sflag:s14], $0x80  }
0xcb: {  	[sflag:s14] =	ssyncset.done $0x0  }
0xcc: {  	[sflag:s14] =	ssyncadd.s32 $0xFFFFFF80  }
0xcd: {  	_ =	swait.ge [sflag:s13], $0x80  }
0xce: {  	[sflag:s13] =	ssyncset.done $0x0  }
0xcf: {  	[sflag:s13] =	ssyncadd.s32 $0xFFFFFF80  }
0xd0: {  	_ =	swait.ge [sflag:s14], $0x80  }
0xd1: {  	[sflag:s14] =	ssyncset.done $0x0  }
0xd2: {  	[sflag:s14] =	ssyncadd.s32 $0xFFFFFF80  }
0xd3: {  	_ =	swait.ge [sflag:s13], $0x80  }
0xd4: {  	[sflag:s13] =	ssyncset.done $0x0  }
0xd5: {  	[sflag:s13] =	ssyncadd.s32 $0xFFFFFF80  }
0xd6: {  	_ =	swait.ge [sflag:s14], $0x80  }
0xd7: {  	[sflag:s14] =	ssyncset.done $0x0  }
0xd8: {  	[sflag:s14] =	ssyncadd.s32 $0xFFFFFF80  }
0xd9: {  	_ =	swait.ge [sflag:s13], $0x80  }
0xda: {  	[sflag:s13] =	ssyncset.done $0x0  }
0xdb: {  	[sflag:s13] =	ssyncadd.s32 $0xFFFFFF80  }
0xdc: {  	_ =	swait.ge [sflag:s14], $0x80  }
0xdd: {  	[sflag:s14] =	ssyncset.done $0x0  }
0xde: {  	[sflag:s14] =	ssyncadd.s32 $0xFFFFFF80  }
0xdf: {  	_ =	swait.ge [sflag:s13], $0x80  }
0xe0: {  	[sflag:s13] =	ssyncset.done $0x0  }
0xe1: {  	[sflag:s13] =	ssyncadd.s32 $0xFFFFFF80  }
0xe2: {  	_ =	swait.ge [sflag:s14], $0x80  }
0xe3: {  	[sflag:s14] =	ssyncset.done $0x0  }
0xe4: {  	[sflag:s14] =	ssyncadd.s32 $0xFFFFFF80  }
0xe5: {  	_ =	swait.ge [sflag:s13], $0x80  }
0xe6: {  	[sflag:s13] =	ssyncset.done $0x0  }
0xe7: {  	[sflag:s13] =	ssyncadd.s32 $0xFFFFFF80  }
0xe8: {  	_ =	swait.ge [sflag:s14], $0x80  }
0xe9: {  	[sflag:s14] =	ssyncset.done $0x0  }
0xea: {  	[sflag:s14] =	ssyncadd.s32 $0xFFFFFF80  }
0xeb: {  	_ =	swait.ge [sflag:s13], $0x80  }
0xec: {  	[sflag:s13] =	ssyncset.done $0x0  }
0xed: {  	[sflag:s13] =	ssyncadd.s32 $0xFFFFFF80  }
0xee: {  	_ =	swait.ge [sflag:s14], $0x80  }
0xef: {  	[sflag:s14] =	ssyncset.done $0x0  }
0xf0: {  	[sflag:s14] =	ssyncadd.s32 $0xFFFFFF80  }
0xf1: {  	_ =	swait.ge [sflag:s13], $0x80  }
0xf2: {  	[sflag:s13] =	ssyncset.done $0x0  }
0xf3: {  	[sflag:s13] =	ssyncadd.s32 $0xFFFFFF80  }
0xf4: {  	_ =	swait.ge [sflag:s14], $0x80  }
0xf5: {  	[sflag:s14] =	ssyncset.done $0x0  }
0xf6: {  	[sflag:s14] =	ssyncadd.s32 $0xFFFFFF80  }
0xf7: {  	_ =	swait.ge [sflag:s13], $0x80  }
0xf8: {  	[sflag:s13] =	ssyncset.done $0x0  }
0xf9: {  	[sflag:s13] =	ssyncadd.s32 $0xFFFFFF80  }
0xfa: {  	_ =	swait.ge [sflag:s14], $0x80  }
0xfb: {  	[sflag:s14] =	ssyncset.done $0x0  }
0xfc: {  	[sflag:s14] =	ssyncadd.s32 $0xFFFFFF80  }
0xfd: {  	_ =	swait.ge [sflag:s13], $0x80  }
0xfe: {  	[sflag:s13] =	ssyncset.done $0x0  }
0xff: {  	[sflag:s13] =	ssyncadd.s32 $0xFFFFFF80  }
0x100: {  	_ =	swait.ge [sflag:s14], $0x80  }
0x101: {  	[sflag:s14] =	ssyncset.done $0x0  }
0x102: {  	[sflag:s14] =	ssyncadd.s32 $0xFFFFFF80  }
0x103: {  	_ =	swait.ge [sflag:s13], $0x80  }
0x104: {  	[sflag:s13] =	ssyncset.done $0x0  }
0x105: {  	[sflag:s13] =	ssyncadd.s32 $0xFFFFFF80  }
0x106: {  	_ =	swait.ge [sflag:s14], $0x80  }
0x107: {  	[sflag:s14] =	ssyncset.done $0x0  }
0x108: {  	[sflag:s14] =	ssyncadd.s32 $0xFFFFFF80  }
0x109: {  	_ =	swait.ge [sflag:s13], $0x80  }
0x10a: {  	[sflag:s13] =	ssyncset.done $0x0  }
0x10b: {  	[sflag:s13] =	ssyncadd.s32 $0xFFFFFF80  }
0x10c: {  	_ =	swait.ge [sflag:s14], $0x80  }
0x10d: {  	[sflag:s14] =	ssyncset.done $0x0  }
0x10e: {  	[sflag:s14] =	ssyncadd.s32 $0xFFFFFF80  }
0x10f: {  	v0 =	vld [tilespmem:$0x400]  }
0x110: {  	v1 =	vld [tilespmem:$0xC00]  }
0x111: {  	v2 =	vld [tilespmem:$0x410]  }
0x112: {  	v3 =	vld [tilespmem:$0xC10]  }
0x113: {  	v4 =	vld [tilespmem:$0x420]  }
0x114: {  	v5 =	vld [tilespmem:$0xC20]  }
0x115: {  	v6 =	vld [tilespmem:$0x430]  }
0x116: {  	v62 =	vld [tilespmem:$0xC30]  }
0x117: {  	v8 =	vld [tilespmem:$0x480]  }
0x118: {  	v9 =	vld [tilespmem:$0xC80]  }
0x119: {  	v10 =	vld [tilespmem:$0x490]  }
0x11a: {  	v11 =	vld [tilespmem:$0xC90]  }
0x11b: {  	v22 =	vld [tilespmem:$0x4A0]  }
0x11c: {  	v13 =	vld [tilespmem:$0xCA0]  }
0x11d: {  	v23 =	vld [tilespmem:$0x4B0]  }
0x11e: {  	v15 =	vld [tilespmem:$0xCB0]  }
0x11f: {  	v16 =	vld [tilespmem:$0x500]  }
0x120: {  	v17 =	vld [tilespmem:$0xD00]  }
0x121: {  	v18 =	vld [tilespmem:$0x510]  }
0x122: {  	v19 =	vld [tilespmem:$0xD10]  }
0x123: {  	v20 =	vld [tilespmem:$0x520]  }
0x124: {  	v21 =	vld [tilespmem:$0xD20]  }
0x125: {  	v38 =	vld [tilespmem:$0x530]  }
0x126: {  	v30 =	vld [tilespmem:$0xD30]  }
0x127: {  	v24 =	vld [tilespmem:$0x580]  }
0x128: {  	v25 =	vld [tilespmem:$0xD80]  }
0x129: {  	v26 =	vld [tilespmem:$0x590]  }
0x12a: {  	v27 =	vld [tilespmem:$0xD90]  }
0x12b: {  	v28 =	vld [tilespmem:$0x5A0]  }
0x12c: {  	v29 =	vld [tilespmem:$0xDA0]  }
0x12d: {  	v53 =	vld [tilespmem:$0x5B0]  }
0x12e: {  	v54 =	vld [tilespmem:$0xDB0]  }
0x12f: {  	v32 =	vld [tilespmem:$0x600]  }
0x130: {  	v33 =	vld [tilespmem:$0xE00]  }
0x131: {  	v34 =	vld [tilespmem:$0x610]  }
0x132: {  	v35 =	vld [tilespmem:$0xE10]  }
0x133: {  	v55 =	vld [tilespmem:$0x620]  }
0x134: {  	v52 =	vld [tilespmem:$0xE20]  }
0x135: {  	v56 =	vld [tilespmem:$0x630]  }
0x136: {  	v60 =	vld [tilespmem:$0xE30]  }
0x137: {  	v40 =	vld [tilespmem:$0x680]  }
0x138: {  	v41 =	vld [tilespmem:$0xE80]  }
0x139: {  	v42 =	vld [tilespmem:$0x690]  }
0x13a: {  	v43 =	vld [tilespmem:$0xE90]  }
0x13b: {  	v44 =	vld [tilespmem:$0x6A0]  }
0x13c: {  	v45 =	vld [tilespmem:$0xEA0]  }
0x13d: {  	v57 =	vld [tilespmem:$0x6B0]  }
0x13e: {  	v58 =	vld [tilespmem:$0xEB0]  }
0x13f: {  	v48 =	vld [tilespmem:$0x700]  }
0x140: {  	v49 =	vld [tilespmem:$0xF00]  }
0x141: {  	v50 =	vld [tilespmem:$0x710]  }
0x142: {  	v51 =	vld [tilespmem:$0xF10]  }
0x143: {  	v59 =	vld [tilespmem:$0x720]  }
0x144: {  	v61 =	vld [tilespmem:$0x730]  }
0x145: {  	v63 =	vld [tilespmem:$0xF30]  }
0x146: {  	v12 =	vld [tilespmem:$0x7A0]  }
0x147: {  	v14 =	vld [tilespmem:$0xFA0]  }
0x148: {  	v31 =	vld [tilespmem:$0x7B0]  }
0x149: {  	v36 =	vld [tilespmem:$0xFB0]  }
0x14a: {  	v7 =	vld [tilespmem:$0x810]  }
0x14b: {  	v37 =	vld [tilespmem:$0x830]  }
0x14c: {  	v39 =	vld [tilespmem:$0x1030]  }
0x14d: {  	v47 =	vld [tilespmem:$0x1080]  }
0x14e: {  	v46 =	vld [tilespmem:$0x10A0]  }
0x14f: {  	[tilespmem:$0x1FE30] =	vst v53;
	v53 =	vld [tilespmem:$0xF20]  }
0x150: {  	[tilespmem:$0x1FE60] =	vst v56;
	v56 =	vld [tilespmem:$0x780]  }
0x151: {  	[tilespmem:$0x1FE70] =	vst v57;
	v57 =	vld [tilespmem:$0xF80]  }
0x152: {  	[tilespmem:$0x1FE80] =	vst v58;
	v58 =	vld [tilespmem:$0x790]  }
0x153: {  	[tilespmem:$0x1FE90] =	vst v59;
	v59 =	vld [tilespmem:$0xF90]  }
0x154: {  	[tilespmem:$0x1FED0] =	vst v14;
	v14 =	vld [tilespmem:$0x800]  }
0x155: {  	[tilespmem:$0x1FEC0] =	vst v12;
	v12 =	vld [tilespmem:$0x1000]  }
0x156: {  	[tilespmem:$0x1FE20] =	vst v6;
	v6 =	vld [tilespmem:$0x1010]  }
0x157: {  	[tilespmem:$0x1FEE0] =	vst v31;
	v31 =	vld [tilespmem:$0x820]  }
0x158: {  	[tilespmem:$0x1FE40] =	vst v54;
	v54 =	vld [tilespmem:$0x1020]  }
0x159: {  	[tilespmem:$0x1FEA0] =	vst v61;
	v61 =	vld [tilespmem:$0x880]  }
0x15a: {  	[tilespmem:$0x1FF10] =	vst v37;
	v37 =	vld [tilespmem:$0x890]  }
0x15b: {  	[tilespmem:$0x1FEF0] =	vst v36;
	v36 =	vld [tilespmem:$0x8A0]  }
0x15c: {  	[tilespmem:$0x1FE50] =	vst v55;
	v55 =	vld [tilespmem:$0x8B0]  }
0x15d: {  	[tilespmem:$0x1FEB0] =	vst v63;
	v63 =	vld [tilespmem:$0x10B0]  }
0x15e: {  	[tilespmem:$0x1FF40] =	vst v46;
	v46 =	vld [tilespmem:$0x900]  }
0x15f: {  	[tilespmem:$0x1FF20] =	vst v39;
	v39 =	vld [tilespmem:$0x1180]  }
0x160: {  	v0 =	vmul.f32 v1, v0;
	v22 =	vmul.f32 v13, v22;
	v13 =	vld [tilespmem:$0xA10]  }
0x161: {  	v1 =	vmul.f32 v17, v16;
	v15 =	vmul.f32 v15, v23;
	v17 =	vld [tilespmem:$0x1210]  }
0x162: {  	v23 =	vmul.f32 v21, v20;
	v26 =	vmul.f32 v27, v26;
	v21 =	vld [tilespmem:$0x1230]  }
0x163: {  	v27 =	vmul.f32 v30, v38;
	v30 =	vmul.f32 v29, v28;
	v29 =	vld [tilespmem:$0x1290]  }
0x164: {  	v28 =	vld [tilespmem:$0x12A0]  }
0x165: {  	v38 =	vmul.f32 v41, v40;
	v41 =	vld [tilespmem:$0x1FE30]  }
0x166: {  	v40 =	vmul.f32 v43, v42;
	v42 =	vld [tilespmem:$0x1FE40]  }
0x167: {  	v43 =	vld [tilespmem:$0x1FE50]  }
0x168: {  	v35 =	vmul.f32 v35, v34;
	v34 =	vld [tilespmem:$0x1FE80]  }
0x169: {  	v33 =	vmul.f32 v33, v32;
	v32 =	vmul.f32 v51, v50;
	v51 =	vld [tilespmem:$0x1FF10]  }
0x16a: {  	[tilespmem:$0x1FF00] =	vst v31;
	v31 =	vld [tilespmem:$0x1090]  }
0x16b: {  	[tilespmem:$0x1FF90] =	vst v55;
	v55 =	vld [tilespmem:$0x1100]  }
0x16c: {  	[tilespmem:$0x1FFA0] =	vst v63;
	v63 =	vld [tilespmem:$0x910]  }
0x16d: {  	[tilespmem:$0x1FF50] =	vst v46;
	v46 =	vld [tilespmem:$0x1110]  }
0x16e: {  	[tilespmem:$0x1FF30] =	vst v36;
	v36 =	vld [tilespmem:$0x1190]  }
0x16f: {  	v6 =	vmul.f32 v6, v7;
	v7 =	vld [tilespmem:$0x12B0]  }
0x170: {  	v20 =	vmul.f32 v52, v43;
	v52 =	vld [tilespmem:$0x1FE60]  }
0x171: {  	[tilespmem:$0x1FF60] =	vst v55;
	v55 =	vld [tilespmem:$0x920]  }
0x172: {  	[tilespmem:$0x1FF70] =	vst v63;
	v63 =	vld [tilespmem:$0x1120]  }
0x173: {  	v25 =	vmul.f32 v25, v24;
	v24 =	vmul.f32 v42, v41;
	v41 =	vld [tilespmem:$0x1FEA0]  }
0x174: {  	[tilespmem:$0x1FF80] =	vst v46;
	v46 =	vld [tilespmem:$0x930]  }
0x175: {  	v42 =	vld [tilespmem:$0x1FEB0]  }
0x176: {  	[tilespmem:$0x1FFB0] =	vst v55;
	v55 =	vld [tilespmem:$0x1130]  }
0x177: {  	[tilespmem:$0x1FFC0] =	vst v63;
	v63 =	vld [tilespmem:$0x9A0]  }
0x178: {  	v43 =	vld [tilespmem:$0x1FEC0]  }
0x179: {  	[tilespmem:$0x1FFD0] =	vst v46;
	v46 =	vld [tilespmem:$0x990]  }
0x17a: {  	v50 =	vmul.f32 v47, v61;
	v61 =	vld [tilespmem:$0x1FF90]  }
0x17b: {  	[tilespmem:$0x1FFE0] =	vst v55;
	v55 =	vld [tilespmem:$0x980]  }
0x17c: {  	[tilespmem:$0x1FFF0] =	vst v63;
	v63 =	vmul.f32 v3, v2;
	v2 =	vld [tilespmem:$0x11A0]  }
0x17d: {  	v3 =	vld [tilespmem:$0x9B0]  }
0x17e: {  	v36 =	vmul.f32 v36, v46;
	v46 =	vld [tilespmem:$0x1FFD0]  }
0x17f: {  	v47 =	vld [tilespmem:$0x1FFE0]  }
0x180: {  	v0 =	vadd.f32 v63, v0;
	v63 =	vmul.f32 v5, v4;
	v4 =	vld [tilespmem:$0x11B0]  }
0x181: {  	v5 =	vmul.f32 v9, v8;
	v9 =	vld [tilespmem:$0xA00]  }
0x182: {  	v8 =	vmul.f32 v11, v10;
	v11 =	vld [tilespmem:$0x1200]  }
0x183: {  	v10 =	vmul.f32 v19, v18;
	v19 =	vld [tilespmem:$0xA20]  }
0x184: {  	v18 =	vld [tilespmem:$0xA30]  }
0x185: {  	v0 =	vadd.f32 v63, v0;
	v63 =	vld [tilespmem:$0x1FE20]  }
0x186: {  	v5 =	vadd.f32 v8, v5;
	v8 =	vadd.f32 v26, v25;
	v25 =	vld [tilespmem:$0x1280]  }
0x187: {  	v1 =	vadd.f32 v10, v1;
	v10 =	vadd.f32 v35, v33;
	v33 =	vld [tilespmem:$0x1FE70]  }
0x188: {  	v35 =	vld [tilespmem:$0x1FE90]  }
0x189: {  	v26 =	vmul.f32 v60, v52;
	v52 =	vld [tilespmem:$0x1FF20]  }
0x18a: {  	v60 =	vmul.f32 v39, v55;
	v39 =	vld [tilespmem:$0xB30]  }
0x18b: {  	v1 =	vadd.f32 v23, v1;
	v23 =	vld [tilespmem:$0xA80]  }
0x18c: {  	v8 =	vadd.f32 v30, v8;
	v30 =	vld [tilespmem:$0xB00]  }
0x18d: {  	v5 =	vadd.f32 v22, v5;
	v1 =	vadd.f32 v27, v1;
	v27 =	vld [tilespmem:$0xA90]  }
0x18e: {  	v8 =	vadd.f32 v24, v8;
	v24 =	vld [tilespmem:$0xAA0]  }
0x18f: {  	v5 =	vadd.f32 v15, v5;
	v15 =	vadd.f32 v40, v38;
	v38 =	vmul.f32 v57, v56;
	v56 =	vld [tilespmem:$0x1FF50]  }
0x190: {  	v57 =	vld [tilespmem:$0x1FF60]  }
0x191: {  	v40 =	vmul.f32 v59, v58;
	v58 =	vld [tilespmem:$0x1FF70]  }
0x192: {  	v59 =	vld [tilespmem:$0x1FF80]  }
0x193: {  	v16 =	vmul.f32 v62, v63;
	v62 =	vmul.f32 v45, v44;
	v44 =	vld [tilespmem:$0x1FED0]  }
0x194: {  	v45 =	vld [tilespmem:$0x1FEE0]  }
0x195: {  	v63 =	vmul.f32 v49, v48;
	v48 =	vld [tilespmem:$0x1FEF0]  }
0x196: {  	v10 =	vadd.f32 v20, v10;
	v49 =	vld [tilespmem:$0x1FF00]  }
0x197: {  	v22 =	vmul.f32 v34, v33;
	v34 =	vld [tilespmem:$0x1300]  }
0x198: {  	v10 =	vadd.f32 v26, v10;
	v26 =	vmul.f32 v53, v35;
	v35 =	vld [tilespmem:$0xB10]  }
0x199: {  	v53 =	vld [tilespmem:$0x1FF30]  }
0x19a: {  	v0 =	vadd.f32 v16, v0;
	v16 =	vld [tilespmem:$0x1220]  }
0x19b: {  	v20 =	vadd.f32 v32, v63;
	v32 =	vld [tilespmem:$0xAB0]  }
0x19c: {  	v12 =	vmul.f32 v12, v14;
	v31 =	vmul.f32 v31, v37;
	v15 =	vadd.f32 v62, v15;
	v62 =	vld [tilespmem:$0x1FFA0]  }
0x19d: {  	v14 =	vmul.f32 v42, v41;
	v9 =	vmul.f32 v11, v9;
	v63 =	vld [tilespmem:$0x1FFB0]  }
0x19e: {  	v3 =	vmul.f32 v4, v3;
	v15 =	vadd.f32 v22, v15;
	v22 =	vadd.f32 v40, v38;
	v38 =	vld [tilespmem:$0x1320]  }
0x19f: {  	v6 =	vadd.f32 v6, v12;
	v37 =	vmul.f32 v59, v58;
	v58 =	vmul.f32 v29, v27;
	v59 =	vld [tilespmem:$0xBA0]  }
0x1a0: {  	v20 =	vadd.f32 v26, v20;
	(xrf2) =	vadd.scan.msk.f32 $0xffff, v0;
	v26 =	vmul.f32 v44, v43;
	v12 =	vmul.f32 v54, v49;
	v54 =	vld [tilespmem:$0x1FF40]  }
0x1a1: {  	v33 =	vmul.f32 v48, v45;
	(xrf2) =	vadd.scan.msk.f32 $0xffff, v5;
	v5 =	vmul.f32 v47, v46;
	v48 =	vld [tilespmem:$0x1FFF0]  }
0x1a2: {  	v44 =	vld [tilespmem:$0x1FFC0];
	v14 =	vadd.f32 v14, v20;
	v6 =	vadd.f32 v12, v6;
	v12 =	vmul.f32 v52, v51  }
0x1a3: {  	v20 =	vld [tilespmem:$0x1310];
	v22 =	vadd.f32 v26, v22;
	v26 =	vadd.f32 v31, v50;
	v0 =	vmul.f32 v62, v61  }
0x1a4: {  	v49 =	vld [tilespmem:$0xB80];
	v51 =	vmul.f32 v17, v13;
	v6 =	vadd.f32 v12, v6;
	v12 =	vmul.f32 v57, v56  }
0x1a5: {  	v52 =	vld [tilespmem:$0x1380];
	v55 =	vmul.f32 v16, v19;
	v22 =	vadd.f32 v33, v22;
	v31 =	vmul.f32 v54, v53  }
0x1a6: {  	(xrf2) =	vadd.scan.msk.f32 $0xffff, v1;
	v33 =	vld [tilespmem:$0xB20];
	v57 =	vmul.f32 v25, v23;
	v2 =	vmul.f32 v2, v48;
	v12 =	vadd.f32 v37, v12  }
0x1a7: {  	(xrf2) =	vadd.scan.msk.f32 $0xffff, v8;
	v56 =	vld [tilespmem:$0x1390];
	v37 =	vmul.f32 v44, v63;
	v26 =	vadd.f32 v31, v26;
	v31 =	vadd.f32 v36, v60  }
0x1a8: {  	(xrf2) =	vadd.scan.msk.f32 $0xffff, v10;
	v53 =	vld [tilespmem:$0xB90];
	v54 =	vadd.f32 v51, v9;
	v61 =	vmul.f32 v20, v35;
	v60 =	vmul.f32 v34, v30  }
0x1a9: {  	v45 =	vld [tilespmem:$0x1330];
	(xrf2) =	vadd.scan.msk.f32 $0xffff, v15;
	v63 =	vmul.f32 v21, v18;
	v50 =	vadd.f32 v37, v12;
	v2 =	vadd.f32 v2, v31  }
0x1aa: {  	v62 =	vld [tilespmem:$0x13A0];
	(xrf2) =	vadd.scan.msk.f32 $0xffff, v14;
	v20 =	vmul.f32 v28, v24;
	v0 =	vadd.f32 v0, v26;
	v23 =	vadd.f32 v61, v60  }
0x1ab: {  	v25 =	vld [tilespmem:$0x13B0];
	(xrf2) =	vadd.scan.msk.f32 $0xffff, v22;
	v22 =	vmul.f32 v7, v32;
	v2 =	vadd.f32 v3, v2;
	v3 =	vadd.f32 v58, v57  }
0x1ac: {  	v21 =	vld [tilespmem:$0xBB0];
	(xrf2) =	vadd.scan.msk.f32 $0xffff, v6;
	v24 =	vmul.f32 v38, v33;
	v1 =	vadd.f32 v5, v50;
	v5 =	vadd.f32 v55, v54  }
0x1ad: {  	v27 =	vmul.f32 v52, v49;
	v4 =	vmul.f32 v56, v53;
	(xrf2) =	vadd.scan.msk.f32 $0xffff, v0;
	v26 =	vadd.f32 v20, v3  }
0x1ae: {  	v28, _, _ =	vpop (xrf2);
	v31 =	vmul.f32 v45, v39;
	v30 =	vadd.f32 v24, v23;
	(xrf2) =	vadd.scan.msk.f32 $0xffff, v1;
	v29 =	vadd.f32 v63, v5  }
0x1af: {  	v34 =	vmul.f32 v62, v59;
	v32, _, _ =	vpop (xrf2);
	v33 =	vadd.f32 v4, v27;
	(xrf2) =	vadd.scan.msk.f32 $0xffff, v2;
	v0 =	vadd.f32 v22, v26  }
0x1b0: {  	v36 =	vbroadcast v28, $0xF;
	v35, _, _ =	vpop (xrf2);
	v37 =	vbroadcast v32, $0xF;
	v5 =	vadd.f32 v31, v30;
	(xrf2) =	vadd.scan.msk.f32 $0xffff, v29  }
0x1b1: {  	v40 =	vmul.f32 v25, v21;
	v38, _, _ =	vpop (xrf2);
	v41 =	vbroadcast v35, $0xF;
	v39 =	vadd.f32 v34, v33;
	(xrf2) =	vadd.scan.msk.f32 $0xffff, v0  }
0x1b2: {  	v1 =	vsel vm0, v36, v37;
	v42 =	vbroadcast v38, $0xF;
	v43, _, _ =	vpop (xrf2);
	(xrf2) =	vadd.scan.msk.f32 $0xffff, v5  }
0x1b3: {  	v44, _, _ =	vpop (xrf2);
	v1 =	vsel vm1, v1, v41;
	v45 =	vbroadcast v43, $0xF;
	v0 =	vadd.f32 v40, v39  }
0x1b4: {  	v46, _, _ =	vpop (xrf2);
	v1 =	vsel vm2, v1, v42;
	v47 =	vbroadcast v44, $0xF  }
0x1b5: {  	v1 =	vsel vm3, v1, v45;
	v2 =	vbroadcast v46, $0xF;
	v48, _, _ =	vpop (xrf2);
	(xrf2) =	vadd.scan.msk.f32 $0xffff, v0  }
0x1b6: {  	v49, _, _ =	vpop (xrf2);
	v1 =	vsel vm4, v1, v47;
	v3 =	vbroadcast v48, $0xF  }
0x1b7: {  	v1 =	vsel vm5, v1, v2;
	v0 =	vbroadcast v49, $0xF;
	v50, _, _ =	vpop (xrf2)  }
0x1b8: {  	v1 =	vsel vm6, v1, v3;
	v51, _, _ =	vpop (xrf2);
	v52 =	vbroadcast v50, $0xF  }
0x1b9: {  	v0 =	vsel vm7, v1, v0;
	v53, _, _ =	vpop (xrf2);
	v54 =	vbroadcast v51, $0xF  }
0x1ba: {  	v55, _, _ =	vpop (xrf2);
	v0 =	vsel vm8, v0, v52;
	v56 =	vbroadcast v53, $0xF  }
0x1bb: {  	v0 =	vsel vm9, v0, v54;
	v58 =	vbroadcast v55, $0xF;
	v57, _, _ =	vpop (xrf2)  }
0x1bc: {  	v61 =	vld [tilespmem:s18+$0x1400];
	v0 =	vsel vm10, v0, v56;
	v59, _, _ =	vpop (xrf2);
	v60 =	vbroadcast v57, $0xF  }
0x1bd: {  	v0 =	vsel vm11, v0, v58;
	v62 =	vbroadcast v59, $0xF  }
0x1be: {  	v0 =	vsel vm12, v0, v60  }
0x1bf: {  	v63, _, _ =	vpop (xrf2);
	v0 =	vsel vm13, v0, v62  }
0x1c0: {  	v0 =	vsel vm14, v0, v63  }
0x1c1: {  	v0 =	vadd.f32 v0, v61;
	_ =	sdelay $0x1  }
0x1c2: {  	v0 =	vsub.f32 $0.0e+00, v0;
	_ =	sdelay $0x1  }
0x1c3: {  	v0 =	vmul.f32 $1.442695020e+00, v0;
	_ =	sdelay $0x1  }
0x1c4: {  	(erf) = vpow2.f32 v0;
	_ =	sdelay $0x8  }
0x1c5: {  	v0 =	vpop (erf)  }
0x1c6: {  	v0 =	vadd.f32 $1.000000000e+00, v0;
	_ =	sdelay $0x1  }
0x1c7: {  	(erf) = vrcp.f32 v0;
	_ =	sdelay $0x6  }
0x1c8: {  	p0 =	sne.s32 s17, $0x7C0  }
.Ltmp0:
0x1c9: {  	_ = 	snop;
	(pc) =	sbr.rel @p0 .LBB2_2-.Ltmp0, $3  }
0x1ca: {  	v0 =	vpop (erf)  }
0x1cb: {  	v0 =	vmul.f32 $5.000000000e+00, v0;
	_ =	sdelay $0x1  }
0x1cc: {  	s17 =	sadd.s32 $0x40, s17;
	[tilespmem:s18+$0x1600] =	vst v0  }
0x1cd: {  	s16 =	sadd.s32 $0x1, s16  }
0x1ce: {  	p0 =	sne.s32 s16, s9  }
.Ltmp1:
0x1cf: {  	_ = 	snop;
	(pc) =	sbr.rel @p0 .LBB2_1-.Ltmp1, $4  }
0x1d0: {  	[hbm4b:s8+s1] =	stream.linear.scatter [tilespmem:s15], [sflag:$0x3], $0x200, $0x38;
	[tilespmem:$0x1800] =	vst v63  }
0x1d1: {  	_ =	swait.ge [sflag:s10], $0x200  }
0x1d2: {  	[sflag:s10] =	ssyncset.done $0x0  }
0x1d3: {  	[sflag:s10] =	ssyncadd.s32 $0xFFFFFE00  }
0x1d4: {  	_ =	sfence.sel $0x180000  }
0x1d5: {  	[bflag:$0x0] =	sbarrier.arrive $0xFFFF  }
0x1d6: {  	p0 =	sne.s32 s4, $0x0;
	_ =	strace $0x9000004A  }
0x1d7: {  	s0 =	sadd.s32 @!p0 $0x100000, s0;
	[bflag:$0x2] =	sbarrier.arrive $0xFFFF  }
0x1d8: {  	[sflag:s0] =	ssyncadd.tile.s32 @!p0 $0x1;
	_ =	shalt  }
.Lfunc_end2:
_tile_overlayer_lowered:
.L_overlay_start_2:
0x1d9: {  	(tag) =	ssettag $0x2  }
0x1da: {  	s0 =	rddreg [dreg:$0x0];
	s2 =	stileid.u32  }
0x1db: {  	s1 =	rddreg [dreg:$0x1];
	p0 =	sne.s32 s2, $0x0  }
0x1dc: {  	s3 =	rddreg [dreg:$0x2];
	[bflag:$0x3] =	sbarrier.arrive $0xFFFF;
	s2 =	simm.s32 @!p0 $0x1C03  }
0x1dd: {  	[timem:s3], [sflag:s2] =	dma.local @!p0 [hbm:s0], s1  }
0x1de: {  	s0 =	simm.s32 @!p0 $0x3  }
0x1df: {  	_ =	swait.ge @!p0 [sflag:s0], s1  }
0x1e0: {  	s1 =	ssub.s32 @!p0 $0x0, s1;
	[sflag:s0] =	ssyncset.done @!p0 $0x0  }
0x1e1: {  	[sflag:s0] =	ssyncadd.s32 @!p0 s1  }
0x1e2: {  	[bflag:$0x3] =	sbarrier.arrive $0xFFFF  }
0x1e3: {  	_ =	shalt  }

</sc_bundles>
